<compile_context>
chip_gen: v7x
topology: tpu7x:2x2x1
jax: 0.10.2.dev20260603
libtpu: 0.0.44.dev20260713+nightly
codegen_flags: <defaults>
</compile_context>

<pallas_src>
import functools
import jax
import jax.numpy as jnp
from jax import lax
from jax.experimental import pallas as pl
from jax.experimental.pallas import tpu as pltpu
from jax.experimental.pallas import tpu_sc as plsc

_WIN = 8


def _mr_aggregate_sc(x_rows, i_src, i_dst, K):
    _, C = x_rows.shape
    nblk = i_src.shape[0]
    S_pad = nblk * _WIN
    NV = C // 16
    GR = _WIN * K
    NI = GR // 128
    mesh = plsc.VectorSubcoreMesh(
        core_axis_name="c", subcore_axis_name="s", num_cores=2, num_subcores=16
    )

    @functools.partial(
        pl.kernel,
        out_type=jax.ShapeDtypeStruct((S_pad, C), jnp.float32),
        mesh=mesh,
        scratch_types=[
            pltpu.VMEM((GR, C), jnp.float32),
            pltpu.VMEM((GR, C), jnp.float32),
            pltpu.SemaphoreType.DMA,
            pltpu.SemaphoreType.DMA,
        ],
    )
    def sc_kernel(x_hbm, isrc_hbm, idst_hbm, o_hbm, xj_v, xi_v, semj, semi):
        def body(isrc_vmem, idst_vmem, o_vmem):
            copies = []
            for q in range(NI):
                sl = pl.ds(q * 128, 128)
                copies.append(pltpu.async_copy(
                    x_hbm.at[isrc_vmem.at[0, 0, sl]],
                    xj_v.at[pl.ds(q * 128, 128)], semj))
                copies.append(pltpu.async_copy(
                    x_hbm.at[idst_vmem.at[0, 0, sl]],
                    xi_v.at[pl.ds(q * 128, 128)], semi))
            for cp in copies:
                cp.wait()

            @pl.loop(0, _WIN)
            def _(m):
                rb = m * K
                for v in range(NV):
                    sl = pl.ds(v * 16, 16)
                    acc = xj_v[rb, sl] - xi_v[rb, sl]
                    for kk in range(1, K):
                        acc = jnp.maximum(
                            acc, xj_v[rb + kk, sl] - xi_v[rb + kk, sl]
                        )
                    o_vmem[m, sl] = acc

        pltpu.emit_pipeline(
            body,
            grid=(nblk,),
            in_specs=[
                pl.BlockSpec((1, 1, GR), lambda i: (i, 0, 0)),
                pl.BlockSpec((1, 1, GR), lambda i: (i, 0, 0)),
            ],
            out_specs=[pl.BlockSpec((_WIN, C), lambda i: (i, 0))],
            core_axis_name=("c", "s"),
            dimension_semantics=(pltpu.PARALLEL,),
        )(isrc_hbm, idst_hbm, o_hbm)

    return sc_kernel(x_rows, i_src, i_dst)


def _to_rows_tc(xt):
    B, C, N = xt.shape

    def body(x_ref, o_ref):
        o_ref[0] = jnp.transpose(x_ref[0], (1, 0))

    rows = pl.pallas_call(
        body,
        grid=(B,),
        in_specs=[pl.BlockSpec((1, C, N), lambda b: (b, 0, 0))],
        out_specs=pl.BlockSpec((1, N, C), lambda b: (b, 0, 0)),
        out_shape=jax.ShapeDtypeStruct((B, N, C), jnp.float32),
    )(xt)
    return rows.reshape(B * N, C)


def _conv_stats_tc(xt, xm_rows, Wg, b2, BN):
    B, C, N = xt.shape
    G, opg, cpg = Wg.shape
    out_ch = G * opg
    NB = N // BN

    def body(x_ref, xm_ref, w_ref, b_ref, y_ref, s_ref):
        step = pl.program_id(0) * pl.num_programs(1) + pl.program_id(1)
        xblk = x_ref[0]
        xmblk = xm_ref[...]
        parts = []
        for g in range(G):
            w = w_ref[g]
            if g * cpg < C:
                h = xblk[g * cpg:(g + 1) * cpg, :]
                yg = lax.dot_general(
                    w, h, (((1,), (0,)), ((), ())),
                    preferred_element_type=jnp.float32,
                    precision=lax.Precision.HIGHEST,
                )
            else:
                c0 = g * cpg - C
                h = xmblk[:, c0:c0 + cpg]
                yg = lax.dot_general(
                    w, h, (((1,), (1,)), ((), ())),
                    preferred_element_type=jnp.float32,
                    precision=lax.Precision.HIGHEST,
                )
            parts.append(yg)
        y = jnp.concatenate(parts, axis=0) + b_ref[...]
        y_ref[0] = y

        @pl.when(step == 0)
        def _():
            s_ref[...] = jnp.zeros_like(s_ref)

        s_ref[:, 0:1] += jnp.sum(y, axis=1, keepdims=True)
        s_ref[:, 1:2] += jnp.sum(y * y, axis=1, keepdims=True)

    return pl.pallas_call(
        body,
        grid=(B, NB),
        in_specs=[
            pl.BlockSpec((1, C, BN), lambda bi, ni: (bi, 0, ni)),
            pl.BlockSpec((BN, C), lambda bi, ni: (bi * (N // BN) + ni, 0)),
            pl.BlockSpec((G, opg, cpg), lambda bi, ni: (0, 0, 0)),
            pl.BlockSpec((out_ch, 1), lambda bi, ni: (0, 0)),
        ],
        out_specs=[
            pl.BlockSpec((1, out_ch, BN), lambda bi, ni: (bi, 0, ni)),
            pl.BlockSpec((out_ch, 2), lambda bi, ni: (0, 0)),
        ],
        out_shape=[
            jax.ShapeDtypeStruct((B, out_ch, N), jnp.float32),
            jax.ShapeDtypeStruct((out_ch, 2), jnp.float32),
        ],
    )(xt, xm_rows, Wg, b2)


def _bn_gelu_tc(y, sums, g2, be2, BN):
    B, out_ch, N = y.shape
    NB = N // BN
    count = float(B * N)

    def body(y_ref, s_ref, g_ref, be_ref, o_ref):
        mean = s_ref[:, 0:1] * (1.0 / count)
        var = s_ref[:, 1:2] * (1.0 / count) - mean * mean
        inv = lax.rsqrt(var + 1e-5)
        scale = g_ref[...] * inv
        shift = be_ref[...] - mean * scale
        z = y_ref[0] * scale + shift
        o_ref[0] = 0.5 * z * (1.0 + lax.erf(z * 0.7071067811865475))

    return pl.pallas_call(
        body,
        grid=(B, NB),
        in_specs=[
            pl.BlockSpec((1, out_ch, BN), lambda bi, ni: (bi, 0, ni)),
            pl.BlockSpec((out_ch, 2), lambda bi, ni: (0, 0)),
            pl.BlockSpec((out_ch, 1), lambda bi, ni: (0, 0)),
            pl.BlockSpec((out_ch, 1), lambda bi, ni: (0, 0)),
        ],
        out_specs=pl.BlockSpec((1, out_ch, BN), lambda bi, ni: (bi, 0, ni)),
        out_shape=jax.ShapeDtypeStruct((B, out_ch, N), jnp.float32),
    )(y, sums, g2, be2)


@jax.jit
def kernel(x, edge_index, W, b, gamma, beta):
    B, C, N, _ = x.shape
    K = edge_index.shape[-1]
    S = B * N
    out_ch = W.shape[0]
    G = 4
    cpg = (2 * C) // G
    opg = out_ch // G

    xt = x[:, :, :, 0]
    x_rows = _to_rows_tc(xt)
    offs = (jnp.arange(B, dtype=jnp.int32) * N)[None, :, None, None]
    eg = edge_index + offs

    S_pad = ((S + 32 * _WIN - 1) // (32 * _WIN)) * (32 * _WIN)
    npad = S_pad - S
    pad = jnp.zeros((npad * K,), dtype=jnp.int32)
    i_src = jnp.concatenate([eg[0].reshape(S * K), pad]).reshape(-1, 1, _WIN * K)
    i_dst = jnp.concatenate([eg[1].reshape(S * K), pad]).reshape(-1, 1, _WIN * K)

    xmax_rows = _mr_aggregate_sc(x_rows, i_src, i_dst, K)

    Wg = W[:, :, 0, 0].reshape(G, opg, cpg)
    BN = N
    y, sums = _conv_stats_tc(xt, xmax_rows, Wg, b.reshape(out_ch, 1), BN)
    out = _bn_gelu_tc(y, sums, gamma.reshape(out_ch, 1),
                      beta.reshape(out_ch, 1), BN)
    return out.reshape(B, out_ch, N, 1)

# --- scband reference (transcript-rebuilt; emitter-appended) ---
"""Pipeline reference for scband-mrconv2d-34368328302638 (READ-ONLY COPY).

The authoritative reference and input builder live on the scoring server;
editing this copy changes nothing except your own understanding.
"""

import jax, jax.numpy as jnp
import numpy as np


def batched_index_select(x, idx):
    # x: (B, C, N, 1), idx: (B, N, k) -> (B, C, N, k)
    B, C, N, _ = x.shape
    k = idx.shape[-1]
    xt = x[:, :, :, 0]  # (B, C, N)
    idxb = jnp.broadcast_to(idx.reshape(B, 1, N * k), (B, C, N * k))
    feat = jnp.take_along_axis(xt, idxb, axis=2)
    return feat.reshape(B, C, N, k)


def setup_inputs(seed: int = 0) -> dict:
    key = jax.random.key(seed)
    k1, k2, k3, k4 = jax.random.split(key, 4)
    B, C, N, K = 2, 128, 10000, 16
    out_ch = 128
    x = jax.random.normal(k1, (B, C, N, 1), dtype=jnp.float32)
    edge_index = jax.random.randint(k2, (2, B, N, K), 0, N, dtype=jnp.int32)
    # Conv2d(in_ch*2=256, out_ch=128, kernel=1, groups=4): weight (128, 64, 1, 1)
    W = jax.random.normal(k3, (out_ch, (2 * C) // 4, 1, 1), dtype=jnp.float32) * 0.05
    b = jax.random.normal(k4, (out_ch,), dtype=jnp.float32) * 0.05
    gamma = jnp.ones((out_ch,), dtype=jnp.float32)
    beta = jnp.zeros((out_ch,), dtype=jnp.float32)
    return {"x": x, "edge_index": edge_index, "W": W, "b": b, "gamma": gamma, "beta": beta}


def reference(x, edge_index, W, b, gamma, beta):
    B, C, N, _ = x.shape
    groups = 4
    out_ch = W.shape[0]
    # max-relative aggregation
    x_i = batched_index_select(x, edge_index[1])
    x_j = batched_index_select(x, edge_index[0])
    x_j = jnp.max(x_j - x_i, axis=-1, keepdims=True)  # (B, C, N, 1)
    h = jnp.concatenate([x, x_j], axis=1)  # (B, 2C, N, 1)
    # grouped 1x1 conv
    cin = 2 * C
    cpg = cin // groups
    opg = out_ch // groups
    hg = h[:, :, :, 0].reshape(B, groups, cpg, N)
    Wg = W[:, :, 0, 0].reshape(groups, opg, cpg)
    out = jnp.einsum('bgcn,goc->bgon', hg, Wg).reshape(B, out_ch, N, 1)
    out = out + b.reshape(1, -1, 1, 1)
    # BatchNorm2d (training mode: batch statistics, biased variance, eps=1e-5)
    mean = jnp.mean(out, axis=(0, 2, 3), keepdims=True)
    var = jnp.var(out, axis=(0, 2, 3), keepdims=True)
    outn = (out - mean) / jnp.sqrt(var + 1e-5)
    outn = outn * gamma.reshape(1, -1, 1, 1) + beta.reshape(1, -1, 1, 1)
    # exact GELU
    return 0.5 * outn * (1.0 + jax.scipy.special.erf(outn / jnp.sqrt(2.0).astype(outn.dtype)))

if __name__ == "__main__":
    import jax
    _d = setup_inputs()
    print(jax.jit(kernel)(*tuple(_d.values())))

</pallas_src>

<mosaic_0001>
#map = affine_map<(d0, d1) -> (0, 0)>
#map1 = affine_map<(d0, d1) -> (0, 0, 0)>
module attributes {stable_mosaic.version = 14 : i64} {
  func.func @sc_kernel(%arg0: i32, %arg1: i32, %arg2: memref<20000x128xf32, #tpu.memory_space<hbm>>, %arg3: memref<2528x1x128xi32, #tpu.memory_space<hbm>>, %arg4: memref<2528x1x128xi32, #tpu.memory_space<hbm>>, %arg5: memref<20224x128xf32, #tpu.memory_space<hbm>>, %arg6: memref<128x128xf32, #tpu.memory_space<vmem>>, %arg7: memref<128x128xf32, #tpu.memory_space<vmem>>, %arg8: memref<!tpu.dma_semaphore, #tpu.memory_space<semaphore_mem>>, %arg9: memref<!tpu.dma_semaphore, #tpu.memory_space<semaphore_mem>>) attributes {dimension_semantics = [#tpu.dimension_semantics<core_parallel>, #tpu.dimension_semantics<subcore_parallel>], iteration_bounds = array<i64: 2, 16>, scalar_prefetch = 0 : i64, scratch_operands = 4 : i64, tpu.core_type = #tpu.core_type<sc_vector_subcore>, window_params = [{transform_indices = #map}, {transform_indices = #map1}, {transform_indices = #map1}, {transform_indices = #map}]} {
    %mul3A = arith.constant 1 : i32
    %mul3A_0 = arith.muli %arg1, %mul3A : i32
    %add3A = arith.constant 0 : i32
    %add3A_1 = arith.addi %add3A, %mul3A_0 : i32
    %mul3A_2 = arith.constant 16 : i32
    %mul3A_3 = arith.muli %arg0, %mul3A_2 : i32
    %add3A_4 = arith.addi %add3A_1, %mul3A_3 : i32
    %mul3A_5 = arith.constant 79 : i32
    %mul3A_6 = arith.muli %add3A_4, %mul3A_5 : i32
    "tpu.region"() ({
      %run_scoped3A = memref.alloca() : memref<2x1x1x128xi32, #tpu.memory_space<vmem>>
      %run_scoped3A_7 = tpu.sem_alloc : memref<2x!tpu.dma_semaphore, #tpu.memory_space<semaphore_mem>>
      %run_scoped3A_8 = memref.alloca() : memref<2x1x1x128xi32, #tpu.memory_space<vmem>>
      %run_scoped3A_9 = tpu.sem_alloc : memref<2x!tpu.dma_semaphore, #tpu.memory_space<semaphore_mem>>
      %run_scoped3A_10 = memref.alloca() : memref<2x8x128xf32, #tpu.memory_space<vmem>>
      %run_scoped3A_11 = tpu.sem_alloc : memref<2x!tpu.dma_semaphore, #tpu.memory_space<semaphore_mem>>
      %add3A_12 = arith.constant 0 : i32
      %add3A_13 = arith.addi %add3A_12, %mul3A_6 : i32
      %select_n3A = arith.constant true
      %select_n3A_14 = arith.constant 0 : i32
      %select_n3A_15 = arith.constant -1 : i32
      %select_n3A_16 = arith.select %select_n3A, %select_n3A_15, %select_n3A_14 : i32
      %eq3A = arith.constant -1 : i32
      %eq3A_17 = arith.cmpi eq, %select_n3A_16, %eq3A : i32
      %select_n3A_18 = arith.constant 78 : i32
      %select_n3A_19 = arith.select %eq3A_17, %select_n3A_18, %select_n3A_16 : i32
      %add3A_20 = arith.addi %select_n3A_19, %mul3A_6 : i32
      %select_n3A_21 = arith.constant true
      %select_n3A_22 = arith.constant 0 : i32
      %select_n3A_23 = arith.constant 1 : i32
      %select_n3A_24 = arith.select %select_n3A_21, %select_n3A_23, %select_n3A_22 : i32
      %eq3A_25 = arith.constant 79 : i32
      %eq3A_26 = arith.cmpi eq, %select_n3A_24, %eq3A_25 : i32
      %select_n3A_27 = arith.constant 0 : i32
      %select_n3A_28 = arith.select %eq3A_26, %select_n3A_27, %select_n3A_24 : i32
      %add3A_29 = arith.addi %select_n3A_28, %mul3A_6 : i32
      %add3A_30 = arith.constant 1 : i32
      %add3A_31 = arith.addi %select_n3A_28, %add3A_30 : i32
      %select_n3A_32 = arith.constant true
      %select_n3A_33 = arith.select %select_n3A_32, %add3A_31, %select_n3A_28 : i32
      %eq3A_34 = arith.constant 79 : i32
      %eq3A_35 = arith.cmpi eq, %select_n3A_33, %eq3A_34 : i32
      %select_n3A_36 = arith.constant 0 : i32
      %select_n3A_37 = arith.select %eq3A_35, %select_n3A_36, %select_n3A_33 : i32
      %add3A_38 = arith.addi %select_n3A_37, %mul3A_6 : i32
      "tpu.trace_start"() <{level = 10 : i32, message = "ep_initialize_0"}> : () -> ()
      %rem3A = arith.constant 0 : i32
      %rem3A_39 = arith.constant 2 : i32
      %rem3A_40 = arith.remui %rem3A, %rem3A_39 : i32
      %mul3A_41 = arith.constant 1 : i32
      %mul3A_42 = arith.muli %mul3A_41, %add3A_13 : i32
      %dma_start3A = arith.constant 0 : i32
      %dma_start3A_43 = arith.constant 0 : i32
      %dma_start3A_44 = arith.constant 0 : i32
      %dma_start3A_45 = tpu.memref_slice %run_scoped3A[%rem3A_40, %dma_start3A, %dma_start3A_43, %dma_start3A_44] : memref<2x1x1x128xi32, #tpu.memory_space<vmem>> -> memref<1x1x1x128xi32, #tpu.memory_space<vmem>>
      %dma_start3A_46 = tpu.memref_squeeze %dma_start3A_45 : memref<1x1x1x128xi32, #tpu.memory_space<vmem>> -> memref<1x1x128xi32, #tpu.memory_space<vmem>>
      %dma_start3A_47 = arith.constant 0 : i32
      %dma_start3A_48 = arith.constant 0 : i32
      %dma_start3A_49 = tpu.memref_slice %arg3[%mul3A_42, %dma_start3A_47, %dma_start3A_48] : memref<2528x1x128xi32, #tpu.memory_space<hbm>> -> memref<1x1x128xi32, #tpu.memory_space<hbm>>
      %dma_start3A_50 = tpu.memref_slice %run_scoped3A_7[%rem3A_40] : memref<2x!tpu.dma_semaphore, #tpu.memory_space<semaphore_mem>> -> memref<1x!tpu.dma_semaphore, #tpu.memory_space<semaphore_mem>>
      %dma_start3A_51 = tpu.memref_squeeze %dma_start3A_50 : memref<1x!tpu.dma_semaphore, #tpu.memory_space<semaphore_mem>> -> memref<!tpu.dma_semaphore, #tpu.memory_space<semaphore_mem>>
      %dma_start3A_52 = arith.constant 0 : i32
      %dma_start3A_53 = arith.constant 0 : i32
      %dma_start3A_54 = arith.constant 0 : i32
      %dma_start3A_55 = tpu.memref_slice %run_scoped3A[%rem3A_40, %dma_start3A_52, %dma_start3A_53, %dma_start3A_54] : memref<2x1x1x128xi32, #tpu.memory_space<vmem>> -> memref<1x1x1x128xi32, #tpu.memory_space<vmem>>
      %dma_start3A_56 = tpu.memref_squeeze %dma_start3A_55 : memref<1x1x1x128xi32, #tpu.memory_space<vmem>> -> memref<1x1x128xi32, #tpu.memory_space<vmem>>
      %dma_start3A_57 = arith.constant 0 : i32
      %dma_start3A_58 = arith.constant 0 : i32
      %dma_start3A_59 = tpu.memref_slice %arg3[%mul3A_42, %dma_start3A_57, %dma_start3A_58] : memref<2528x1x128xi32, #tpu.memory_space<hbm>> -> memref<1x1x128xi32, #tpu.memory_space<hbm>>
      tpu.enqueue_dma source(%dma_start3A_59 : memref<1x1x128xi32, #tpu.memory_space<hbm>>) target(%dma_start3A_56 : memref<1x1x128xi32, #tpu.memory_space<vmem>>) target_semaphore(%dma_start3A_51 : memref<!tpu.dma_semaphore, #tpu.memory_space<semaphore_mem>>)
      %add3A_60 = arith.constant 0 : i32
      %add3A_61 = arith.constant 1 : i32
      %add3A_62 = arith.addi %add3A_60, %add3A_61 : i32
      %select_n3A_63 = arith.constant true
      %select_n3A_64 = arith.constant 0 : i32
      %select_n3A_65 = arith.select %select_n3A_63, %add3A_62, %select_n3A_64 : i32
      %rem3A_66 = arith.constant 0 : i32
      %rem3A_67 = arith.constant 2 : i32
      %rem3A_68 = arith.remui %rem3A_66, %rem3A_67 : i32
      %mul3A_69 = arith.constant 1 : i32
      %mul3A_70 = arith.muli %mul3A_69, %add3A_13 : i32
      %dma_start3A_71 = arith.constant 0 : i32
      %dma_start3A_72 = arith.constant 0 : i32
      %dma_start3A_73 = arith.constant 0 : i32
      %dma_start3A_74 = tpu.memref_slice %run_scoped3A_8[%rem3A_68, %dma_start3A_71, %dma_start3A_72, %dma_start3A_73] : memref<2x1x1x128xi32, #tpu.memory_space<vmem>> -> memref<1x1x1x128xi32, #tpu.memory_space<vmem>>
      %dma_start3A_75 = tpu.memref_squeeze %dma_start3A_74 : memref<1x1x1x128xi32, #tpu.memory_space<vmem>> -> memref<1x1x128xi32, #tpu.memory_space<vmem>>
      %dma_start3A_76 = arith.constant 0 : i32
      %dma_start3A_77 = arith.constant 0 : i32
      %dma_start3A_78 = tpu.memref_slice %arg4[%mul3A_70, %dma_start3A_76, %dma_start3A_77] : memref<2528x1x128xi32, #tpu.memory_space<hbm>> -> memref<1x1x128xi32, #tpu.memory_space<hbm>>
      %dma_start3A_79 = tpu.memref_slice %run_scoped3A_9[%rem3A_68] : memref<2x!tpu.dma_semaphore, #tpu.memory_space<semaphore_mem>> -> memref<1x!tpu.dma_semaphore, #tpu.memory_space<semaphore_mem>>
      %dma_start3A_80 = tpu.memref_squeeze %dma_start3A_79 : memref<1x!tpu.dma_semaphore, #tpu.memory_space<semaphore_mem>> -> memref<!tpu.dma_semaphore, #tpu.memory_space<semaphore_mem>>
      %dma_start3A_81 = arith.constant 0 : i32
      %dma_start3A_82 = arith.constant 0 : i32
      %dma_start3A_83 = arith.constant 0 : i32
      %dma_start3A_84 = tpu.memref_slice %run_scoped3A_8[%rem3A_68, %dma_start3A_81, %dma_start3A_82, %dma_start3A_83] : memref<2x1x1x128xi32, #tpu.memory_space<vmem>> -> memref<1x1x1x128xi32, #tpu.memory_space<vmem>>
      %dma_start3A_85 = tpu.memref_squeeze %dma_start3A_84 : memref<1x1x1x128xi32, #tpu.memory_space<vmem>> -> memref<1x1x128xi32, #tpu.memory_space<vmem>>
      %dma_start3A_86 = arith.constant 0 : i32
      %dma_start3A_87 = arith.constant 0 : i32
      %dma_start3A_88 = tpu.memref_slice %arg4[%mul3A_70, %dma_start3A_86, %dma_start3A_87] : memref<2528x1x128xi32, #tpu.memory_space<hbm>> -> memref<1x1x128xi32, #tpu.memory_space<hbm>>
      tpu.enqueue_dma source(%dma_start3A_88 : memref<1x1x128xi32, #tpu.memory_space<hbm>>) target(%dma_start3A_85 : memref<1x1x128xi32, #tpu.memory_space<vmem>>) target_semaphore(%dma_start3A_80 : memref<!tpu.dma_semaphore, #tpu.memory_space<semaphore_mem>>)
      %add3A_89 = arith.constant 0 : i32
      %add3A_90 = arith.constant 1 : i32
      %add3A_91 = arith.addi %add3A_89, %add3A_90 : i32
      %select_n3A_92 = arith.constant true
      %select_n3A_93 = arith.constant 0 : i32
      %select_n3A_94 = arith.select %select_n3A_92, %add3A_91, %select_n3A_93 : i32
      "tpu.trace_stop"() : () -> ()
      %scan3A = arith.constant 0 : i32
      %scan3A_95 = arith.constant 0 : i32
      %scan3A_96 = arith.constant 0 : i32
      %scan3A_97 = arith.constant 0 : i32
      %scan3A_98 = arith.constant 0 : i32
      %scan3A_99 = arith.constant 0 : i32
      %scan3A_100 = arith.constant 79 : i32
      %scan3A_101 = arith.addi %scan3A_99, %scan3A_100 : i32
      %scan3A_102 = arith.constant 1 : i32
      %scan3A_103:7 = scf.for %scan3A_157 = %scan3A_99 to %scan3A_101 step %scan3A_102 iter_args(%scan3A_158 = %select_n3A_65, %scan3A_159 = %scan3A, %scan3A_160 = %select_n3A_94, %scan3A_161 = %scan3A_95, %scan3A_162 = %scan3A_96, %scan3A_163 = %scan3A_97, %scan3A_164 = %scan3A_98) -> (i32, i32, i32, i32, i32, i32, i32)  : i32 {
        %eq3A_165 = arith.constant 0 : i32
        %eq3A_166 = arith.cmpi eq, %scan3A_157, %eq3A_165 : i32
        %eq3A_167 = arith.constant 78 : i32
        %eq3A_168 = arith.cmpi eq, %scan3A_157, %eq3A_167 : i32
        %add3A_169 = arith.addi %scan3A_164, %mul3A_6 : i32
        %sub3A_170 = arith.constant 1 : i32
        %sub3A_171 = arith.subi %scan3A_164, %sub3A_170 : i32
        %select_n3A_172 = arith.constant true
        %select_n3A_173 = arith.select %select_n3A_172, %sub3A_171, %scan3A_164 : i32
        %eq3A_174 = arith.constant -1 : i32
        %eq3A_175 = arith.cmpi eq, %select_n3A_173, %eq3A_174 : i32
        %select_n3A_176 = arith.constant 78 : i32
        %select_n3A_177 = arith.select %eq3A_175, %select_n3A_176, %select_n3A_173 : i32
        %add3A_178 = arith.addi %select_n3A_177, %mul3A_6 : i32
        %add3A_179 = arith.constant 1 : i32
        %add3A_180 = arith.addi %scan3A_164, %add3A_179 : i32
        %select_n3A_181 = arith.constant true
        %select_n3A_182 = arith.select %select_n3A_181, %add3A_180, %scan3A_164 : i32
        %eq3A_183 = arith.constant 79 : i32
        %eq3A_184 = arith.cmpi eq, %select_n3A_182, %eq3A_183 : i32
        %select_n3A_185 = arith.constant 0 : i32
        %select_n3A_186 = arith.select %eq3A_184, %select_n3A_185, %select_n3A_182 : i32
        %add3A_187 = arith.addi %select_n3A_186, %mul3A_6 : i32
        %add3A_188 = arith.constant 1 : i32
        %add3A_189 = arith.addi %select_n3A_186, %add3A_188 : i32
        %select_n3A_190 = arith.constant true
        %select_n3A_191 = arith.select %select_n3A_190, %add3A_189, %select_n3A_186 : i32
        %eq3A_192 = arith.constant 79 : i32
        %eq3A_193 = arith.cmpi eq, %select_n3A_191, %eq3A_192 : i32
        %select_n3A_194 = arith.constant 0 : i32
        %select_n3A_195 = arith.select %eq3A_193, %select_n3A_194, %select_n3A_191 : i32
        %add3A_196 = arith.addi %select_n3A_195, %mul3A_6 : i32
        %ne3A = arith.cmpi ne, %add3A_169, %add3A_187 : i32
        %or3A = arith.constant false
        %or3A_197 = arith.ori %or3A, %ne3A : i1
        %or3A_198 = arith.constant false
        %or3A_199 = arith.ori %or3A_197, %or3A_198 : i1
        %or3A_200 = arith.constant false
        %or3A_201 = arith.ori %or3A_199, %or3A_200 : i1
        %ge3A = arith.constant 78 : i32
        %ge3A_202 = arith.cmpi sge, %scan3A_157, %ge3A : i32
        %not3A = arith.constant true
        %not3A_203 = arith.xori %ge3A_202, %not3A : i1
        %and3A = arith.andi %or3A_201, %not3A_203 : i1
        %convert_element_type3A = arith.extui %and3A : i1 to i32
        %cond3A = arith.constant 0 : i32
        %cond3A_204 = arith.cmpi ne, %convert_element_type3A, %cond3A : i32
        scf.if %cond3A_204 {
          "tpu.trace_start"() <{level = 10 : i32, message = "ep_copy_in"}> : () -> ()
          %rem3A_462 = arith.constant 2 : i32
          %rem3A_463 = arith.remui %scan3A_158, %rem3A_462 : i32
          %mul3A_464 = arith.constant 1 : i32
          %mul3A_465 = arith.muli %mul3A_464, %add3A_187 : i32
          %dma_start3A_466 = arith.constant 0 : i32
          %dma_start3A_467 = arith.constant 0 : i32
          %dma_start3A_468 = arith.constant 0 : i32
          %dma_start3A_469 = tpu.memref_slice %run_scoped3A[%rem3A_463, %dma_start3A_466, %dma_start3A_467, %dma_start3A_468] : memref<2x1x1x128xi32, #tpu.memory_space<vmem>> -> memref<1x1x1x128xi32, #tpu.memory_space<vmem>>
          %dma_start3A_470 = tpu.memref_squeeze %dma_start3A_469 : memref<1x1x1x128xi32, #tpu.memory_space<vmem>> -> memref<1x1x128xi32, #tpu.memory_space<vmem>>
          %dma_start3A_471 = arith.constant 0 : i32
          %dma_start3A_472 = arith.constant 0 : i32
          %dma_start3A_473 = tpu.memref_slice %arg3[%mul3A_465, %dma_start3A_471, %dma_start3A_472] : memref<2528x1x128xi32, #tpu.memory_space<hbm>> -> memref<1x1x128xi32, #tpu.memory_space<hbm>>
          %dma_start3A_474 = tpu.memref_slice %run_scoped3A_7[%rem3A_463] : memref<2x!tpu.dma_semaphore, #tpu.memory_space<semaphore_mem>> -> memref<1x!tpu.dma_semaphore, #tpu.memory_space<semaphore_mem>>
          %dma_start3A_475 = tpu.memref_squeeze %dma_start3A_474 : memref<1x!tpu.dma_semaphore, #tpu.memory_space<semaphore_mem>> -> memref<!tpu.dma_semaphore, #tpu.memory_space<semaphore_mem>>
          %dma_start3A_476 = arith.constant 0 : i32
          %dma_start3A_477 = arith.constant 0 : i32
          %dma_start3A_478 = arith.constant 0 : i32
          %dma_start3A_479 = tpu.memref_slice %run_scoped3A[%rem3A_463, %dma_start3A_476, %dma_start3A_477, %dma_start3A_478] : memref<2x1x1x128xi32, #tpu.memory_space<vmem>> -> memref<1x1x1x128xi32, #tpu.memory_space<vmem>>
          %dma_start3A_480 = tpu.memref_squeeze %dma_start3A_479 : memref<1x1x1x128xi32, #tpu.memory_space<vmem>> -> memref<1x1x128xi32, #tpu.memory_space<vmem>>
          %dma_start3A_481 = arith.constant 0 : i32
          %dma_start3A_482 = arith.constant 0 : i32
          %dma_start3A_483 = tpu.memref_slice %arg3[%mul3A_465, %dma_start3A_481, %dma_start3A_482] : memref<2528x1x128xi32, #tpu.memory_space<hbm>> -> memref<1x1x128xi32, #tpu.memory_space<hbm>>
          tpu.enqueue_dma source(%dma_start3A_483 : memref<1x1x128xi32, #tpu.memory_space<hbm>>) target(%dma_start3A_480 : memref<1x1x128xi32, #tpu.memory_space<vmem>>) target_semaphore(%dma_start3A_475 : memref<!tpu.dma_semaphore, #tpu.memory_space<semaphore_mem>>)
          "tpu.trace_stop"() : () -> ()
        } else {
        }
        %and3A_205 = arith.constant true
        %and3A_206 = arith.andi %and3A, %and3A_205 : i1
        %add3A_207 = arith.constant 1 : i32
        %add3A_208 = arith.addi %scan3A_158, %add3A_207 : i32
        %select_n3A_209 = arith.select %and3A_206, %add3A_208, %scan3A_158 : i32
        %ne3A_210 = arith.cmpi ne, %add3A_169, %add3A_187 : i32
        %or3A_211 = arith.constant false
        %or3A_212 = arith.ori %or3A_211, %ne3A_210 : i1
        %or3A_213 = arith.constant false
        %or3A_214 = arith.ori %or3A_212, %or3A_213 : i1
        %or3A_215 = arith.constant false
        %or3A_216 = arith.ori %or3A_214, %or3A_215 : i1
        %ge3A_217 = arith.constant 78 : i32
        %ge3A_218 = arith.cmpi sge, %scan3A_157, %ge3A_217 : i32
        %not3A_219 = arith.constant true
        %not3A_220 = arith.xori %ge3A_218, %not3A_219 : i1
        %and3A_221 = arith.andi %or3A_216, %not3A_220 : i1
        %convert_element_type3A_222 = arith.extui %and3A_221 : i1 to i32
        %cond3A_223 = arith.constant 0 : i32
        %cond3A_224 = arith.cmpi ne, %convert_element_type3A_222, %cond3A_223 : i32
        scf.if %cond3A_224 {
          "tpu.trace_start"() <{level = 10 : i32, message = "ep_copy_in"}> : () -> ()
          %rem3A_462 = arith.constant 2 : i32
          %rem3A_463 = arith.remui %scan3A_160, %rem3A_462 : i32
          %mul3A_464 = arith.constant 1 : i32
          %mul3A_465 = arith.muli %mul3A_464, %add3A_187 : i32
          %dma_start3A_466 = arith.constant 0 : i32
          %dma_start3A_467 = arith.constant 0 : i32
          %dma_start3A_468 = arith.constant 0 : i32
          %dma_start3A_469 = tpu.memref_slice %run_scoped3A_8[%rem3A_463, %dma_start3A_466, %dma_start3A_467, %dma_start3A_468] : memref<2x1x1x128xi32, #tpu.memory_space<vmem>> -> memref<1x1x1x128xi32, #tpu.memory_space<vmem>>
          %dma_start3A_470 = tpu.memref_squeeze %dma_start3A_469 : memref<1x1x1x128xi32, #tpu.memory_space<vmem>> -> memref<1x1x128xi32, #tpu.memory_space<vmem>>
          %dma_start3A_471 = arith.constant 0 : i32
          %dma_start3A_472 = arith.constant 0 : i32
          %dma_start3A_473 = tpu.memref_slice %arg4[%mul3A_465, %dma_start3A_471, %dma_start3A_472] : memref<2528x1x128xi32, #tpu.memory_space<hbm>> -> memref<1x1x128xi32, #tpu.memory_space<hbm>>
          %dma_start3A_474 = tpu.memref_slice %run_scoped3A_9[%rem3A_463] : memref<2x!tpu.dma_semaphore, #tpu.memory_space<semaphore_mem>> -> memref<1x!tpu.dma_semaphore, #tpu.memory_space<semaphore_mem>>
          %dma_start3A_475 = tpu.memref_squeeze %dma_start3A_474 : memref<1x!tpu.dma_semaphore, #tpu.memory_space<semaphore_mem>> -> memref<!tpu.dma_semaphore, #tpu.memory_space<semaphore_mem>>
          %dma_start3A_476 = arith.constant 0 : i32
          %dma_start3A_477 = arith.constant 0 : i32
          %dma_start3A_478 = arith.constant 0 : i32
          %dma_start3A_479 = tpu.memref_slice %run_scoped3A_8[%rem3A_463, %dma_start3A_476, %dma_start3A_477, %dma_start3A_478] : memref<2x1x1x128xi32, #tpu.memory_space<vmem>> -> memref<1x1x1x128xi32, #tpu.memory_space<vmem>>
          %dma_start3A_480 = tpu.memref_squeeze %dma_start3A_479 : memref<1x1x1x128xi32, #tpu.memory_space<vmem>> -> memref<1x1x128xi32, #tpu.memory_space<vmem>>
          %dma_start3A_481 = arith.constant 0 : i32
          %dma_start3A_482 = arith.constant 0 : i32
          %dma_start3A_483 = tpu.memref_slice %arg4[%mul3A_465, %dma_start3A_481, %dma_start3A_482] : memref<2528x1x128xi32, #tpu.memory_space<hbm>> -> memref<1x1x128xi32, #tpu.memory_space<hbm>>
          tpu.enqueue_dma source(%dma_start3A_483 : memref<1x1x128xi32, #tpu.memory_space<hbm>>) target(%dma_start3A_480 : memref<1x1x128xi32, #tpu.memory_space<vmem>>) target_semaphore(%dma_start3A_475 : memref<!tpu.dma_semaphore, #tpu.memory_space<semaphore_mem>>)
          "tpu.trace_stop"() : () -> ()
        } else {
        }
        %and3A_225 = arith.constant true
        %and3A_226 = arith.andi %and3A_221, %and3A_225 : i1
        %add3A_227 = arith.constant 1 : i32
        %add3A_228 = arith.addi %scan3A_160, %add3A_227 : i32
        %select_n3A_229 = arith.select %and3A_226, %add3A_228, %scan3A_160 : i32
        %ne3A_230 = arith.cmpi ne, %add3A_169, %add3A_187 : i32
        %or3A_231 = arith.constant false
        %or3A_232 = arith.ori %or3A_231, %ne3A_230 : i1
        %or3A_233 = arith.constant false
        %or3A_234 = arith.ori %or3A_232, %or3A_233 : i1
        %ge3A_235 = arith.constant 78 : i32
        %ge3A_236 = arith.cmpi sge, %scan3A_157, %ge3A_235 : i32
        %not3A_237 = arith.constant true
        %not3A_238 = arith.xori %ge3A_236, %not3A_237 : i1
        %and3A_239 = arith.andi %or3A_234, %not3A_238 : i1
        %ne3A_240 = arith.cmpi ne, %add3A_169, %add3A_178 : i32
        %or3A_241 = arith.constant false
        %or3A_242 = arith.ori %or3A_241, %ne3A_240 : i1
        %or3A_243 = arith.constant false
        %or3A_244 = arith.ori %or3A_242, %or3A_243 : i1
        %or3A_245 = arith.constant false
        %or3A_246 = arith.ori %or3A_244, %or3A_245 : i1
        %or3A_247 = arith.ori %or3A_246, %eq3A_166 : i1
        %convert_element_type3A_248 = arith.extui %or3A_247 : i1 to i32
        %cond3A_249 = arith.constant 0 : i32
        %cond3A_250 = arith.cmpi ne, %convert_element_type3A_248, %cond3A_249 : i32
        scf.if %cond3A_250 {
          "tpu.trace_start"() <{level = 10 : i32, message = "ep_wait_in"}> : () -> ()
          %mul3A_462 = arith.constant 1 : i32
          %mul3A_463 = arith.muli %mul3A_462, %add3A_169 : i32
          %rem3A_464 = arith.constant 2 : i32
          %rem3A_465 = arith.remui %scan3A_159, %rem3A_464 : i32
          %dma_wait3A_466 = arith.constant 0 : i32
          %dma_wait3A_467 = arith.constant 0 : i32
          %dma_wait3A_468 = arith.constant 0 : i32
          %dma_wait3A_469 = tpu.memref_slice %run_scoped3A[%rem3A_465, %dma_wait3A_466, %dma_wait3A_467, %dma_wait3A_468] : memref<2x1x1x128xi32, #tpu.memory_space<vmem>> -> memref<1x1x1x128xi32, #tpu.memory_space<vmem>>
          %dma_wait3A_470 = tpu.memref_squeeze %dma_wait3A_469 : memref<1x1x1x128xi32, #tpu.memory_space<vmem>> -> memref<1x1x128xi32, #tpu.memory_space<vmem>>
          %dma_wait3A_471 = arith.constant 0 : i32
          %dma_wait3A_472 = arith.constant 0 : i32
          %dma_wait3A_473 = tpu.memref_slice %arg3[%mul3A_463, %dma_wait3A_471, %dma_wait3A_472] : memref<2528x1x128xi32, #tpu.memory_space<hbm>> -> memref<1x1x128xi32, #tpu.memory_space<hbm>>
          %dma_wait3A_474 = tpu.memref_slice %run_scoped3A_7[%rem3A_465] : memref<2x!tpu.dma_semaphore, #tpu.memory_space<semaphore_mem>> -> memref<1x!tpu.dma_semaphore, #tpu.memory_space<semaphore_mem>>
          %dma_wait3A_475 = tpu.memref_squeeze %dma_wait3A_474 : memref<1x!tpu.dma_semaphore, #tpu.memory_space<semaphore_mem>> -> memref<!tpu.dma_semaphore, #tpu.memory_space<semaphore_mem>>
          %dma_wait3A_476 = arith.constant 0 : i32
          %dma_wait3A_477 = arith.constant 0 : i32
          %dma_wait3A_478 = arith.constant 0 : i32
          %dma_wait3A_479 = tpu.memref_slice %run_scoped3A[%rem3A_465, %dma_wait3A_476, %dma_wait3A_477, %dma_wait3A_478] : memref<2x1x1x128xi32, #tpu.memory_space<vmem>> -> memref<1x1x1x128xi32, #tpu.memory_space<vmem>>
          %dma_wait3A_480 = tpu.memref_squeeze %dma_wait3A_479 : memref<1x1x1x128xi32, #tpu.memory_space<vmem>> -> memref<1x1x128xi32, #tpu.memory_space<vmem>>
          %dma_wait3A_481 = arith.constant 0 : i32
          %dma_wait3A_482 = arith.constant 0 : i32
          %dma_wait3A_483 = tpu.memref_slice %arg3[%mul3A_463, %dma_wait3A_481, %dma_wait3A_482] : memref<2528x1x128xi32, #tpu.memory_space<hbm>> -> memref<1x1x128xi32, #tpu.memory_space<hbm>>
          tpu.wait_dma2 semaphore(%dma_wait3A_475 : memref<!tpu.dma_semaphore, #tpu.memory_space<semaphore_mem>>) src(%dma_wait3A_483 : memref<1x1x128xi32, #tpu.memory_space<hbm>>) dst(%dma_wait3A_480 : memref<1x1x128xi32, #tpu.memory_space<vmem>>)
          "tpu.trace_stop"() : () -> ()
        } else {
        }
        %ne3A_251 = arith.cmpi ne, %add3A_169, %add3A_178 : i32
        %or3A_252 = arith.constant false
        %or3A_253 = arith.ori %or3A_252, %ne3A_251 : i1
        %or3A_254 = arith.constant false
        %or3A_255 = arith.ori %or3A_253, %or3A_254 : i1
        %or3A_256 = arith.constant false
        %or3A_257 = arith.ori %or3A_255, %or3A_256 : i1
        %or3A_258 = arith.ori %or3A_257, %eq3A_166 : i1
        %convert_element_type3A_259 = arith.extui %or3A_258 : i1 to i32
        %cond3A_260 = arith.constant 0 : i32
        %cond3A_261 = arith.cmpi ne, %convert_element_type3A_259, %cond3A_260 : i32
        scf.if %cond3A_261 {
          "tpu.trace_start"() <{level = 10 : i32, message = "ep_wait_in"}> : () -> ()
          %mul3A_462 = arith.constant 1 : i32
          %mul3A_463 = arith.muli %mul3A_462, %add3A_169 : i32
          %rem3A_464 = arith.constant 2 : i32
          %rem3A_465 = arith.remui %scan3A_161, %rem3A_464 : i32
          %dma_wait3A_466 = arith.constant 0 : i32
          %dma_wait3A_467 = arith.constant 0 : i32
          %dma_wait3A_468 = arith.constant 0 : i32
          %dma_wait3A_469 = tpu.memref_slice %run_scoped3A_8[%rem3A_465, %dma_wait3A_466, %dma_wait3A_467, %dma_wait3A_468] : memref<2x1x1x128xi32, #tpu.memory_space<vmem>> -> memref<1x1x1x128xi32, #tpu.memory_space<vmem>>
          %dma_wait3A_470 = tpu.memref_squeeze %dma_wait3A_469 : memref<1x1x1x128xi32, #tpu.memory_space<vmem>> -> memref<1x1x128xi32, #tpu.memory_space<vmem>>
          %dma_wait3A_471 = arith.constant 0 : i32
          %dma_wait3A_472 = arith.constant 0 : i32
          %dma_wait3A_473 = tpu.memref_slice %arg4[%mul3A_463, %dma_wait3A_471, %dma_wait3A_472] : memref<2528x1x128xi32, #tpu.memory_space<hbm>> -> memref<1x1x128xi32, #tpu.memory_space<hbm>>
          %dma_wait3A_474 = tpu.memref_slice %run_scoped3A_9[%rem3A_465] : memref<2x!tpu.dma_semaphore, #tpu.memory_space<semaphore_mem>> -> memref<1x!tpu.dma_semaphore, #tpu.memory_space<semaphore_mem>>
          %dma_wait3A_475 = tpu.memref_squeeze %dma_wait3A_474 : memref<1x!tpu.dma_semaphore, #tpu.memory_space<semaphore_mem>> -> memref<!tpu.dma_semaphore, #tpu.memory_space<semaphore_mem>>
          %dma_wait3A_476 = arith.constant 0 : i32
          %dma_wait3A_477 = arith.constant 0 : i32
          %dma_wait3A_478 = arith.constant 0 : i32
          %dma_wait3A_479 = tpu.memref_slice %run_scoped3A_8[%rem3A_465, %dma_wait3A_476, %dma_wait3A_477, %dma_wait3A_478] : memref<2x1x1x128xi32, #tpu.memory_space<vmem>> -> memref<1x1x1x128xi32, #tpu.memory_space<vmem>>
          %dma_wait3A_480 = tpu.memref_squeeze %dma_wait3A_479 : memref<1x1x1x128xi32, #tpu.memory_space<vmem>> -> memref<1x1x128xi32, #tpu.memory_space<vmem>>
          %dma_wait3A_481 = arith.constant 0 : i32
          %dma_wait3A_482 = arith.constant 0 : i32
          %dma_wait3A_483 = tpu.memref_slice %arg4[%mul3A_463, %dma_wait3A_481, %dma_wait3A_482] : memref<2528x1x128xi32, #tpu.memory_space<hbm>> -> memref<1x1x128xi32, #tpu.memory_space<hbm>>
          tpu.wait_dma2 semaphore(%dma_wait3A_475 : memref<!tpu.dma_semaphore, #tpu.memory_space<semaphore_mem>>) src(%dma_wait3A_483 : memref<1x1x128xi32, #tpu.memory_space<hbm>>) dst(%dma_wait3A_480 : memref<1x1x128xi32, #tpu.memory_space<vmem>>)
          "tpu.trace_stop"() : () -> ()
        } else {
        }
        %ne3A_262 = arith.cmpi ne, %add3A_169, %add3A_178 : i32
        %or3A_263 = arith.constant false
        %or3A_264 = arith.ori %or3A_263, %ne3A_262 : i1
        %or3A_265 = arith.constant false
        %or3A_266 = arith.ori %or3A_264, %or3A_265 : i1
        %or3A_267 = arith.ori %or3A_266, %eq3A_166 : i1
        %convert_element_type3A_268 = arith.extui %or3A_267 : i1 to i32
        %cond3A_269 = arith.constant 0 : i32
        %cond3A_270 = arith.cmpi ne, %convert_element_type3A_268, %cond3A_269 : i32
        scf.if %cond3A_270 {
        } else {
        }
        %rem3A_271 = arith.constant 2 : i32
        %rem3A_272 = arith.remui %scan3A_159, %rem3A_271 : i32
        %rem3A_273 = arith.constant 2 : i32
        %rem3A_274 = arith.remui %scan3A_161, %rem3A_273 : i32
        %rem3A_275 = arith.constant 2 : i32
        %rem3A_276 = arith.remui %scan3A_162, %rem3A_275 : i32
        %dma_start3A_277 = arith.constant 0 : i32
        %dma_start3A_278 = arith.constant 0 : i32
        "tpu.trace_start"() <{level = 10 : i32, message = "ep_run_kernel"}> : () -> ()
        %dma_start3A_279 = arith.constant 0 : i32
        %dma_start3A_280 = arith.constant 0 : i32
        %dma_start3A_281 = tpu.memref_slice %arg6[%dma_start3A_279, %dma_start3A_280] : memref<128x128xf32, #tpu.memory_space<vmem>> -> memref<128x128xf32, #tpu.memory_space<vmem>>
        %dma_start3A_282 = arith.constant 0 : i32
        %dma_start3A_283 = arith.constant 0 : i32
        %dma_start3A_284 = arith.constant 0 : i32
        %dma_start3A_285 = tpu.memref_slice %run_scoped3A[%rem3A_272, %dma_start3A_282, %dma_start3A_283, %dma_start3A_284] : memref<2x1x1x128xi32, #tpu.memory_space<vmem>> -> memref<1x1x1x128xi32, #tpu.memory_space<vmem>>
        %dma_start3A_286 = tpu.memref_squeeze %dma_start3A_285 : memref<1x1x1x128xi32, #tpu.memory_space<vmem>> -> memref<1x1x128xi32, #tpu.memory_space<vmem>>
        %dma_start3A_287 = arith.constant 0 : i32
        %dma_start3A_288 = tpu.memref_slice %dma_start3A_286[%dma_start3A_277, %dma_start3A_278, %dma_start3A_287] : memref<1x1x128xi32, #tpu.memory_space<vmem>> -> memref<1x1x128xi32, #tpu.memory_space<vmem>>
        %dma_start3A_289 = tpu.memref_squeeze %dma_start3A_288 : memref<1x1x128xi32, #tpu.memory_space<vmem>> -> memref<128xi32, #tpu.memory_space<vmem>>
        %dma_start3A_290 = arith.constant 0 : i32
        %dma_start3A_291 = arith.constant 0 : i32
        %dma_start3A_292 = tpu.memref_slice %arg2[%dma_start3A_290, %dma_start3A_291] : memref<20000x128xf32, #tpu.memory_space<hbm>> -> memref<20000x128xf32, #tpu.memory_space<hbm>>
        tpu.enqueue_indirect_dma source(%dma_start3A_292 : memref<20000x128xf32, #tpu.memory_space<hbm>>) target(%dma_start3A_281 : memref<128x128xf32, #tpu.memory_space<vmem>>) offsets(%dma_start3A_289 : memref<128xi32, #tpu.memory_space<vmem>>) semaphore(%arg8 : memref<!tpu.dma_semaphore, #tpu.memory_space<semaphore_mem>>)
        %dma_start3A_293 = arith.constant 0 : i32
        %dma_start3A_294 = arith.constant 0 : i32
        %dma_start3A_295 = arith.constant 0 : i32
        %dma_start3A_296 = arith.constant 0 : i32
        %dma_start3A_297 = tpu.memref_slice %arg7[%dma_start3A_295, %dma_start3A_296] : memref<128x128xf32, #tpu.memory_space<vmem>> -> memref<128x128xf32, #tpu.memory_space<vmem>>
        %dma_start3A_298 = arith.constant 0 : i32
        %dma_start3A_299 = arith.constant 0 : i32
        %dma_start3A_300 = arith.constant 0 : i32
        %dma_start3A_301 = tpu.memref_slice %run_scoped3A_8[%rem3A_274, %dma_start3A_298, %dma_start3A_299, %dma_start3A_300] : memref<2x1x1x128xi32, #tpu.memory_space<vmem>> -> memref<1x1x1x128xi32, #tpu.memory_space<vmem>>
        %dma_start3A_302 = tpu.memref_squeeze %dma_start3A_301 : memref<1x1x1x128xi32, #tpu.memory_space<vmem>> -> memref<1x1x128xi32, #tpu.memory_space<vmem>>
        %dma_start3A_303 = arith.constant 0 : i32
        %dma_start3A_304 = tpu.memref_slice %dma_start3A_302[%dma_start3A_293, %dma_start3A_294, %dma_start3A_303] : memref<1x1x128xi32, #tpu.memory_space<vmem>> -> memref<1x1x128xi32, #tpu.memory_space<vmem>>
        %dma_start3A_305 = tpu.memref_squeeze %dma_start3A_304 : memref<1x1x128xi32, #tpu.memory_space<vmem>> -> memref<128xi32, #tpu.memory_space<vmem>>
        %dma_start3A_306 = arith.constant 0 : i32
        %dma_start3A_307 = arith.constant 0 : i32
        %dma_start3A_308 = tpu.memref_slice %arg2[%dma_start3A_306, %dma_start3A_307] : memref<20000x128xf32, #tpu.memory_space<hbm>> -> memref<20000x128xf32, #tpu.memory_space<hbm>>
        tpu.enqueue_indirect_dma source(%dma_start3A_308 : memref<20000x128xf32, #tpu.memory_space<hbm>>) target(%dma_start3A_297 : memref<128x128xf32, #tpu.memory_space<vmem>>) offsets(%dma_start3A_305 : memref<128xi32, #tpu.memory_space<vmem>>) semaphore(%arg9 : memref<!tpu.dma_semaphore, #tpu.memory_space<semaphore_mem>>)
        %dma_wait3A_309 = arith.constant 0 : i32
        %dma_wait3A_310 = arith.constant 0 : i32
        %dma_wait3A_311 = arith.constant 0 : i32
        %dma_wait3A_312 = arith.constant 0 : i32
        %dma_wait3A_313 = tpu.memref_slice %arg6[%dma_wait3A_311, %dma_wait3A_312] : memref<128x128xf32, #tpu.memory_space<vmem>> -> memref<128x128xf32, #tpu.memory_space<vmem>>
        %dma_wait3A_314 = arith.constant 0 : i32
        %dma_wait3A_315 = arith.constant 0 : i32
        %dma_wait3A_316 = arith.constant 0 : i32
        %dma_wait3A_317 = tpu.memref_slice %run_scoped3A[%rem3A_272, %dma_wait3A_314, %dma_wait3A_315, %dma_wait3A_316] : memref<2x1x1x128xi32, #tpu.memory_space<vmem>> -> memref<1x1x1x128xi32, #tpu.memory_space<vmem>>
        %dma_wait3A_318 = tpu.memref_squeeze %dma_wait3A_317 : memref<1x1x1x128xi32, #tpu.memory_space<vmem>> -> memref<1x1x128xi32, #tpu.memory_space<vmem>>
        %dma_wait3A_319 = arith.constant 0 : i32
        %dma_wait3A_320 = tpu.memref_slice %dma_wait3A_318[%dma_wait3A_309, %dma_wait3A_310, %dma_wait3A_319] : memref<1x1x128xi32, #tpu.memory_space<vmem>> -> memref<1x1x128xi32, #tpu.memory_space<vmem>>
        %dma_wait3A_321 = tpu.memref_squeeze %dma_wait3A_320 : memref<1x1x128xi32, #tpu.memory_space<vmem>> -> memref<128xi32, #tpu.memory_space<vmem>>
        %dma_wait3A_322 = arith.constant 0 : i32
        %dma_wait3A_323 = arith.constant 0 : i32
        %dma_wait3A_324 = tpu.memref_slice %arg2[%dma_wait3A_322, %dma_wait3A_323] : memref<20000x128xf32, #tpu.memory_space<hbm>> -> memref<20000x128xf32, #tpu.memory_space<hbm>>
        tpu.wait_indirect_dma semaphore(%arg8 : memref<!tpu.dma_semaphore, #tpu.memory_space<semaphore_mem>>) src(%dma_wait3A_324 : memref<20000x128xf32, #tpu.memory_space<hbm>>) dst(%dma_wait3A_313 : memref<128x128xf32, #tpu.memory_space<vmem>>)
        %dma_wait3A_325 = arith.constant 0 : i32
        %dma_wait3A_326 = arith.constant 0 : i32
        %dma_wait3A_327 = arith.constant 0 : i32
        %dma_wait3A_328 = arith.constant 0 : i32
        %dma_wait3A_329 = tpu.memref_slice %arg7[%dma_wait3A_327, %dma_wait3A_328] : memref<128x128xf32, #tpu.memory_space<vmem>> -> memref<128x128xf32, #tpu.memory_space<vmem>>
        %dma_wait3A_330 = arith.constant 0 : i32
        %dma_wait3A_331 = arith.constant 0 : i32
        %dma_wait3A_332 = arith.constant 0 : i32
        %dma_wait3A_333 = tpu.memref_slice %run_scoped3A_8[%rem3A_274, %dma_wait3A_330, %dma_wait3A_331, %dma_wait3A_332] : memref<2x1x1x128xi32, #tpu.memory_space<vmem>> -> memref<1x1x1x128xi32, #tpu.memory_space<vmem>>
        %dma_wait3A_334 = tpu.memref_squeeze %dma_wait3A_333 : memref<1x1x1x128xi32, #tpu.memory_space<vmem>> -> memref<1x1x128xi32, #tpu.memory_space<vmem>>
        %dma_wait3A_335 = arith.constant 0 : i32
        %dma_wait3A_336 = tpu.memref_slice %dma_wait3A_334[%dma_wait3A_325, %dma_wait3A_326, %dma_wait3A_335] : memref<1x1x128xi32, #tpu.memory_space<vmem>> -> memref<1x1x128xi32, #tpu.memory_space<vmem>>
        %dma_wait3A_337 = tpu.memref_squeeze %dma_wait3A_336 : memref<1x1x128xi32, #tpu.memory_space<vmem>> -> memref<128xi32, #tpu.memory_space<vmem>>
        %dma_wait3A_338 = arith.constant 0 : i32
        %dma_wait3A_339 = arith.constant 0 : i32
        %dma_wait3A_340 = tpu.memref_slice %arg2[%dma_wait3A_338, %dma_wait3A_339] : memref<20000x128xf32, #tpu.memory_space<hbm>> -> memref<20000x128xf32, #tpu.memory_space<hbm>>
        tpu.wait_indirect_dma semaphore(%arg9 : memref<!tpu.dma_semaphore, #tpu.memory_space<semaphore_mem>>) src(%dma_wait3A_340 : memref<20000x128xf32, #tpu.memory_space<hbm>>) dst(%dma_wait3A_329 : memref<128x128xf32, #tpu.memory_space<vmem>>)
        %scan3A_341 = arith.constant 0 : i32
        %scan3A_342 = arith.constant 8 : i32
        %scan3A_343 = arith.addi %scan3A_341, %scan3A_342 : i32
        %scan3A_344 = arith.constant 1 : i32
        scf.for %scan3A_462 = %scan3A_341 to %scan3A_343 step %scan3A_344  : i32 {
          %mul3A_463 = arith.constant 1 : i32
          %mul3A_464 = arith.muli %scan3A_462, %mul3A_463 : i32
          %add3A_465 = arith.constant 0 : i32
          %add3A_466 = arith.addi %add3A_465, %mul3A_464 : i32
          %mul3A_467 = arith.constant 16 : i32
          %mul3A_468 = arith.muli %add3A_466, %mul3A_467 : i32
          %get3A = arith.index_cast %mul3A_468 : i32 to index
          %get3A_469 = arith.constant 0 : index
          %get3A_470 = tpu.vector_load %arg6[%get3A, %get3A_469] {strides = array<i32>} : memref<128x128xf32, #tpu.memory_space<vmem>>, vector<1x16xf32>,
          %get3A_471 = vector.shape_cast %get3A_470 : vector<1x16xf32> to vector<16xf32>
          %get3A_472 = arith.index_cast %mul3A_468 : i32 to index
          %get3A_473 = arith.constant 0 : index
          %get3A_474 = tpu.vector_load %arg7[%get3A_472, %get3A_473] {strides = array<i32>} : memref<128x128xf32, #tpu.memory_space<vmem>>, vector<1x16xf32>,
          %get3A_475 = vector.shape_cast %get3A_474 : vector<1x16xf32> to vector<16xf32>
          %sub3A_476 = arith.subf %get3A_471, %get3A_475 : vector<16xf32>
          %add3A_477 = arith.constant 1 : i32
          %add3A_478 = arith.addi %mul3A_468, %add3A_477 : i32
          %get3A_479 = arith.index_cast %add3A_478 : i32 to index
          %get3A_480 = arith.constant 0 : index
          %get3A_481 = tpu.vector_load %arg6[%get3A_479, %get3A_480] {strides = array<i32>} : memref<128x128xf32, #tpu.memory_space<vmem>>, vector<1x16xf32>,
          %get3A_482 = vector.shape_cast %get3A_481 : vector<1x16xf32> to vector<16xf32>
          %add3A_483 = arith.constant 1 : i32
          %add3A_484 = arith.addi %mul3A_468, %add3A_483 : i32
          %get3A_485 = arith.index_cast %add3A_484 : i32 to index
          %get3A_486 = arith.constant 0 : index
          %get3A_487 = tpu.vector_load %arg7[%get3A_485, %get3A_486] {strides = array<i32>} : memref<128x128xf32, #tpu.memory_space<vmem>>, vector<1x16xf32>,
          %get3A_488 = vector.shape_cast %get3A_487 : vector<1x16xf32> to vector<16xf32>
          %sub3A_489 = arith.subf %get3A_482, %get3A_488 : vector<16xf32>
          %max3A = arith.maximumf %sub3A_476, %sub3A_489 : vector<16xf32>
          %add3A_490 = arith.constant 2 : i32
          %add3A_491 = arith.addi %mul3A_468, %add3A_490 : i32
          %get3A_492 = arith.index_cast %add3A_491 : i32 to index
          %get3A_493 = arith.constant 0 : index
          %get3A_494 = tpu.vector_load %arg6[%get3A_492, %get3A_493] {strides = array<i32>} : memref<128x128xf32, #tpu.memory_space<vmem>>, vector<1x16xf32>,
          %get3A_495 = vector.shape_cast %get3A_494 : vector<1x16xf32> to vector<16xf32>
          %add3A_496 = arith.constant 2 : i32
          %add3A_497 = arith.addi %mul3A_468, %add3A_496 : i32
          %get3A_498 = arith.index_cast %add3A_497 : i32 to index
          %get3A_499 = arith.constant 0 : index
          %get3A_500 = tpu.vector_load %arg7[%get3A_498, %get3A_499] {strides = array<i32>} : memref<128x128xf32, #tpu.memory_space<vmem>>, vector<1x16xf32>,
          %get3A_501 = vector.shape_cast %get3A_500 : vector<1x16xf32> to vector<16xf32>
          %sub3A_502 = arith.subf %get3A_495, %get3A_501 : vector<16xf32>
          %max3A_503 = arith.maximumf %max3A, %sub3A_502 : vector<16xf32>
          %add3A_504 = arith.constant 3 : i32
          %add3A_505 = arith.addi %mul3A_468, %add3A_504 : i32
          %get3A_506 = arith.index_cast %add3A_505 : i32 to index
          %get3A_507 = arith.constant 0 : index
          %get3A_508 = tpu.vector_load %arg6[%get3A_506, %get3A_507] {strides = array<i32>} : memref<128x128xf32, #tpu.memory_space<vmem>>, vector<1x16xf32>,
          %get3A_509 = vector.shape_cast %get3A_508 : vector<1x16xf32> to vector<16xf32>
          %add3A_510 = arith.constant 3 : i32
          %add3A_511 = arith.addi %mul3A_468, %add3A_510 : i32
          %get3A_512 = arith.index_cast %add3A_511 : i32 to index
          %get3A_513 = arith.constant 0 : index
          %get3A_514 = tpu.vector_load %arg7[%get3A_512, %get3A_513] {strides = array<i32>} : memref<128x128xf32, #tpu.memory_space<vmem>>, vector<1x16xf32>,
          %get3A_515 = vector.shape_cast %get3A_514 : vector<1x16xf32> to vector<16xf32>
          %sub3A_516 = arith.subf %get3A_509, %get3A_515 : vector<16xf32>
          %max3A_517 = arith.maximumf %max3A_503, %sub3A_516 : vector<16xf32>
          %add3A_518 = arith.constant 4 : i32
          %add3A_519 = arith.addi %mul3A_468, %add3A_518 : i32
          %get3A_520 = arith.index_cast %add3A_519 : i32 to index
          %get3A_521 = arith.constant 0 : index
          %get3A_522 = tpu.vector_load %arg6[%get3A_520, %get3A_521] {strides = array<i32>} : memref<128x128xf32, #tpu.memory_space<vmem>>, vector<1x16xf32>,
          %get3A_523 = vector.shape_cast %get3A_522 : vector<1x16xf32> to vector<16xf32>
          %add3A_524 = arith.constant 4 : i32
          %add3A_525 = arith.addi %mul3A_468, %add3A_524 : i32
          %get3A_526 = arith.index_cast %add3A_525 : i32 to index
          %get3A_527 = arith.constant 0 : index
          %get3A_528 = tpu.vector_load %arg7[%get3A_526, %get3A_527] {strides = array<i32>} : memref<128x128xf32, #tpu.memory_space<vmem>>, vector<1x16xf32>,
          %get3A_529 = vector.shape_cast %get3A_528 : vector<1x16xf32> to vector<16xf32>
          %sub3A_530 = arith.subf %get3A_523, %get3A_529 : vector<16xf32>
          %max3A_531 = arith.maximumf %max3A_517, %sub3A_530 : vector<16xf32>
          %add3A_532 = arith.constant 5 : i32
          %add3A_533 = arith.addi %mul3A_468, %add3A_532 : i32
          %get3A_534 = arith.index_cast %add3A_533 : i32 to index
          %get3A_535 = arith.constant 0 : index
          %get3A_536 = tpu.vector_load %arg6[%get3A_534, %get3A_535] {strides = array<i32>} : memref<128x128xf32, #tpu.memory_space<vmem>>, vector<1x16xf32>,
          %get3A_537 = vector.shape_cast %get3A_536 : vector<1x16xf32> to vector<16xf32>
          %add3A_538 = arith.constant 5 : i32
          %add3A_539 = arith.addi %mul3A_468, %add3A_538 : i32
          %get3A_540 = arith.index_cast %add3A_539 : i32 to index
          %get3A_541 = arith.constant 0 : index
          %get3A_542 = tpu.vector_load %arg7[%get3A_540, %get3A_541] {strides = array<i32>} : memref<128x128xf32, #tpu.memory_space<vmem>>, vector<1x16xf32>,
          %get3A_543 = vector.shape_cast %get3A_542 : vector<1x16xf32> to vector<16xf32>
          %sub3A_544 = arith.subf %get3A_537, %get3A_543 : vector<16xf32>
          %max3A_545 = arith.maximumf %max3A_531, %sub3A_544 : vector<16xf32>
          %add3A_546 = arith.constant 6 : i32
          %add3A_547 = arith.addi %mul3A_468, %add3A_546 : i32
          %get3A_548 = arith.index_cast %add3A_547 : i32 to index
          %get3A_549 = arith.constant 0 : index
          %get3A_550 = tpu.vector_load %arg6[%get3A_548, %get3A_549] {strides = array<i32>} : memref<128x128xf32, #tpu.memory_space<vmem>>, vector<1x16xf32>,
          %get3A_551 = vector.shape_cast %get3A_550 : vector<1x16xf32> to vector<16xf32>
          %add3A_552 = arith.constant 6 : i32
          %add3A_553 = arith.addi %mul3A_468, %add3A_552 : i32
          %get3A_554 = arith.index_cast %add3A_553 : i32 to index
          %get3A_555 = arith.constant 0 : index
          %get3A_556 = tpu.vector_load %arg7[%get3A_554, %get3A_555] {strides = array<i32>} : memref<128x128xf32, #tpu.memory_space<vmem>>, vector<1x16xf32>,
          %get3A_557 = vector.shape_cast %get3A_556 : vector<1x16xf32> to vector<16xf32>
          %sub3A_558 = arith.subf %get3A_551, %get3A_557 : vector<16xf32>
          %max3A_559 = arith.maximumf %max3A_545, %sub3A_558 : vector<16xf32>
          %add3A_560 = arith.constant 7 : i32
          %add3A_561 = arith.addi %mul3A_468, %add3A_560 : i32
          %get3A_562 = arith.index_cast %add3A_561 : i32 to index
          %get3A_563 = arith.constant 0 : index
          %get3A_564 = tpu.vector_load %arg6[%get3A_562, %get3A_563] {strides = array<i32>} : memref<128x128xf32, #tpu.memory_space<vmem>>, vector<1x16xf32>,
          %get3A_565 = vector.shape_cast %get3A_564 : vector<1x16xf32> to vector<16xf32>
          %add3A_566 = arith.constant 7 : i32
          %add3A_567 = arith.addi %mul3A_468, %add3A_566 : i32
          %get3A_568 = arith.index_cast %add3A_567 : i32 to index
          %get3A_569 = arith.constant 0 : index
          %get3A_570 = tpu.vector_load %arg7[%get3A_568, %get3A_569] {strides = array<i32>} : memref<128x128xf32, #tpu.memory_space<vmem>>, vector<1x16xf32>,
          %get3A_571 = vector.shape_cast %get3A_570 : vector<1x16xf32> to vector<16xf32>
          %sub3A_572 = arith.subf %get3A_565, %get3A_571 : vector<16xf32>
          %max3A_573 = arith.maximumf %max3A_559, %sub3A_572 : vector<16xf32>
          %add3A_574 = arith.constant 8 : i32
          %add3A_575 = arith.addi %mul3A_468, %add3A_574 : i32
          %get3A_576 = arith.index_cast %add3A_575 : i32 to index
          %get3A_577 = arith.constant 0 : index
          %get3A_578 = tpu.vector_load %arg6[%get3A_576, %get3A_577] {strides = array<i32>} : memref<128x128xf32, #tpu.memory_space<vmem>>, vector<1x16xf32>,
          %get3A_579 = vector.shape_cast %get3A_578 : vector<1x16xf32> to vector<16xf32>
          %add3A_580 = arith.constant 8 : i32
          %add3A_581 = arith.addi %mul3A_468, %add3A_580 : i32
          %get3A_582 = arith.index_cast %add3A_581 : i32 to index
          %get3A_583 = arith.constant 0 : index
          %get3A_584 = tpu.vector_load %arg7[%get3A_582, %get3A_583] {strides = array<i32>} : memref<128x128xf32, #tpu.memory_space<vmem>>, vector<1x16xf32>,
          %get3A_585 = vector.shape_cast %get3A_584 : vector<1x16xf32> to vector<16xf32>
          %sub3A_586 = arith.subf %get3A_579, %get3A_585 : vector<16xf32>
          %max3A_587 = arith.maximumf %max3A_573, %sub3A_586 : vector<16xf32>
          %add3A_588 = arith.constant 9 : i32
          %add3A_589 = arith.addi %mul3A_468, %add3A_588 : i32
          %get3A_590 = arith.index_cast %add3A_589 : i32 to index
          %get3A_591 = arith.constant 0 : index
          %get3A_592 = tpu.vector_load %arg6[%get3A_590, %get3A_591] {strides = array<i32>} : memref<128x128xf32, #tpu.memory_space<vmem>>, vector<1x16xf32>,
          %get3A_593 = vector.shape_cast %get3A_592 : vector<1x16xf32> to vector<16xf32>
          %add3A_594 = arith.constant 9 : i32
          %add3A_595 = arith.addi %mul3A_468, %add3A_594 : i32
          %get3A_596 = arith.index_cast %add3A_595 : i32 to index
          %get3A_597 = arith.constant 0 : index
          %get3A_598 = tpu.vector_load %arg7[%get3A_596, %get3A_597] {strides = array<i32>} : memref<128x128xf32, #tpu.memory_space<vmem>>, vector<1x16xf32>,
          %get3A_599 = vector.shape_cast %get3A_598 : vector<1x16xf32> to vector<16xf32>
          %sub3A_600 = arith.subf %get3A_593, %get3A_599 : vector<16xf32>
          %max3A_601 = arith.maximumf %max3A_587, %sub3A_600 : vector<16xf32>
          %add3A_602 = arith.constant 10 : i32
          %add3A_603 = arith.addi %mul3A_468, %add3A_602 : i32
          %get3A_604 = arith.index_cast %add3A_603 : i32 to index
          %get3A_605 = arith.constant 0 : index
          %get3A_606 = tpu.vector_load %arg6[%get3A_604, %get3A_605] {strides = array<i32>} : memref<128x128xf32, #tpu.memory_space<vmem>>, vector<1x16xf32>,
          %get3A_607 = vector.shape_cast %get3A_606 : vector<1x16xf32> to vector<16xf32>
          %add3A_608 = arith.constant 10 : i32
          %add3A_609 = arith.addi %mul3A_468, %add3A_608 : i32
          %get3A_610 = arith.index_cast %add3A_609 : i32 to index
          %get3A_611 = arith.constant 0 : index
          %get3A_612 = tpu.vector_load %arg7[%get3A_610, %get3A_611] {strides = array<i32>} : memref<128x128xf32, #tpu.memory_space<vmem>>, vector<1x16xf32>,
          %get3A_613 = vector.shape_cast %get3A_612 : vector<1x16xf32> to vector<16xf32>
          %sub3A_614 = arith.subf %get3A_607, %get3A_613 : vector<16xf32>
          %max3A_615 = arith.maximumf %max3A_601, %sub3A_614 : vector<16xf32>
          %add3A_616 = arith.constant 11 : i32
          %add3A_617 = arith.addi %mul3A_468, %add3A_616 : i32
          %get3A_618 = arith.index_cast %add3A_617 : i32 to index
          %get3A_619 = arith.constant 0 : index
          %get3A_620 = tpu.vector_load %arg6[%get3A_618, %get3A_619] {strides = array<i32>} : memref<128x128xf32, #tpu.memory_space<vmem>>, vector<1x16xf32>,
          %get3A_621 = vector.shape_cast %get3A_620 : vector<1x16xf32> to vector<16xf32>
          %add3A_622 = arith.constant 11 : i32
          %add3A_623 = arith.addi %mul3A_468, %add3A_622 : i32
          %get3A_624 = arith.index_cast %add3A_623 : i32 to index
          %get3A_625 = arith.constant 0 : index
          %get3A_626 = tpu.vector_load %arg7[%get3A_624, %get3A_625] {strides = array<i32>} : memref<128x128xf32, #tpu.memory_space<vmem>>, vector<1x16xf32>,
          %get3A_627 = vector.shape_cast %get3A_626 : vector<1x16xf32> to vector<16xf32>
          %sub3A_628 = arith.subf %get3A_621, %get3A_627 : vector<16xf32>
          %max3A_629 = arith.maximumf %max3A_615, %sub3A_628 : vector<16xf32>
          %add3A_630 = arith.constant 12 : i32
          %add3A_631 = arith.addi %mul3A_468, %add3A_630 : i32
          %get3A_632 = arith.index_cast %add3A_631 : i32 to index
          %get3A_633 = arith.constant 0 : index
          %get3A_634 = tpu.vector_load %arg6[%get3A_632, %get3A_633] {strides = array<i32>} : memref<128x128xf32, #tpu.memory_space<vmem>>, vector<1x16xf32>,
          %get3A_635 = vector.shape_cast %get3A_634 : vector<1x16xf32> to vector<16xf32>
          %add3A_636 = arith.constant 12 : i32
          %add3A_637 = arith.addi %mul3A_468, %add3A_636 : i32
          %get3A_638 = arith.index_cast %add3A_637 : i32 to index
          %get3A_639 = arith.constant 0 : index
          %get3A_640 = tpu.vector_load %arg7[%get3A_638, %get3A_639] {strides = array<i32>} : memref<128x128xf32, #tpu.memory_space<vmem>>, vector<1x16xf32>,
          %get3A_641 = vector.shape_cast %get3A_640 : vector<1x16xf32> to vector<16xf32>
          %sub3A_642 = arith.subf %get3A_635, %get3A_641 : vector<16xf32>
          %max3A_643 = arith.maximumf %max3A_629, %sub3A_642 : vector<16xf32>
          %add3A_644 = arith.constant 13 : i32
          %add3A_645 = arith.addi %mul3A_468, %add3A_644 : i32
          %get3A_646 = arith.index_cast %add3A_645 : i32 to index
          %get3A_647 = arith.constant 0 : index
          %get3A_648 = tpu.vector_load %arg6[%get3A_646, %get3A_647] {strides = array<i32>} : memref<128x128xf32, #tpu.memory_space<vmem>>, vector<1x16xf32>,
          %get3A_649 = vector.shape_cast %get3A_648 : vector<1x16xf32> to vector<16xf32>
          %add3A_650 = arith.constant 13 : i32
          %add3A_651 = arith.addi %mul3A_468, %add3A_650 : i32
          %get3A_652 = arith.index_cast %add3A_651 : i32 to index
          %get3A_653 = arith.constant 0 : index
          %get3A_654 = tpu.vector_load %arg7[%get3A_652, %get3A_653] {strides = array<i32>} : memref<128x128xf32, #tpu.memory_space<vmem>>, vector<1x16xf32>,
          %get3A_655 = vector.shape_cast %get3A_654 : vector<1x16xf32> to vector<16xf32>
          %sub3A_656 = arith.subf %get3A_649, %get3A_655 : vector<16xf32>
          %max3A_657 = arith.maximumf %max3A_643, %sub3A_656 : vector<16xf32>
          %add3A_658 = arith.constant 14 : i32
          %add3A_659 = arith.addi %mul3A_468, %add3A_658 : i32
          %get3A_660 = arith.index_cast %add3A_659 : i32 to index
          %get3A_661 = arith.constant 0 : index
          %get3A_662 = tpu.vector_load %arg6[%get3A_660, %get3A_661] {strides = array<i32>} : memref<128x128xf32, #tpu.memory_space<vmem>>, vector<1x16xf32>,
          %get3A_663 = vector.shape_cast %get3A_662 : vector<1x16xf32> to vector<16xf32>
          %add3A_664 = arith.constant 14 : i32
          %add3A_665 = arith.addi %mul3A_468, %add3A_664 : i32
          %get3A_666 = arith.index_cast %add3A_665 : i32 to index
          %get3A_667 = arith.constant 0 : index
          %get3A_668 = tpu.vector_load %arg7[%get3A_666, %get3A_667] {strides = array<i32>} : memref<128x128xf32, #tpu.memory_space<vmem>>, vector<1x16xf32>,
          %get3A_669 = vector.shape_cast %get3A_668 : vector<1x16xf32> to vector<16xf32>
          %sub3A_670 = arith.subf %get3A_663, %get3A_669 : vector<16xf32>
          %max3A_671 = arith.maximumf %max3A_657, %sub3A_670 : vector<16xf32>
          %add3A_672 = arith.constant 15 : i32
          %add3A_673 = arith.addi %mul3A_468, %add3A_672 : i32
          %get3A_674 = arith.index_cast %add3A_673 : i32 to index
          %get3A_675 = arith.constant 0 : index
          %get3A_676 = tpu.vector_load %arg6[%get3A_674, %get3A_675] {strides = array<i32>} : memref<128x128xf32, #tpu.memory_space<vmem>>, vector<1x16xf32>,
          %get3A_677 = vector.shape_cast %get3A_676 : vector<1x16xf32> to vector<16xf32>
          %add3A_678 = arith.constant 15 : i32
          %add3A_679 = arith.addi %mul3A_468, %add3A_678 : i32
          %get3A_680 = arith.index_cast %add3A_679 : i32 to index
          %get3A_681 = arith.constant 0 : index
          %get3A_682 = tpu.vector_load %arg7[%get3A_680, %get3A_681] {strides = array<i32>} : memref<128x128xf32, #tpu.memory_space<vmem>>, vector<1x16xf32>,
          %get3A_683 = vector.shape_cast %get3A_682 : vector<1x16xf32> to vector<16xf32>
          %sub3A_684 = arith.subf %get3A_677, %get3A_683 : vector<16xf32>
          %max3A_685 = arith.maximumf %max3A_671, %sub3A_684 : vector<16xf32>
          %swap3A = arith.constant 0 : i32
          %swap3A_686 = arith.constant 0 : i32
          %swap3A_687 = tpu.memref_slice %run_scoped3A_10[%rem3A_276, %swap3A, %swap3A_686] : memref<2x8x128xf32, #tpu.memory_space<vmem>> -> memref<1x8x128xf32, #tpu.memory_space<vmem>>
          %swap3A_688 = tpu.memref_squeeze %swap3A_687 : memref<1x8x128xf32, #tpu.memory_space<vmem>> -> memref<8x128xf32, #tpu.memory_space<vmem>>
          %swap3A_689 = arith.index_cast %add3A_466 : i32 to index
          %swap3A_690 = arith.constant 0 : index
          %swap3A_691 = tpu.vector_load %swap3A_688[%swap3A_689, %swap3A_690] {strides = array<i32>} : memref<8x128xf32, #tpu.memory_space<vmem>>, vector<1x16xf32>,
          %swap3A_692 = vector.shape_cast %swap3A_691 : vector<1x16xf32> to vector<16xf32>
          %swap3A_693 = vector.shape_cast %max3A_685 : vector<16xf32> to vector<1x16xf32>
          tpu.vector_store %swap3A_688[%swap3A_689, %swap3A_690], %swap3A_693 {strides = array<i32>} : memref<8x128xf32, #tpu.memory_space<vmem>>, vector<1x16xf32>,
          %get3A_694 = arith.index_cast %mul3A_468 : i32 to index
          %get3A_695 = arith.constant 16 : index
          %get3A_696 = tpu.vector_load %arg6[%get3A_694, %get3A_695] {strides = array<i32>} : memref<128x128xf32, #tpu.memory_space<vmem>>, vector<1x16xf32>,
          %get3A_697 = vector.shape_cast %get3A_696 : vector<1x16xf32> to vector<16xf32>
          %get3A_698 = arith.index_cast %mul3A_468 : i32 to index
          %get3A_699 = arith.constant 16 : index
          %get3A_700 = tpu.vector_load %arg7[%get3A_698, %get3A_699] {strides = array<i32>} : memref<128x128xf32, #tpu.memory_space<vmem>>, vector<1x16xf32>,
          %get3A_701 = vector.shape_cast %get3A_700 : vector<1x16xf32> to vector<16xf32>
          %sub3A_702 = arith.subf %get3A_697, %get3A_701 : vector<16xf32>
          %add3A_703 = arith.constant 1 : i32
          %add3A_704 = arith.addi %mul3A_468, %add3A_703 : i32
          %get3A_705 = arith.index_cast %add3A_704 : i32 to index
          %get3A_706 = arith.constant 16 : index
          %get3A_707 = tpu.vector_load %arg6[%get3A_705, %get3A_706] {strides = array<i32>} : memref<128x128xf32, #tpu.memory_space<vmem>>, vector<1x16xf32>,
          %get3A_708 = vector.shape_cast %get3A_707 : vector<1x16xf32> to vector<16xf32>
          %add3A_709 = arith.constant 1 : i32
          %add3A_710 = arith.addi %mul3A_468, %add3A_709 : i32
          %get3A_711 = arith.index_cast %add3A_710 : i32 to index
          %get3A_712 = arith.constant 16 : index
          %get3A_713 = tpu.vector_load %arg7[%get3A_711, %get3A_712] {strides = array<i32>} : memref<128x128xf32, #tpu.memory_space<vmem>>, vector<1x16xf32>,
          %get3A_714 = vector.shape_cast %get3A_713 : vector<1x16xf32> to vector<16xf32>
          %sub3A_715 = arith.subf %get3A_708, %get3A_714 : vector<16xf32>
          %max3A_716 = arith.maximumf %sub3A_702, %sub3A_715 : vector<16xf32>
          %add3A_717 = arith.constant 2 : i32
          %add3A_718 = arith.addi %mul3A_468, %add3A_717 : i32
          %get3A_719 = arith.index_cast %add3A_718 : i32 to index
          %get3A_720 = arith.constant 16 : index
          %get3A_721 = tpu.vector_load %arg6[%get3A_719, %get3A_720] {strides = array<i32>} : memref<128x128xf32, #tpu.memory_space<vmem>>, vector<1x16xf32>,
          %get3A_722 = vector.shape_cast %get3A_721 : vector<1x16xf32> to vector<16xf32>
          %add3A_723 = arith.constant 2 : i32
          %add3A_724 = arith.addi %mul3A_468, %add3A_723 : i32
          %get3A_725 = arith.index_cast %add3A_724 : i32 to index
          %get3A_726 = arith.constant 16 : index
          %get3A_727 = tpu.vector_load %arg7[%get3A_725, %get3A_726] {strides = array<i32>} : memref<128x128xf32, #tpu.memory_space<vmem>>, vector<1x16xf32>,
          %get3A_728 = vector.shape_cast %get3A_727 : vector<1x16xf32> to vector<16xf32>
          %sub3A_729 = arith.subf %get3A_722, %get3A_728 : vector<16xf32>
          %max3A_730 = arith.maximumf %max3A_716, %sub3A_729 : vector<16xf32>
          %add3A_731 = arith.constant 3 : i32
          %add3A_732 = arith.addi %mul3A_468, %add3A_731 : i32
          %get3A_733 = arith.index_cast %add3A_732 : i32 to index
          %get3A_734 = arith.constant 16 : index
          %get3A_735 = tpu.vector_load %arg6[%get3A_733, %get3A_734] {strides = array<i32>} : memref<128x128xf32, #tpu.memory_space<vmem>>, vector<1x16xf32>,
          %get3A_736 = vector.shape_cast %get3A_735 : vector<1x16xf32> to vector<16xf32>
          %add3A_737 = arith.constant 3 : i32
          %add3A_738 = arith.addi %mul3A_468, %add3A_737 : i32
          %get3A_739 = arith.index_cast %add3A_738 : i32 to index
          %get3A_740 = arith.constant 16 : index
          %get3A_741 = tpu.vector_load %arg7[%get3A_739, %get3A_740] {strides = array<i32>} : memref<128x128xf32, #tpu.memory_space<vmem>>, vector<1x16xf32>,
          %get3A_742 = vector.shape_cast %get3A_741 : vector<1x16xf32> to vector<16xf32>
          %sub3A_743 = arith.subf %get3A_736, %get3A_742 : vector<16xf32>
          %max3A_744 = arith.maximumf %max3A_730, %sub3A_743 : vector<16xf32>
          %add3A_745 = arith.constant 4 : i32
          %add3A_746 = arith.addi %mul3A_468, %add3A_745 : i32
          %get3A_747 = arith.index_cast %add3A_746 : i32 to index
          %get3A_748 = arith.constant 16 : index
          %get3A_749 = tpu.vector_load %arg6[%get3A_747, %get3A_748] {strides = array<i32>} : memref<128x128xf32, #tpu.memory_space<vmem>>, vector<1x16xf32>,
          %get3A_750 = vector.shape_cast %get3A_749 : vector<1x16xf32> to vector<16xf32>
          %add3A_751 = arith.constant 4 : i32
          %add3A_752 = arith.addi %mul3A_468, %add3A_751 : i32
          %get3A_753 = arith.index_cast %add3A_752 : i32 to index
          %get3A_754 = arith.constant 16 : index
          %get3A_755 = tpu.vector_load %arg7[%get3A_753, %get3A_754] {strides = array<i32>} : memref<128x128xf32, #tpu.memory_space<vmem>>, vector<1x16xf32>,
          %get3A_756 = vector.shape_cast %get3A_755 : vector<1x16xf32> to vector<16xf32>
          %sub3A_757 = arith.subf %get3A_750, %get3A_756 : vector<16xf32>
          %max3A_758 = arith.maximumf %max3A_744, %sub3A_757 : vector<16xf32>
          %add3A_759 = arith.constant 5 : i32
          %add3A_760 = arith.addi %mul3A_468, %add3A_759 : i32
          %get3A_761 = arith.index_cast %add3A_760 : i32 to index
          %get3A_762 = arith.constant 16 : index
          %get3A_763 = tpu.vector_load %arg6[%get3A_761, %get3A_762] {strides = array<i32>} : memref<128x128xf32, #tpu.memory_space<vmem>>, vector<1x16xf32>,
          %get3A_764 = vector.shape_cast %get3A_763 : vector<1x16xf32> to vector<16xf32>
          %add3A_765 = arith.constant 5 : i32
          %add3A_766 = arith.addi %mul3A_468, %add3A_765 : i32
          %get3A_767 = arith.index_cast %add3A_766 : i32 to index
          %get3A_768 = arith.constant 16 : index
          %get3A_769 = tpu.vector_load %arg7[%get3A_767, %get3A_768] {strides = array<i32>} : memref<128x128xf32, #tpu.memory_space<vmem>>, vector<1x16xf32>,
          %get3A_770 = vector.shape_cast %get3A_769 : vector<1x16xf32> to vector<16xf32>
          %sub3A_771 = arith.subf %get3A_764, %get3A_770 : vector<16xf32>
          %max3A_772 = arith.maximumf %max3A_758, %sub3A_771 : vector<16xf32>
          %add3A_773 = arith.constant 6 : i32
          %add3A_774 = arith.addi %mul3A_468, %add3A_773 : i32
          %get3A_775 = arith.index_cast %add3A_774 : i32 to index
          %get3A_776 = arith.constant 16 : index
          %get3A_777 = tpu.vector_load %arg6[%get3A_775, %get3A_776] {strides = array<i32>} : memref<128x128xf32, #tpu.memory_space<vmem>>, vector<1x16xf32>,
          %get3A_778 = vector.shape_cast %get3A_777 : vector<1x16xf32> to vector<16xf32>
          %add3A_779 = arith.constant 6 : i32
          %add3A_780 = arith.addi %mul3A_468, %add3A_779 : i32
          %get3A_781 = arith.index_cast %add3A_780 : i32 to index
          %get3A_782 = arith.constant 16 : index
          %get3A_783 = tpu.vector_load %arg7[%get3A_781, %get3A_782] {strides = array<i32>} : memref<128x128xf32, #tpu.memory_space<vmem>>, vector<1x16xf32>,
          %get3A_784 = vector.shape_cast %get3A_783 : vector<1x16xf32> to vector<16xf32>
          %sub3A_785 = arith.subf %get3A_778, %get3A_784 : vector<16xf32>
          %max3A_786 = arith.maximumf %max3A_772, %sub3A_785 : vector<16xf32>
          %add3A_787 = arith.constant 7 : i32
          %add3A_788 = arith.addi %mul3A_468, %add3A_787 : i32
          %get3A_789 = arith.index_cast %add3A_788 : i32 to index
          %get3A_790 = arith.constant 16 : index
          %get3A_791 = tpu.vector_load %arg6[%get3A_789, %get3A_790] {strides = array<i32>} : memref<128x128xf32, #tpu.memory_space<vmem>>, vector<1x16xf32>,
          %get3A_792 = vector.shape_cast %get3A_791 : vector<1x16xf32> to vector<16xf32>
          %add3A_793 = arith.constant 7 : i32
          %add3A_794 = arith.addi %mul3A_468, %add3A_793 : i32
          %get3A_795 = arith.index_cast %add3A_794 : i32 to index
          %get3A_796 = arith.constant 16 : index
          %get3A_797 = tpu.vector_load %arg7[%get3A_795, %get3A_796] {strides = array<i32>} : memref<128x128xf32, #tpu.memory_space<vmem>>, vector<1x16xf32>,
          %get3A_798 = vector.shape_cast %get3A_797 : vector<1x16xf32> to vector<16xf32>
          %sub3A_799 = arith.subf %get3A_792, %get3A_798 : vector<16xf32>
          %max3A_800 = arith.maximumf %max3A_786, %sub3A_799 : vector<16xf32>
          %add3A_801 = arith.constant 8 : i32
          %add3A_802 = arith.addi %mul3A_468, %add3A_801 : i32
          %get3A_803 = arith.index_cast %add3A_802 : i32 to index
          %get3A_804 = arith.constant 16 : index
          %get3A_805 = tpu.vector_load %arg6[%get3A_803, %get3A_804] {strides = array<i32>} : memref<128x128xf32, #tpu.memory_space<vmem>>, vector<1x16xf32>,
          %get3A_806 = vector.shape_cast %get3A_805 : vector<1x16xf32> to vector<16xf32>
          %add3A_807 = arith.constant 8 : i32
          %add3A_808 = arith.addi %mul3A_468, %add3A_807 : i32
          %get3A_809 = arith.index_cast %add3A_808 : i32 to index
          %get3A_810 = arith.constant 16 : index
          %get3A_811 = tpu.vector_load %arg7[%get3A_809, %get3A_810] {strides = array<i32>} : memref<128x128xf32, #tpu.memory_space<vmem>>, vector<1x16xf32>,
          %get3A_812 = vector.shape_cast %get3A_811 : vector<1x16xf32> to vector<16xf32>
          %sub3A_813 = arith.subf %get3A_806, %get3A_812 : vector<16xf32>
          %max3A_814 = arith.maximumf %max3A_800, %sub3A_813 : vector<16xf32>
          %add3A_815 = arith.constant 9 : i32
          %add3A_816 = arith.addi %mul3A_468, %add3A_815 : i32
          %get3A_817 = arith.index_cast %add3A_816 : i32 to index
          %get3A_818 = arith.constant 16 : index
          %get3A_819 = tpu.vector_load %arg6[%get3A_817, %get3A_818] {strides = array<i32>} : memref<128x128xf32, #tpu.memory_space<vmem>>, vector<1x16xf32>,
          %get3A_820 = vector.shape_cast %get3A_819 : vector<1x16xf32> to vector<16xf32>
          %add3A_821 = arith.constant 9 : i32
          %add3A_822 = arith.addi %mul3A_468, %add3A_821 : i32
          %get3A_823 = arith.index_cast %add3A_822 : i32 to index
          %get3A_824 = arith.constant 16 : index
          %get3A_825 = tpu.vector_load %arg7[%get3A_823, %get3A_824] {strides = array<i32>} : memref<128x128xf32, #tpu.memory_space<vmem>>, vector<1x16xf32>,
          %get3A_826 = vector.shape_cast %get3A_825 : vector<1x16xf32> to vector<16xf32>
          %sub3A_827 = arith.subf %get3A_820, %get3A_826 : vector<16xf32>
          %max3A_828 = arith.maximumf %max3A_814, %sub3A_827 : vector<16xf32>
          %add3A_829 = arith.constant 10 : i32
          %add3A_830 = arith.addi %mul3A_468, %add3A_829 : i32
          %get3A_831 = arith.index_cast %add3A_830 : i32 to index
          %get3A_832 = arith.constant 16 : index
          %get3A_833 = tpu.vector_load %arg6[%get3A_831, %get3A_832] {strides = array<i32>} : memref<128x128xf32, #tpu.memory_space<vmem>>, vector<1x16xf32>,
          %get3A_834 = vector.shape_cast %get3A_833 : vector<1x16xf32> to vector<16xf32>
          %add3A_835 = arith.constant 10 : i32
          %add3A_836 = arith.addi %mul3A_468, %add3A_835 : i32
          %get3A_837 = arith.index_cast %add3A_836 : i32 to index
          %get3A_838 = arith.constant 16 : index
          %get3A_839 = tpu.vector_load %arg7[%get3A_837, %get3A_838] {strides = array<i32>} : memref<128x128xf32, #tpu.memory_space<vmem>>, vector<1x16xf32>,
          %get3A_840 = vector.shape_cast %get3A_839 : vector<1x16xf32> to vector<16xf32>
          %sub3A_841 = arith.subf %get3A_834, %get3A_840 : vector<16xf32>
          %max3A_842 = arith.maximumf %max3A_828, %sub3A_841 : vector<16xf32>
          %add3A_843 = arith.constant 11 : i32
          %add3A_844 = arith.addi %mul3A_468, %add3A_843 : i32
          %get3A_845 = arith.index_cast %add3A_844 : i32 to index
          %get3A_846 = arith.constant 16 : index
          %get3A_847 = tpu.vector_load %arg6[%get3A_845, %get3A_846] {strides = array<i32>} : memref<128x128xf32, #tpu.memory_space<vmem>>, vector<1x16xf32>,
          %get3A_848 = vector.shape_cast %get3A_847 : vector<1x16xf32> to vector<16xf32>
          %add3A_849 = arith.constant 11 : i32
          %add3A_850 = arith.addi %mul3A_468, %add3A_849 : i32
          %get3A_851 = arith.index_cast %add3A_850 : i32 to index
          %get3A_852 = arith.constant 16 : index
          %get3A_853 = tpu.vector_load %arg7[%get3A_851, %get3A_852] {strides = array<i32>} : memref<128x128xf32, #tpu.memory_space<vmem>>, vector<1x16xf32>,
          %get3A_854 = vector.shape_cast %get3A_853 : vector<1x16xf32> to vector<16xf32>
          %sub3A_855 = arith.subf %get3A_848, %get3A_854 : vector<16xf32>
          %max3A_856 = arith.maximumf %max3A_842, %sub3A_855 : vector<16xf32>
          %add3A_857 = arith.constant 12 : i32
          %add3A_858 = arith.addi %mul3A_468, %add3A_857 : i32
          %get3A_859 = arith.index_cast %add3A_858 : i32 to index
          %get3A_860 = arith.constant 16 : index
          %get3A_861 = tpu.vector_load %arg6[%get3A_859, %get3A_860] {strides = array<i32>} : memref<128x128xf32, #tpu.memory_space<vmem>>, vector<1x16xf32>,
          %get3A_862 = vector.shape_cast %get3A_861 : vector<1x16xf32> to vector<16xf32>
          %add3A_863 = arith.constant 12 : i32
          %add3A_864 = arith.addi %mul3A_468, %add3A_863 : i32
          %get3A_865 = arith.index_cast %add3A_864 : i32 to index
          %get3A_866 = arith.constant 16 : index
          %get3A_867 = tpu.vector_load %arg7[%get3A_865, %get3A_866] {strides = array<i32>} : memref<128x128xf32, #tpu.memory_space<vmem>>, vector<1x16xf32>,
          %get3A_868 = vector.shape_cast %get3A_867 : vector<1x16xf32> to vector<16xf32>
          %sub3A_869 = arith.subf %get3A_862, %get3A_868 : vector<16xf32>
          %max3A_870 = arith.maximumf %max3A_856, %sub3A_869 : vector<16xf32>
          %add3A_871 = arith.constant 13 : i32
          %add3A_872 = arith.addi %mul3A_468, %add3A_871 : i32
          %get3A_873 = arith.index_cast %add3A_872 : i32 to index
          %get3A_874 = arith.constant 16 : index
          %get3A_875 = tpu.vector_load %arg6[%get3A_873, %get3A_874] {strides = array<i32>} : memref<128x128xf32, #tpu.memory_space<vmem>>, vector<1x16xf32>,
          %get3A_876 = vector.shape_cast %get3A_875 : vector<1x16xf32> to vector<16xf32>
          %add3A_877 = arith.constant 13 : i32
          %add3A_878 = arith.addi %mul3A_468, %add3A_877 : i32
          %get3A_879 = arith.index_cast %add3A_878 : i32 to index
          %get3A_880 = arith.constant 16 : index
          %get3A_881 = tpu.vector_load %arg7[%get3A_879, %get3A_880] {strides = array<i32>} : memref<128x128xf32, #tpu.memory_space<vmem>>, vector<1x16xf32>,
          %get3A_882 = vector.shape_cast %get3A_881 : vector<1x16xf32> to vector<16xf32>
          %sub3A_883 = arith.subf %get3A_876, %get3A_882 : vector<16xf32>
          %max3A_884 = arith.maximumf %max3A_870, %sub3A_883 : vector<16xf32>
          %add3A_885 = arith.constant 14 : i32
          %add3A_886 = arith.addi %mul3A_468, %add3A_885 : i32
          %get3A_887 = arith.index_cast %add3A_886 : i32 to index
          %get3A_888 = arith.constant 16 : index
          %get3A_889 = tpu.vector_load %arg6[%get3A_887, %get3A_888] {strides = array<i32>} : memref<128x128xf32, #tpu.memory_space<vmem>>, vector<1x16xf32>,
          %get3A_890 = vector.shape_cast %get3A_889 : vector<1x16xf32> to vector<16xf32>
          %add3A_891 = arith.constant 14 : i32
          %add3A_892 = arith.addi %mul3A_468, %add3A_891 : i32
          %get3A_893 = arith.index_cast %add3A_892 : i32 to index
          %get3A_894 = arith.constant 16 : index
          %get3A_895 = tpu.vector_load %arg7[%get3A_893, %get3A_894] {strides = array<i32>} : memref<128x128xf32, #tpu.memory_space<vmem>>, vector<1x16xf32>,
          %get3A_896 = vector.shape_cast %get3A_895 : vector<1x16xf32> to vector<16xf32>
          %sub3A_897 = arith.subf %get3A_890, %get3A_896 : vector<16xf32>
          %max3A_898 = arith.maximumf %max3A_884, %sub3A_897 : vector<16xf32>
          %add3A_899 = arith.constant 15 : i32
          %add3A_900 = arith.addi %mul3A_468, %add3A_899 : i32
          %get3A_901 = arith.index_cast %add3A_900 : i32 to index
          %get3A_902 = arith.constant 16 : index
          %get3A_903 = tpu.vector_load %arg6[%get3A_901, %get3A_902] {strides = array<i32>} : memref<128x128xf32, #tpu.memory_space<vmem>>, vector<1x16xf32>,
          %get3A_904 = vector.shape_cast %get3A_903 : vector<1x16xf32> to vector<16xf32>
          %add3A_905 = arith.constant 15 : i32
          %add3A_906 = arith.addi %mul3A_468, %add3A_905 : i32
          %get3A_907 = arith.index_cast %add3A_906 : i32 to index
          %get3A_908 = arith.constant 16 : index
          %get3A_909 = tpu.vector_load %arg7[%get3A_907, %get3A_908] {strides = array<i32>} : memref<128x128xf32, #tpu.memory_space<vmem>>, vector<1x16xf32>,
          %get3A_910 = vector.shape_cast %get3A_909 : vector<1x16xf32> to vector<16xf32>
          %sub3A_911 = arith.subf %get3A_904, %get3A_910 : vector<16xf32>
          %max3A_912 = arith.maximumf %max3A_898, %sub3A_911 : vector<16xf32>
          %swap3A_913 = arith.constant 0 : i32
          %swap3A_914 = arith.constant 0 : i32
          %swap3A_915 = tpu.memref_slice %run_scoped3A_10[%rem3A_276, %swap3A_913, %swap3A_914] : memref<2x8x128xf32, #tpu.memory_space<vmem>> -> memref<1x8x128xf32, #tpu.memory_space<vmem>>
          %swap3A_916 = tpu.memref_squeeze %swap3A_915 : memref<1x8x128xf32, #tpu.memory_space<vmem>> -> memref<8x128xf32, #tpu.memory_space<vmem>>
          %swap3A_917 = arith.index_cast %add3A_466 : i32 to index
          %swap3A_918 = arith.constant 16 : index
          %swap3A_919 = tpu.vector_load %swap3A_916[%swap3A_917, %swap3A_918] {strides = array<i32>} : memref<8x128xf32, #tpu.memory_space<vmem>>, vector<1x16xf32>,
          %swap3A_920 = vector.shape_cast %swap3A_919 : vector<1x16xf32> to vector<16xf32>
          %swap3A_921 = vector.shape_cast %max3A_912 : vector<16xf32> to vector<1x16xf32>
          tpu.vector_store %swap3A_916[%swap3A_917, %swap3A_918], %swap3A_921 {strides = array<i32>} : memref<8x128xf32, #tpu.memory_space<vmem>>, vector<1x16xf32>,
          %get3A_922 = arith.index_cast %mul3A_468 : i32 to index
          %get3A_923 = arith.constant 32 : index
          %get3A_924 = tpu.vector_load %arg6[%get3A_922, %get3A_923] {strides = array<i32>} : memref<128x128xf32, #tpu.memory_space<vmem>>, vector<1x16xf32>,
          %get3A_925 = vector.shape_cast %get3A_924 : vector<1x16xf32> to vector<16xf32>
          %get3A_926 = arith.index_cast %mul3A_468 : i32 to index
          %get3A_927 = arith.constant 32 : index
          %get3A_928 = tpu.vector_load %arg7[%get3A_926, %get3A_927] {strides = array<i32>} : memref<128x128xf32, #tpu.memory_space<vmem>>, vector<1x16xf32>,
          %get3A_929 = vector.shape_cast %get3A_928 : vector<1x16xf32> to vector<16xf32>
          %sub3A_930 = arith.subf %get3A_925, %get3A_929 : vector<16xf32>
          %add3A_931 = arith.constant 1 : i32
          %add3A_932 = arith.addi %mul3A_468, %add3A_931 : i32
          %get3A_933 = arith.index_cast %add3A_932 : i32 to index
          %get3A_934 = arith.constant 32 : index
          %get3A_935 = tpu.vector_load %arg6[%get3A_933, %get3A_934] {strides = array<i32>} : memref<128x128xf32, #tpu.memory_space<vmem>>, vector<1x16xf32>,
          %get3A_936 = vector.shape_cast %get3A_935 : vector<1x16xf32> to vector<16xf32>
          %add3A_937 = arith.constant 1 : i32
          %add3A_938 = arith.addi %mul3A_468, %add3A_937 : i32
          %get3A_939 = arith.index_cast %add3A_938 : i32 to index
          %get3A_940 = arith.constant 32 : index
          %get3A_941 = tpu.vector_load %arg7[%get3A_939, %get3A_940] {strides = array<i32>} : memref<128x128xf32, #tpu.memory_space<vmem>>, vector<1x16xf32>,
          %get3A_942 = vector.shape_cast %get3A_941 : vector<1x16xf32> to vector<16xf32>
          %sub3A_943 = arith.subf %get3A_936, %get3A_942 : vector<16xf32>
          %max3A_944 = arith.maximumf %sub3A_930, %sub3A_943 : vector<16xf32>
          %add3A_945 = arith.constant 2 : i32
          %add3A_946 = arith.addi %mul3A_468, %add3A_945 : i32
          %get3A_947 = arith.index_cast %add3A_946 : i32 to index
          %get3A_948 = arith.constant 32 : index
          %get3A_949 = tpu.vector_load %arg6[%get3A_947, %get3A_948] {strides = array<i32>} : memref<128x128xf32, #tpu.memory_space<vmem>>, vector<1x16xf32>,
          %get3A_950 = vector.shape_cast %get3A_949 : vector<1x16xf32> to vector<16xf32>
          %add3A_951 = arith.constant 2 : i32
          %add3A_952 = arith.addi %mul3A_468, %add3A_951 : i32
          %get3A_953 = arith.index_cast %add3A_952 : i32 to index
          %get3A_954 = arith.constant 32 : index
          %get3A_955 = tpu.vector_load %arg7[%get3A_953, %get3A_954] {strides = array<i32>} : memref<128x128xf32, #tpu.memory_space<vmem>>, vector<1x16xf32>,
          %get3A_956 = vector.shape_cast %get3A_955 : vector<1x16xf32> to vector<16xf32>
          %sub3A_957 = arith.subf %get3A_950, %get3A_956 : vector<16xf32>
          %max3A_958 = arith.maximumf %max3A_944, %sub3A_957 : vector<16xf32>
          %add3A_959 = arith.constant 3 : i32
          %add3A_960 = arith.addi %mul3A_468, %add3A_959 : i32
          %get3A_961 = arith.index_cast %add3A_960 : i32 to index
          %get3A_962 = arith.constant 32 : index
          %get3A_963 = tpu.vector_load %arg6[%get3A_961, %get3A_962] {strides = array<i32>} : memref<128x128xf32, #tpu.memory_space<vmem>>, vector<1x16xf32>,
          %get3A_964 = vector.shape_cast %get3A_963 : vector<1x16xf32> to vector<16xf32>
          %add3A_965 = arith.constant 3 : i32
          %add3A_966 = arith.addi %mul3A_468, %add3A_965 : i32
          %get3A_967 = arith.index_cast %add3A_966 : i32 to index
          %get3A_968 = arith.constant 32 : index
          %get3A_969 = tpu.vector_load %arg7[%get3A_967, %get3A_968] {strides = array<i32>} : memref<128x128xf32, #tpu.memory_space<vmem>>, vector<1x16xf32>,
          %get3A_970 = vector.shape_cast %get3A_969 : vector<1x16xf32> to vector<16xf32>
          %sub3A_971 = arith.subf %get3A_964, %get3A_970 : vector<16xf32>
          %max3A_972 = arith.maximumf %max3A_958, %sub3A_971 : vector<16xf32>
          %add3A_973 = arith.constant 4 : i32
          %add3A_974 = arith.addi %mul3A_468, %add3A_973 : i32
          %get3A_975 = arith.index_cast %add3A_974 : i32 to index
          %get3A_976 = arith.constant 32 : index
          %get3A_977 = tpu.vector_load %arg6[%get3A_975, %get3A_976] {strides = array<i32>} : memref<128x128xf32, #tpu.memory_space<vmem>>, vector<1x16xf32>,
          %get3A_978 = vector.shape_cast %get3A_977 : vector<1x16xf32> to vector<16xf32>
          %add3A_979 = arith.constant 4 : i32
          %add3A_980 = arith.addi %mul3A_468, %add3A_979 : i32
          %get3A_981 = arith.index_cast %add3A_980 : i32 to index
          %get3A_982 = arith.constant 32 : index
          %get3A_983 = tpu.vector_load %arg7[%get3A_981, %get3A_982] {strides = array<i32>} : memref<128x128xf32, #tpu.memory_space<vmem>>, vector<1x16xf32>,
          %get3A_984 = vector.shape_cast %get3A_983 : vector<1x16xf32> to vector<16xf32>
          %sub3A_985 = arith.subf %get3A_978, %get3A_984 : vector<16xf32>
          %max3A_986 = arith.maximumf %max3A_972, %sub3A_985 : vector<16xf32>
          %add3A_987 = arith.constant 5 : i32
          %add3A_988 = arith.addi %mul3A_468, %add3A_987 : i32
          %get3A_989 = arith.index_cast %add3A_988 : i32 to index
          %get3A_990 = arith.constant 32 : index
          %get3A_991 = tpu.vector_load %arg6[%get3A_989, %get3A_990] {strides = array<i32>} : memref<128x128xf32, #tpu.memory_space<vmem>>, vector<1x16xf32>,
          %get3A_992 = vector.shape_cast %get3A_991 : vector<1x16xf32> to vector<16xf32>
          %add3A_993 = arith.constant 5 : i32
          %add3A_994 = arith.addi %mul3A_468, %add3A_993 : i32
          %get3A_995 = arith.index_cast %add3A_994 : i32 to index
          %get3A_996 = arith.constant 32 : index
          %get3A_997 = tpu.vector_load %arg7[%get3A_995, %get3A_996] {strides = array<i32>} : memref<128x128xf32, #tpu.memory_space<vmem>>, vector<1x16xf32>,
          %get3A_998 = vector.shape_cast %get3A_997 : vector<1x16xf32> to vector<16xf32>
          %sub3A_999 = arith.subf %get3A_992, %get3A_998 : vector<16xf32>
          %max3A_1000 = arith.maximumf %max3A_986, %sub3A_999 : vector<16xf32>
          %add3A_1001 = arith.constant 6 : i32
          %add3A_1002 = arith.addi %mul3A_468, %add3A_1001 : i32
          %get3A_1003 = arith.index_cast %add3A_1002 : i32 to index
          %get3A_1004 = arith.constant 32 : index
          %get3A_1005 = tpu.vector_load %arg6[%get3A_1003, %get3A_1004] {strides = array<i32>} : memref<128x128xf32, #tpu.memory_space<vmem>>, vector<1x16xf32>,
          %get3A_1006 = vector.shape_cast %get3A_1005 : vector<1x16xf32> to vector<16xf32>
          %add3A_1007 = arith.constant 6 : i32
          %add3A_1008 = arith.addi %mul3A_468, %add3A_1007 : i32
          %get3A_1009 = arith.index_cast %add3A_1008 : i32 to index
          %get3A_1010 = arith.constant 32 : index
          %get3A_1011 = tpu.vector_load %arg7[%get3A_1009, %get3A_1010] {strides = array<i32>} : memref<128x128xf32, #tpu.memory_space<vmem>>, vector<1x16xf32>,
          %get3A_1012 = vector.shape_cast %get3A_1011 : vector<1x16xf32> to vector<16xf32>
          %sub3A_1013 = arith.subf %get3A_1006, %get3A_1012 : vector<16xf32>
          %max3A_1014 = arith.maximumf %max3A_1000, %sub3A_1013 : vector<16xf32>
          %add3A_1015 = arith.constant 7 : i32
          %add3A_1016 = arith.addi %mul3A_468, %add3A_1015 : i32
          %get3A_1017 = arith.index_cast %add3A_1016 : i32 to index
          %get3A_1018 = arith.constant 32 : index
          %get3A_1019 = tpu.vector_load %arg6[%get3A_1017, %get3A_1018] {strides = array<i32>} : memref<128x128xf32, #tpu.memory_space<vmem>>, vector<1x16xf32>,
          %get3A_1020 = vector.shape_cast %get3A_1019 : vector<1x16xf32> to vector<16xf32>
          %add3A_1021 = arith.constant 7 : i32
          %add3A_1022 = arith.addi %mul3A_468, %add3A_1021 : i32
          %get3A_1023 = arith.index_cast %add3A_1022 : i32 to index
          %get3A_1024 = arith.constant 32 : index
          %get3A_1025 = tpu.vector_load %arg7[%get3A_1023, %get3A_1024] {strides = array<i32>} : memref<128x128xf32, #tpu.memory_space<vmem>>, vector<1x16xf32>,
          %get3A_1026 = vector.shape_cast %get3A_1025 : vector<1x16xf32> to vector<16xf32>
          %sub3A_1027 = arith.subf %get3A_1020, %get3A_1026 : vector<16xf32>
          %max3A_1028 = arith.maximumf %max3A_1014, %sub3A_1027 : vector<16xf32>
          %add3A_1029 = arith.constant 8 : i32
          %add3A_1030 = arith.addi %mul3A_468, %add3A_1029 : i32
          %get3A_1031 = arith.index_cast %add3A_1030 : i32 to index
          %get3A_1032 = arith.constant 32 : index
          %get3A_1033 = tpu.vector_load %arg6[%get3A_1031, %get3A_1032] {strides = array<i32>} : memref<128x128xf32, #tpu.memory_space<vmem>>, vector<1x16xf32>,
          %get3A_1034 = vector.shape_cast %get3A_1033 : vector<1x16xf32> to vector<16xf32>
          %add3A_1035 = arith.constant 8 : i32
          %add3A_1036 = arith.addi %mul3A_468, %add3A_1035 : i32
          %get3A_1037 = arith.index_cast %add3A_1036 : i32 to index
          %get3A_1038 = arith.constant 32 : index
          %get3A_1039 = tpu.vector_load %arg7[%get3A_1037, %get3A_1038] {strides = array<i32>} : memref<128x128xf32, #tpu.memory_space<vmem>>, vector<1x16xf32>,
          %get3A_1040 = vector.shape_cast %get3A_1039 : vector<1x16xf32> to vector<16xf32>
          %sub3A_1041 = arith.subf %get3A_1034, %get3A_1040 : vector<16xf32>
          %max3A_1042 = arith.maximumf %max3A_1028, %sub3A_1041 : vector<16xf32>
          %add3A_1043 = arith.constant 9 : i32
          %add3A_1044 = arith.addi %mul3A_468, %add3A_1043 : i32
          %get3A_1045 = arith.index_cast %add3A_1044 : i32 to index
          %get3A_1046 = arith.constant 32 : index
          %get3A_1047 = tpu.vector_load %arg6[%get3A_1045, %get3A_1046] {strides = array<i32>} : memref<128x128xf32, #tpu.memory_space<vmem>>, vector<1x16xf32>,
          %get3A_1048 = vector.shape_cast %get3A_1047 : vector<1x16xf32> to vector<16xf32>
          %add3A_1049 = arith.constant 9 : i32
          %add3A_1050 = arith.addi %mul3A_468, %add3A_1049 : i32
          %get3A_1051 = arith.index_cast %add3A_1050 : i32 to index
          %get3A_1052 = arith.constant 32 : index
          %get3A_1053 = tpu.vector_load %arg7[%get3A_1051, %get3A_1052] {strides = array<i32>} : memref<128x128xf32, #tpu.memory_space<vmem>>, vector<1x16xf32>,
          %get3A_1054 = vector.shape_cast %get3A_1053 : vector<1x16xf32> to vector<16xf32>
          %sub3A_1055 = arith.subf %get3A_1048, %get3A_1054 : vector<16xf32>
          %max3A_1056 = arith.maximumf %max3A_1042, %sub3A_1055 : vector<16xf32>
          %add3A_1057 = arith.constant 10 : i32
          %add3A_1058 = arith.addi %mul3A_468, %add3A_1057 : i32
          %get3A_1059 = arith.index_cast %add3A_1058 : i32 to index
          %get3A_1060 = arith.constant 32 : index
          %get3A_1061 = tpu.vector_load %arg6[%get3A_1059, %get3A_1060] {strides = array<i32>} : memref<128x128xf32, #tpu.memory_space<vmem>>, vector<1x16xf32>,
          %get3A_1062 = vector.shape_cast %get3A_1061 : vector<1x16xf32> to vector<16xf32>
          %add3A_1063 = arith.constant 10 : i32
          %add3A_1064 = arith.addi %mul3A_468, %add3A_1063 : i32
          %get3A_1065 = arith.index_cast %add3A_1064 : i32 to index
          %get3A_1066 = arith.constant 32 : index
          %get3A_1067 = tpu.vector_load %arg7[%get3A_1065, %get3A_1066] {strides = array<i32>} : memref<128x128xf32, #tpu.memory_space<vmem>>, vector<1x16xf32>,
          %get3A_1068 = vector.shape_cast %get3A_1067 : vector<1x16xf32> to vector<16xf32>
          %sub3A_1069 = arith.subf %get3A_1062, %get3A_1068 : vector<16xf32>
          %max3A_1070 = arith.maximumf %max3A_1056, %sub3A_1069 : vector<16xf32>
          %add3A_1071 = arith.constant 11 : i32
          %add3A_1072 = arith.addi %mul3A_468, %add3A_1071 : i32
          %get3A_1073 = arith.index_cast %add3A_1072 : i32 to index
          %get3A_1074 = arith.constant 32 : index
          %get3A_1075 = tpu.vector_load %arg6[%get3A_1073, %get3A_1074] {strides = array<i32>} : memref<128x128xf32, #tpu.memory_space<vmem>>, vector<1x16xf32>,
          %get3A_1076 = vector.shape_cast %get3A_1075 : vector<1x16xf32> to vector<16xf32>
          %add3A_1077 = arith.constant 11 : i32
          %add3A_1078 = arith.addi %mul3A_468, %add3A_1077 : i32
          %get3A_1079 = arith.index_cast %add3A_1078 : i32 to index
          %get3A_1080 = arith.constant 32 : index
          %get3A_1081 = tpu.vector_load %arg7[%get3A_1079, %get3A_1080] {strides = array<i32>} : memref<128x128xf32, #tpu.memory_space<vmem>>, vector<1x16xf32>,
          %get3A_1082 = vector.shape_cast %get3A_1081 : vector<1x16xf32> to vector<16xf32>
          %sub3A_1083 = arith.subf %get3A_1076, %get3A_1082 : vector<16xf32>
          %max3A_1084 = arith.maximumf %max3A_1070, %sub3A_1083 : vector<16xf32>
          %add3A_1085 = arith.constant 12 : i32
          %add3A_1086 = arith.addi %mul3A_468, %add3A_1085 : i32
          %get3A_1087 = arith.index_cast %add3A_1086 : i32 to index
          %get3A_1088 = arith.constant 32 : index
          %get3A_1089 = tpu.vector_load %arg6[%get3A_1087, %get3A_1088] {strides = array<i32>} : memref<128x128xf32, #tpu.memory_space<vmem>>, vector<1x16xf32>,
          %get3A_1090 = vector.shape_cast %get3A_1089 : vector<1x16xf32> to vector<16xf32>
          %add3A_1091 = arith.constant 12 : i32
          %add3A_1092 = arith.addi %mul3A_468, %add3A_1091 : i32
          %get3A_1093 = arith.index_cast %add3A_1092 : i32 to index
          %get3A_1094 = arith.constant 32 : index
          %get3A_1095 = tpu.vector_load %arg7[%get3A_1093, %get3A_1094] {strides = array<i32>} : memref<128x128xf32, #tpu.memory_space<vmem>>, vector<1x16xf32>,
          %get3A_1096 = vector.shape_cast %get3A_1095 : vector<1x16xf32> to vector<16xf32>
          %sub3A_1097 = arith.subf %get3A_1090, %get3A_1096 : vector<16xf32>
          %max3A_1098 = arith.maximumf %max3A_1084, %sub3A_1097 : vector<16xf32>
          %add3A_1099 = arith.constant 13 : i32
          %add3A_1100 = arith.addi %mul3A_468, %add3A_1099 : i32
          %get3A_1101 = arith.index_cast %add3A_1100 : i32 to index
          %get3A_1102 = arith.constant 32 : index
          %get3A_1103 = tpu.vector_load %arg6[%get3A_1101, %get3A_1102] {strides = array<i32>} : memref<128x128xf32, #tpu.memory_space<vmem>>, vector<1x16xf32>,
          %get3A_1104 = vector.shape_cast %get3A_1103 : vector<1x16xf32> to vector<16xf32>
          %add3A_1105 = arith.constant 13 : i32
          %add3A_1106 = arith.addi %mul3A_468, %add3A_1105 : i32
          %get3A_1107 = arith.index_cast %add3A_1106 : i32 to index
          %get3A_1108 = arith.constant 32 : index
          %get3A_1109 = tpu.vector_load %arg7[%get3A_1107, %get3A_1108] {strides = array<i32>} : memref<128x128xf32, #tpu.memory_space<vmem>>, vector<1x16xf32>,
          %get3A_1110 = vector.shape_cast %get3A_1109 : vector<1x16xf32> to vector<16xf32>
          %sub3A_1111 = arith.subf %get3A_1104, %get3A_1110 : vector<16xf32>
          %max3A_1112 = arith.maximumf %max3A_1098, %sub3A_1111 : vector<16xf32>
          %add3A_1113 = arith.constant 14 : i32
          %add3A_1114 = arith.addi %mul3A_468, %add3A_1113 : i32
          %get3A_1115 = arith.index_cast %add3A_1114 : i32 to index
          %get3A_1116 = arith.constant 32 : index
          %get3A_1117 = tpu.vector_load %arg6[%get3A_1115, %get3A_1116] {strides = array<i32>} : memref<128x128xf32, #tpu.memory_space<vmem>>, vector<1x16xf32>,
          %get3A_1118 = vector.shape_cast %get3A_1117 : vector<1x16xf32> to vector<16xf32>
          %add3A_1119 = arith.constant 14 : i32
          %add3A_1120 = arith.addi %mul3A_468, %add3A_1119 : i32
          %get3A_1121 = arith.index_cast %add3A_1120 : i32 to index
          %get3A_1122 = arith.constant 32 : index
          %get3A_1123 = tpu.vector_load %arg7[%get3A_1121, %get3A_1122] {strides = array<i32>} : memref<128x128xf32, #tpu.memory_space<vmem>>, vector<1x16xf32>,
          %get3A_1124 = vector.shape_cast %get3A_1123 : vector<1x16xf32> to vector<16xf32>
          %sub3A_1125 = arith.subf %get3A_1118, %get3A_1124 : vector<16xf32>
          %max3A_1126 = arith.maximumf %max3A_1112, %sub3A_1125 : vector<16xf32>
          %add3A_1127 = arith.constant 15 : i32
          %add3A_1128 = arith.addi %mul3A_468, %add3A_1127 : i32
          %get3A_1129 = arith.index_cast %add3A_1128 : i32 to index
          %get3A_1130 = arith.constant 32 : index
          %get3A_1131 = tpu.vector_load %arg6[%get3A_1129, %get3A_1130] {strides = array<i32>} : memref<128x128xf32, #tpu.memory_space<vmem>>, vector<1x16xf32>,
          %get3A_1132 = vector.shape_cast %get3A_1131 : vector<1x16xf32> to vector<16xf32>
          %add3A_1133 = arith.constant 15 : i32
          %add3A_1134 = arith.addi %mul3A_468, %add3A_1133 : i32
          %get3A_1135 = arith.index_cast %add3A_1134 : i32 to index
          %get3A_1136 = arith.constant 32 : index
          %get3A_1137 = tpu.vector_load %arg7[%get3A_1135, %get3A_1136] {strides = array<i32>} : memref<128x128xf32, #tpu.memory_space<vmem>>, vector<1x16xf32>,
          %get3A_1138 = vector.shape_cast %get3A_1137 : vector<1x16xf32> to vector<16xf32>
          %sub3A_1139 = arith.subf %get3A_1132, %get3A_1138 : vector<16xf32>
          %max3A_1140 = arith.maximumf %max3A_1126, %sub3A_1139 : vector<16xf32>
          %swap3A_1141 = arith.constant 0 : i32
          %swap3A_1142 = arith.constant 0 : i32
          %swap3A_1143 = tpu.memref_slice %run_scoped3A_10[%rem3A_276, %swap3A_1141, %swap3A_1142] : memref<2x8x128xf32, #tpu.memory_space<vmem>> -> memref<1x8x128xf32, #tpu.memory_space<vmem>>
          %swap3A_1144 = tpu.memref_squeeze %swap3A_1143 : memref<1x8x128xf32, #tpu.memory_space<vmem>> -> memref<8x128xf32, #tpu.memory_space<vmem>>
          %swap3A_1145 = arith.index_cast %add3A_466 : i32 to index
          %swap3A_1146 = arith.constant 32 : index
          %swap3A_1147 = tpu.vector_load %swap3A_1144[%swap3A_1145, %swap3A_1146] {strides = array<i32>} : memref<8x128xf32, #tpu.memory_space<vmem>>, vector<1x16xf32>,
          %swap3A_1148 = vector.shape_cast %swap3A_1147 : vector<1x16xf32> to vector<16xf32>
          %swap3A_1149 = vector.shape_cast %max3A_1140 : vector<16xf32> to vector<1x16xf32>
          tpu.vector_store %swap3A_1144[%swap3A_1145, %swap3A_1146], %swap3A_1149 {strides = array<i32>} : memref<8x128xf32, #tpu.memory_space<vmem>>, vector<1x16xf32>,
          %get3A_1150 = arith.index_cast %mul3A_468 : i32 to index
          %get3A_1151 = arith.constant 48 : index
          %get3A_1152 = tpu.vector_load %arg6[%get3A_1150, %get3A_1151] {strides = array<i32>} : memref<128x128xf32, #tpu.memory_space<vmem>>, vector<1x16xf32>,
          %get3A_1153 = vector.shape_cast %get3A_1152 : vector<1x16xf32> to vector<16xf32>
          %get3A_1154 = arith.index_cast %mul3A_468 : i32 to index
          %get3A_1155 = arith.constant 48 : index
          %get3A_1156 = tpu.vector_load %arg7[%get3A_1154, %get3A_1155] {strides = array<i32>} : memref<128x128xf32, #tpu.memory_space<vmem>>, vector<1x16xf32>,
          %get3A_1157 = vector.shape_cast %get3A_1156 : vector<1x16xf32> to vector<16xf32>
          %sub3A_1158 = arith.subf %get3A_1153, %get3A_1157 : vector<16xf32>
          %add3A_1159 = arith.constant 1 : i32
          %add3A_1160 = arith.addi %mul3A_468, %add3A_1159 : i32
          %get3A_1161 = arith.index_cast %add3A_1160 : i32 to index
          %get3A_1162 = arith.constant 48 : index
          %get3A_1163 = tpu.vector_load %arg6[%get3A_1161, %get3A_1162] {strides = array<i32>} : memref<128x128xf32, #tpu.memory_space<vmem>>, vector<1x16xf32>,
          %get3A_1164 = vector.shape_cast %get3A_1163 : vector<1x16xf32> to vector<16xf32>
          %add3A_1165 = arith.constant 1 : i32
          %add3A_1166 = arith.addi %mul3A_468, %add3A_1165 : i32
          %get3A_1167 = arith.index_cast %add3A_1166 : i32 to index
          %get3A_1168 = arith.constant 48 : index
          %get3A_1169 = tpu.vector_load %arg7[%get3A_1167, %get3A_1168] {strides = array<i32>} : memref<128x128xf32, #tpu.memory_space<vmem>>, vector<1x16xf32>,
          %get3A_1170 = vector.shape_cast %get3A_1169 : vector<1x16xf32> to vector<16xf32>
          %sub3A_1171 = arith.subf %get3A_1164, %get3A_1170 : vector<16xf32>
          %max3A_1172 = arith.maximumf %sub3A_1158, %sub3A_1171 : vector<16xf32>
          %add3A_1173 = arith.constant 2 : i32
          %add3A_1174 = arith.addi %mul3A_468, %add3A_1173 : i32
          %get3A_1175 = arith.index_cast %add3A_1174 : i32 to index
          %get3A_1176 = arith.constant 48 : index
          %get3A_1177 = tpu.vector_load %arg6[%get3A_1175, %get3A_1176] {strides = array<i32>} : memref<128x128xf32, #tpu.memory_space<vmem>>, vector<1x16xf32>,
          %get3A_1178 = vector.shape_cast %get3A_1177 : vector<1x16xf32> to vector<16xf32>
          %add3A_1179 = arith.constant 2 : i32
          %add3A_1180 = arith.addi %mul3A_468, %add3A_1179 : i32
          %get3A_1181 = arith.index_cast %add3A_1180 : i32 to index
          %get3A_1182 = arith.constant 48 : index
          %get3A_1183 = tpu.vector_load %arg7[%get3A_1181, %get3A_1182] {strides = array<i32>} : memref<128x128xf32, #tpu.memory_space<vmem>>, vector<1x16xf32>,
          %get3A_1184 = vector.shape_cast %get3A_1183 : vector<1x16xf32> to vector<16xf32>
          %sub3A_1185 = arith.subf %get3A_1178, %get3A_1184 : vector<16xf32>
          %max3A_1186 = arith.maximumf %max3A_1172, %sub3A_1185 : vector<16xf32>
          %add3A_1187 = arith.constant 3 : i32
          %add3A_1188 = arith.addi %mul3A_468, %add3A_1187 : i32
          %get3A_1189 = arith.index_cast %add3A_1188 : i32 to index
          %get3A_1190 = arith.constant 48 : index
          %get3A_1191 = tpu.vector_load %arg6[%get3A_1189, %get3A_1190] {strides = array<i32>} : memref<128x128xf32, #tpu.memory_space<vmem>>, vector<1x16xf32>,
          %get3A_1192 = vector.shape_cast %get3A_1191 : vector<1x16xf32> to vector<16xf32>
          %add3A_1193 = arith.constant 3 : i32
          %add3A_1194 = arith.addi %mul3A_468, %add3A_1193 : i32
          %get3A_1195 = arith.index_cast %add3A_1194 : i32 to index
          %get3A_1196 = arith.constant 48 : index
          %get3A_1197 = tpu.vector_load %arg7[%get3A_1195, %get3A_1196] {strides = array<i32>} : memref<128x128xf32, #tpu.memory_space<vmem>>, vector<1x16xf32>,
          %get3A_1198 = vector.shape_cast %get3A_1197 : vector<1x16xf32> to vector<16xf32>
          %sub3A_1199 = arith.subf %get3A_1192, %get3A_1198 : vector<16xf32>
          %max3A_1200 = arith.maximumf %max3A_1186, %sub3A_1199 : vector<16xf32>
          %add3A_1201 = arith.constant 4 : i32
          %add3A_1202 = arith.addi %mul3A_468, %add3A_1201 : i32
          %get3A_1203 = arith.index_cast %add3A_1202 : i32 to index
          %get3A_1204 = arith.constant 48 : index
          %get3A_1205 = tpu.vector_load %arg6[%get3A_1203, %get3A_1204] {strides = array<i32>} : memref<128x128xf32, #tpu.memory_space<vmem>>, vector<1x16xf32>,
          %get3A_1206 = vector.shape_cast %get3A_1205 : vector<1x16xf32> to vector<16xf32>
          %add3A_1207 = arith.constant 4 : i32
          %add3A_1208 = arith.addi %mul3A_468, %add3A_1207 : i32
          %get3A_1209 = arith.index_cast %add3A_1208 : i32 to index
          %get3A_1210 = arith.constant 48 : index
          %get3A_1211 = tpu.vector_load %arg7[%get3A_1209, %get3A_1210] {strides = array<i32>} : memref<128x128xf32, #tpu.memory_space<vmem>>, vector<1x16xf32>,
          %get3A_1212 = vector.shape_cast %get3A_1211 : vector<1x16xf32> to vector<16xf32>
          %sub3A_1213 = arith.subf %get3A_1206, %get3A_1212 : vector<16xf32>
          %max3A_1214 = arith.maximumf %max3A_1200, %sub3A_1213 : vector<16xf32>
          %add3A_1215 = arith.constant 5 : i32
          %add3A_1216 = arith.addi %mul3A_468, %add3A_1215 : i32
          %get3A_1217 = arith.index_cast %add3A_1216 : i32 to index
          %get3A_1218 = arith.constant 48 : index
          %get3A_1219 = tpu.vector_load %arg6[%get3A_1217, %get3A_1218] {strides = array<i32>} : memref<128x128xf32, #tpu.memory_space<vmem>>, vector<1x16xf32>,
          %get3A_1220 = vector.shape_cast %get3A_1219 : vector<1x16xf32> to vector<16xf32>
          %add3A_1221 = arith.constant 5 : i32
          %add3A_1222 = arith.addi %mul3A_468, %add3A_1221 : i32
          %get3A_1223 = arith.index_cast %add3A_1222 : i32 to index
          %get3A_1224 = arith.constant 48 : index
          %get3A_1225 = tpu.vector_load %arg7[%get3A_1223, %get3A_1224] {strides = array<i32>} : memref<128x128xf32, #tpu.memory_space<vmem>>, vector<1x16xf32>,
          %get3A_1226 = vector.shape_cast %get3A_1225 : vector<1x16xf32> to vector<16xf32>
          %sub3A_1227 = arith.subf %get3A_1220, %get3A_1226 : vector<16xf32>
          %max3A_1228 = arith.maximumf %max3A_1214, %sub3A_1227 : vector<16xf32>
          %add3A_1229 = arith.constant 6 : i32
          %add3A_1230 = arith.addi %mul3A_468, %add3A_1229 : i32
          %get3A_1231 = arith.index_cast %add3A_1230 : i32 to index
          %get3A_1232 = arith.constant 48 : index
          %get3A_1233 = tpu.vector_load %arg6[%get3A_1231, %get3A_1232] {strides = array<i32>} : memref<128x128xf32, #tpu.memory_space<vmem>>, vector<1x16xf32>,
          %get3A_1234 = vector.shape_cast %get3A_1233 : vector<1x16xf32> to vector<16xf32>
          %add3A_1235 = arith.constant 6 : i32
          %add3A_1236 = arith.addi %mul3A_468, %add3A_1235 : i32
          %get3A_1237 = arith.index_cast %add3A_1236 : i32 to index
          %get3A_1238 = arith.constant 48 : index
          %get3A_1239 = tpu.vector_load %arg7[%get3A_1237, %get3A_1238] {strides = array<i32>} : memref<128x128xf32, #tpu.memory_space<vmem>>, vector<1x16xf32>,
          %get3A_1240 = vector.shape_cast %get3A_1239 : vector<1x16xf32> to vector<16xf32>
          %sub3A_1241 = arith.subf %get3A_1234, %get3A_1240 : vector<16xf32>
          %max3A_1242 = arith.maximumf %max3A_1228, %sub3A_1241 : vector<16xf32>
          %add3A_1243 = arith.constant 7 : i32
          %add3A_1244 = arith.addi %mul3A_468, %add3A_1243 : i32
          %get3A_1245 = arith.index_cast %add3A_1244 : i32 to index
          %get3A_1246 = arith.constant 48 : index
          %get3A_1247 = tpu.vector_load %arg6[%get3A_1245, %get3A_1246] {strides = array<i32>} : memref<128x128xf32, #tpu.memory_space<vmem>>, vector<1x16xf32>,
          %get3A_1248 = vector.shape_cast %get3A_1247 : vector<1x16xf32> to vector<16xf32>
          %add3A_1249 = arith.constant 7 : i32
          %add3A_1250 = arith.addi %mul3A_468, %add3A_1249 : i32
          %get3A_1251 = arith.index_cast %add3A_1250 : i32 to index
          %get3A_1252 = arith.constant 48 : index
          %get3A_1253 = tpu.vector_load %arg7[%get3A_1251, %get3A_1252] {strides = array<i32>} : memref<128x128xf32, #tpu.memory_space<vmem>>, vector<1x16xf32>,
          %get3A_1254 = vector.shape_cast %get3A_1253 : vector<1x16xf32> to vector<16xf32>
          %sub3A_1255 = arith.subf %get3A_1248, %get3A_1254 : vector<16xf32>
          %max3A_1256 = arith.maximumf %max3A_1242, %sub3A_1255 : vector<16xf32>
          %add3A_1257 = arith.constant 8 : i32
          %add3A_1258 = arith.addi %mul3A_468, %add3A_1257 : i32
          %get3A_1259 = arith.index_cast %add3A_1258 : i32 to index
          %get3A_1260 = arith.constant 48 : index
          %get3A_1261 = tpu.vector_load %arg6[%get3A_1259, %get3A_1260] {strides = array<i32>} : memref<128x128xf32, #tpu.memory_space<vmem>>, vector<1x16xf32>,
          %get3A_1262 = vector.shape_cast %get3A_1261 : vector<1x16xf32> to vector<16xf32>
          %add3A_1263 = arith.constant 8 : i32
          %add3A_1264 = arith.addi %mul3A_468, %add3A_1263 : i32
          %get3A_1265 = arith.index_cast %add3A_1264 : i32 to index
          %get3A_1266 = arith.constant 48 : index
          %get3A_1267 = tpu.vector_load %arg7[%get3A_1265, %get3A_1266] {strides = array<i32>} : memref<128x128xf32, #tpu.memory_space<vmem>>, vector<1x16xf32>,
          %get3A_1268 = vector.shape_cast %get3A_1267 : vector<1x16xf32> to vector<16xf32>
          %sub3A_1269 = arith.subf %get3A_1262, %get3A_1268 : vector<16xf32>
          %max3A_1270 = arith.maximumf %max3A_1256, %sub3A_1269 : vector<16xf32>
          %add3A_1271 = arith.constant 9 : i32
          %add3A_1272 = arith.addi %mul3A_468, %add3A_1271 : i32
          %get3A_1273 = arith.index_cast %add3A_1272 : i32 to index
          %get3A_1274 = arith.constant 48 : index
          %get3A_1275 = tpu.vector_load %arg6[%get3A_1273, %get3A_1274] {strides = array<i32>} : memref<128x128xf32, #tpu.memory_space<vmem>>, vector<1x16xf32>,
          %get3A_1276 = vector.shape_cast %get3A_1275 : vector<1x16xf32> to vector<16xf32>
          %add3A_1277 = arith.constant 9 : i32
          %add3A_1278 = arith.addi %mul3A_468, %add3A_1277 : i32
          %get3A_1279 = arith.index_cast %add3A_1278 : i32 to index
          %get3A_1280 = arith.constant 48 : index
          %get3A_1281 = tpu.vector_load %arg7[%get3A_1279, %get3A_1280] {strides = array<i32>} : memref<128x128xf32, #tpu.memory_space<vmem>>, vector<1x16xf32>,
          %get3A_1282 = vector.shape_cast %get3A_1281 : vector<1x16xf32> to vector<16xf32>
          %sub3A_1283 = arith.subf %get3A_1276, %get3A_1282 : vector<16xf32>
          %max3A_1284 = arith.maximumf %max3A_1270, %sub3A_1283 : vector<16xf32>
          %add3A_1285 = arith.constant 10 : i32
          %add3A_1286 = arith.addi %mul3A_468, %add3A_1285 : i32
          %get3A_1287 = arith.index_cast %add3A_1286 : i32 to index
          %get3A_1288 = arith.constant 48 : index
          %get3A_1289 = tpu.vector_load %arg6[%get3A_1287, %get3A_1288] {strides = array<i32>} : memref<128x128xf32, #tpu.memory_space<vmem>>, vector<1x16xf32>,
          %get3A_1290 = vector.shape_cast %get3A_1289 : vector<1x16xf32> to vector<16xf32>
          %add3A_1291 = arith.constant 10 : i32
          %add3A_1292 = arith.addi %mul3A_468, %add3A_1291 : i32
          %get3A_1293 = arith.index_cast %add3A_1292 : i32 to index
          %get3A_1294 = arith.constant 48 : index
          %get3A_1295 = tpu.vector_load %arg7[%get3A_1293, %get3A_1294] {strides = array<i32>} : memref<128x128xf32, #tpu.memory_space<vmem>>, vector<1x16xf32>,
          %get3A_1296 = vector.shape_cast %get3A_1295 : vector<1x16xf32> to vector<16xf32>
          %sub3A_1297 = arith.subf %get3A_1290, %get3A_1296 : vector<16xf32>
          %max3A_1298 = arith.maximumf %max3A_1284, %sub3A_1297 : vector<16xf32>
          %add3A_1299 = arith.constant 11 : i32
          %add3A_1300 = arith.addi %mul3A_468, %add3A_1299 : i32
          %get3A_1301 = arith.index_cast %add3A_1300 : i32 to index
          %get3A_1302 = arith.constant 48 : index
          %get3A_1303 = tpu.vector_load %arg6[%get3A_1301, %get3A_1302] {strides = array<i32>} : memref<128x128xf32, #tpu.memory_space<vmem>>, vector<1x16xf32>,
          %get3A_1304 = vector.shape_cast %get3A_1303 : vector<1x16xf32> to vector<16xf32>
          %add3A_1305 = arith.constant 11 : i32
          %add3A_1306 = arith.addi %mul3A_468, %add3A_1305 : i32
          %get3A_1307 = arith.index_cast %add3A_1306 : i32 to index
          %get3A_1308 = arith.constant 48 : index
          %get3A_1309 = tpu.vector_load %arg7[%get3A_1307, %get3A_1308] {strides = array<i32>} : memref<128x128xf32, #tpu.memory_space<vmem>>, vector<1x16xf32>,
          %get3A_1310 = vector.shape_cast %get3A_1309 : vector<1x16xf32> to vector<16xf32>
          %sub3A_1311 = arith.subf %get3A_1304, %get3A_1310 : vector<16xf32>
          %max3A_1312 = arith.maximumf %max3A_1298, %sub3A_1311 : vector<16xf32>
          %add3A_1313 = arith.constant 12 : i32
          %add3A_1314 = arith.addi %mul3A_468, %add3A_1313 : i32
          %get3A_1315 = arith.index_cast %add3A_1314 : i32 to index
          %get3A_1316 = arith.constant 48 : index
          %get3A_1317 = tpu.vector_load %arg6[%get3A_1315, %get3A_1316] {strides = array<i32>} : memref<128x128xf32, #tpu.memory_space<vmem>>, vector<1x16xf32>,
          %get3A_1318 = vector.shape_cast %get3A_1317 : vector<1x16xf32> to vector<16xf32>
          %add3A_1319 = arith.constant 12 : i32
          %add3A_1320 = arith.addi %mul3A_468, %add3A_1319 : i32
          %get3A_1321 = arith.index_cast %add3A_1320 : i32 to index
          %get3A_1322 = arith.constant 48 : index
          %get3A_1323 = tpu.vector_load %arg7[%get3A_1321, %get3A_1322] {strides = array<i32>} : memref<128x128xf32, #tpu.memory_space<vmem>>, vector<1x16xf32>,
          %get3A_1324 = vector.shape_cast %get3A_1323 : vector<1x16xf32> to vector<16xf32>
          %sub3A_1325 = arith.subf %get3A_1318, %get3A_1324 : vector<16xf32>
          %max3A_1326 = arith.maximumf %max3A_1312, %sub3A_1325 : vector<16xf32>
          %add3A_1327 = arith.constant 13 : i32
          %add3A_1328 = arith.addi %mul3A_468, %add3A_1327 : i32
          %get3A_1329 = arith.index_cast %add3A_1328 : i32 to index
          %get3A_1330 = arith.constant 48 : index
          %get3A_1331 = tpu.vector_load %arg6[%get3A_1329, %get3A_1330] {strides = array<i32>} : memref<128x128xf32, #tpu.memory_space<vmem>>, vector<1x16xf32>,
          %get3A_1332 = vector.shape_cast %get3A_1331 : vector<1x16xf32> to vector<16xf32>
          %add3A_1333 = arith.constant 13 : i32
          %add3A_1334 = arith.addi %mul3A_468, %add3A_1333 : i32
          %get3A_1335 = arith.index_cast %add3A_1334 : i32 to index
          %get3A_1336 = arith.constant 48 : index
          %get3A_1337 = tpu.vector_load %arg7[%get3A_1335, %get3A_1336] {strides = array<i32>} : memref<128x128xf32, #tpu.memory_space<vmem>>, vector<1x16xf32>,
          %get3A_1338 = vector.shape_cast %get3A_1337 : vector<1x16xf32> to vector<16xf32>
          %sub3A_1339 = arith.subf %get3A_1332, %get3A_1338 : vector<16xf32>
          %max3A_1340 = arith.maximumf %max3A_1326, %sub3A_1339 : vector<16xf32>
          %add3A_1341 = arith.constant 14 : i32
          %add3A_1342 = arith.addi %mul3A_468, %add3A_1341 : i32
          %get3A_1343 = arith.index_cast %add3A_1342 : i32 to index
          %get3A_1344 = arith.constant 48 : index
          %get3A_1345 = tpu.vector_load %arg6[%get3A_1343, %get3A_1344] {strides = array<i32>} : memref<128x128xf32, #tpu.memory_space<vmem>>, vector<1x16xf32>,
          %get3A_1346 = vector.shape_cast %get3A_1345 : vector<1x16xf32> to vector<16xf32>
          %add3A_1347 = arith.constant 14 : i32
          %add3A_1348 = arith.addi %mul3A_468, %add3A_1347 : i32
          %get3A_1349 = arith.index_cast %add3A_1348 : i32 to index
          %get3A_1350 = arith.constant 48 : index
          %get3A_1351 = tpu.vector_load %arg7[%get3A_1349, %get3A_1350] {strides = array<i32>} : memref<128x128xf32, #tpu.memory_space<vmem>>, vector<1x16xf32>,
          %get3A_1352 = vector.shape_cast %get3A_1351 : vector<1x16xf32> to vector<16xf32>
          %sub3A_1353 = arith.subf %get3A_1346, %get3A_1352 : vector<16xf32>
          %max3A_1354 = arith.maximumf %max3A_1340, %sub3A_1353 : vector<16xf32>
          %add3A_1355 = arith.constant 15 : i32
          %add3A_1356 = arith.addi %mul3A_468, %add3A_1355 : i32
          %get3A_1357 = arith.index_cast %add3A_1356 : i32 to index
          %get3A_1358 = arith.constant 48 : index
          %get3A_1359 = tpu.vector_load %arg6[%get3A_1357, %get3A_1358] {strides = array<i32>} : memref<128x128xf32, #tpu.memory_space<vmem>>, vector<1x16xf32>,
          %get3A_1360 = vector.shape_cast %get3A_1359 : vector<1x16xf32> to vector<16xf32>
          %add3A_1361 = arith.constant 15 : i32
          %add3A_1362 = arith.addi %mul3A_468, %add3A_1361 : i32
          %get3A_1363 = arith.index_cast %add3A_1362 : i32 to index
          %get3A_1364 = arith.constant 48 : index
          %get3A_1365 = tpu.vector_load %arg7[%get3A_1363, %get3A_1364] {strides = array<i32>} : memref<128x128xf32, #tpu.memory_space<vmem>>, vector<1x16xf32>,
          %get3A_1366 = vector.shape_cast %get3A_1365 : vector<1x16xf32> to vector<16xf32>
          %sub3A_1367 = arith.subf %get3A_1360, %get3A_1366 : vector<16xf32>
          %max3A_1368 = arith.maximumf %max3A_1354, %sub3A_1367 : vector<16xf32>
          %swap3A_1369 = arith.constant 0 : i32
          %swap3A_1370 = arith.constant 0 : i32
          %swap3A_1371 = tpu.memref_slice %run_scoped3A_10[%rem3A_276, %swap3A_1369, %swap3A_1370] : memref<2x8x128xf32, #tpu.memory_space<vmem>> -> memref<1x8x128xf32, #tpu.memory_space<vmem>>
          %swap3A_1372 = tpu.memref_squeeze %swap3A_1371 : memref<1x8x128xf32, #tpu.memory_space<vmem>> -> memref<8x128xf32, #tpu.memory_space<vmem>>
          %swap3A_1373 = arith.index_cast %add3A_466 : i32 to index
          %swap3A_1374 = arith.constant 48 : index
          %swap3A_1375 = tpu.vector_load %swap3A_1372[%swap3A_1373, %swap3A_1374] {strides = array<i32>} : memref<8x128xf32, #tpu.memory_space<vmem>>, vector<1x16xf32>,
          %swap3A_1376 = vector.shape_cast %swap3A_1375 : vector<1x16xf32> to vector<16xf32>
          %swap3A_1377 = vector.shape_cast %max3A_1368 : vector<16xf32> to vector<1x16xf32>
          tpu.vector_store %swap3A_1372[%swap3A_1373, %swap3A_1374], %swap3A_1377 {strides = array<i32>} : memref<8x128xf32, #tpu.memory_space<vmem>>, vector<1x16xf32>,
          %get3A_1378 = arith.index_cast %mul3A_468 : i32 to index
          %get3A_1379 = arith.constant 64 : index
          %get3A_1380 = tpu.vector_load %arg6[%get3A_1378, %get3A_1379] {strides = array<i32>} : memref<128x128xf32, #tpu.memory_space<vmem>>, vector<1x16xf32>,
          %get3A_1381 = vector.shape_cast %get3A_1380 : vector<1x16xf32> to vector<16xf32>
          %get3A_1382 = arith.index_cast %mul3A_468 : i32 to index
          %get3A_1383 = arith.constant 64 : index
          %get3A_1384 = tpu.vector_load %arg7[%get3A_1382, %get3A_1383] {strides = array<i32>} : memref<128x128xf32, #tpu.memory_space<vmem>>, vector<1x16xf32>,
          %get3A_1385 = vector.shape_cast %get3A_1384 : vector<1x16xf32> to vector<16xf32>
          %sub3A_1386 = arith.subf %get3A_1381, %get3A_1385 : vector<16xf32>
          %add3A_1387 = arith.constant 1 : i32
          %add3A_1388 = arith.addi %mul3A_468, %add3A_1387 : i32
          %get3A_1389 = arith.index_cast %add3A_1388 : i32 to index
          %get3A_1390 = arith.constant 64 : index
          %get3A_1391 = tpu.vector_load %arg6[%get3A_1389, %get3A_1390] {strides = array<i32>} : memref<128x128xf32, #tpu.memory_space<vmem>>, vector<1x16xf32>,
          %get3A_1392 = vector.shape_cast %get3A_1391 : vector<1x16xf32> to vector<16xf32>
          %add3A_1393 = arith.constant 1 : i32
          %add3A_1394 = arith.addi %mul3A_468, %add3A_1393 : i32
          %get3A_1395 = arith.index_cast %add3A_1394 : i32 to index
          %get3A_1396 = arith.constant 64 : index
          %get3A_1397 = tpu.vector_load %arg7[%get3A_1395, %get3A_1396] {strides = array<i32>} : memref<128x128xf32, #tpu.memory_space<vmem>>, vector<1x16xf32>,
          %get3A_1398 = vector.shape_cast %get3A_1397 : vector<1x16xf32> to vector<16xf32>
          %sub3A_1399 = arith.subf %get3A_1392, %get3A_1398 : vector<16xf32>
          %max3A_1400 = arith.maximumf %sub3A_1386, %sub3A_1399 : vector<16xf32>
          %add3A_1401 = arith.constant 2 : i32
          %add3A_1402 = arith.addi %mul3A_468, %add3A_1401 : i32
          %get3A_1403 = arith.index_cast %add3A_1402 : i32 to index
          %get3A_1404 = arith.constant 64 : index
          %get3A_1405 = tpu.vector_load %arg6[%get3A_1403, %get3A_1404] {strides = array<i32>} : memref<128x128xf32, #tpu.memory_space<vmem>>, vector<1x16xf32>,
          %get3A_1406 = vector.shape_cast %get3A_1405 : vector<1x16xf32> to vector<16xf32>
          %add3A_1407 = arith.constant 2 : i32
          %add3A_1408 = arith.addi %mul3A_468, %add3A_1407 : i32
          %get3A_1409 = arith.index_cast %add3A_1408 : i32 to index
          %get3A_1410 = arith.constant 64 : index
          %get3A_1411 = tpu.vector_load %arg7[%get3A_1409, %get3A_1410] {strides = array<i32>} : memref<128x128xf32, #tpu.memory_space<vmem>>, vector<1x16xf32>,
          %get3A_1412 = vector.shape_cast %get3A_1411 : vector<1x16xf32> to vector<16xf32>
          %sub3A_1413 = arith.subf %get3A_1406, %get3A_1412 : vector<16xf32>
          %max3A_1414 = arith.maximumf %max3A_1400, %sub3A_1413 : vector<16xf32>
          %add3A_1415 = arith.constant 3 : i32
          %add3A_1416 = arith.addi %mul3A_468, %add3A_1415 : i32
          %get3A_1417 = arith.index_cast %add3A_1416 : i32 to index
          %get3A_1418 = arith.constant 64 : index
          %get3A_1419 = tpu.vector_load %arg6[%get3A_1417, %get3A_1418] {strides = array<i32>} : memref<128x128xf32, #tpu.memory_space<vmem>>, vector<1x16xf32>,
          %get3A_1420 = vector.shape_cast %get3A_1419 : vector<1x16xf32> to vector<16xf32>
          %add3A_1421 = arith.constant 3 : i32
          %add3A_1422 = arith.addi %mul3A_468, %add3A_1421 : i32
          %get3A_1423 = arith.index_cast %add3A_1422 : i32 to index
          %get3A_1424 = arith.constant 64 : index
          %get3A_1425 = tpu.vector_load %arg7[%get3A_1423, %get3A_1424] {strides = array<i32>} : memref<128x128xf32, #tpu.memory_space<vmem>>, vector<1x16xf32>,
          %get3A_1426 = vector.shape_cast %get3A_1425 : vector<1x16xf32> to vector<16xf32>
          %sub3A_1427 = arith.subf %get3A_1420, %get3A_1426 : vector<16xf32>
          %max3A_1428 = arith.maximumf %max3A_1414, %sub3A_1427 : vector<16xf32>
          %add3A_1429 = arith.constant 4 : i32
          %add3A_1430 = arith.addi %mul3A_468, %add3A_1429 : i32
          %get3A_1431 = arith.index_cast %add3A_1430 : i32 to index
          %get3A_1432 = arith.constant 64 : index
          %get3A_1433 = tpu.vector_load %arg6[%get3A_1431, %get3A_1432] {strides = array<i32>} : memref<128x128xf32, #tpu.memory_space<vmem>>, vector<1x16xf32>,
          %get3A_1434 = vector.shape_cast %get3A_1433 : vector<1x16xf32> to vector<16xf32>
          %add3A_1435 = arith.constant 4 : i32
          %add3A_1436 = arith.addi %mul3A_468, %add3A_1435 : i32
          %get3A_1437 = arith.index_cast %add3A_1436 : i32 to index
          %get3A_1438 = arith.constant 64 : index
          %get3A_1439 = tpu.vector_load %arg7[%get3A_1437, %get3A_1438] {strides = array<i32>} : memref<128x128xf32, #tpu.memory_space<vmem>>, vector<1x16xf32>,
          %get3A_1440 = vector.shape_cast %get3A_1439 : vector<1x16xf32> to vector<16xf32>
          %sub3A_1441 = arith.subf %get3A_1434, %get3A_1440 : vector<16xf32>
          %max3A_1442 = arith.maximumf %max3A_1428, %sub3A_1441 : vector<16xf32>
          %add3A_1443 = arith.constant 5 : i32
          %add3A_1444 = arith.addi %mul3A_468, %add3A_1443 : i32
          %get3A_1445 = arith.index_cast %add3A_1444 : i32 to index
          %get3A_1446 = arith.constant 64 : index
          %get3A_1447 = tpu.vector_load %arg6[%get3A_1445, %get3A_1446] {strides = array<i32>} : memref<128x128xf32, #tpu.memory_space<vmem>>, vector<1x16xf32>,
          %get3A_1448 = vector.shape_cast %get3A_1447 : vector<1x16xf32> to vector<16xf32>
          %add3A_1449 = arith.constant 5 : i32
          %add3A_1450 = arith.addi %mul3A_468, %add3A_1449 : i32
          %get3A_1451 = arith.index_cast %add3A_1450 : i32 to index
          %get3A_1452 = arith.constant 64 : index
          %get3A_1453 = tpu.vector_load %arg7[%get3A_1451, %get3A_1452] {strides = array<i32>} : memref<128x128xf32, #tpu.memory_space<vmem>>, vector<1x16xf32>,
          %get3A_1454 = vector.shape_cast %get3A_1453 : vector<1x16xf32> to vector<16xf32>
          %sub3A_1455 = arith.subf %get3A_1448, %get3A_1454 : vector<16xf32>
          %max3A_1456 = arith.maximumf %max3A_1442, %sub3A_1455 : vector<16xf32>
          %add3A_1457 = arith.constant 6 : i32
          %add3A_1458 = arith.addi %mul3A_468, %add3A_1457 : i32
          %get3A_1459 = arith.index_cast %add3A_1458 : i32 to index
          %get3A_1460 = arith.constant 64 : index
          %get3A_1461 = tpu.vector_load %arg6[%get3A_1459, %get3A_1460] {strides = array<i32>} : memref<128x128xf32, #tpu.memory_space<vmem>>, vector<1x16xf32>,
          %get3A_1462 = vector.shape_cast %get3A_1461 : vector<1x16xf32> to vector<16xf32>
          %add3A_1463 = arith.constant 6 : i32
          %add3A_1464 = arith.addi %mul3A_468, %add3A_1463 : i32
          %get3A_1465 = arith.index_cast %add3A_1464 : i32 to index
          %get3A_1466 = arith.constant 64 : index
          %get3A_1467 = tpu.vector_load %arg7[%get3A_1465, %get3A_1466] {strides = array<i32>} : memref<128x128xf32, #tpu.memory_space<vmem>>, vector<1x16xf32>,
          %get3A_1468 = vector.shape_cast %get3A_1467 : vector<1x16xf32> to vector<16xf32>
          %sub3A_1469 = arith.subf %get3A_1462, %get3A_1468 : vector<16xf32>
          %max3A_1470 = arith.maximumf %max3A_1456, %sub3A_1469 : vector<16xf32>
          %add3A_1471 = arith.constant 7 : i32
          %add3A_1472 = arith.addi %mul3A_468, %add3A_1471 : i32
          %get3A_1473 = arith.index_cast %add3A_1472 : i32 to index
          %get3A_1474 = arith.constant 64 : index
          %get3A_1475 = tpu.vector_load %arg6[%get3A_1473, %get3A_1474] {strides = array<i32>} : memref<128x128xf32, #tpu.memory_space<vmem>>, vector<1x16xf32>,
          %get3A_1476 = vector.shape_cast %get3A_1475 : vector<1x16xf32> to vector<16xf32>
          %add3A_1477 = arith.constant 7 : i32
          %add3A_1478 = arith.addi %mul3A_468, %add3A_1477 : i32
          %get3A_1479 = arith.index_cast %add3A_1478 : i32 to index
          %get3A_1480 = arith.constant 64 : index
          %get3A_1481 = tpu.vector_load %arg7[%get3A_1479, %get3A_1480] {strides = array<i32>} : memref<128x128xf32, #tpu.memory_space<vmem>>, vector<1x16xf32>,
          %get3A_1482 = vector.shape_cast %get3A_1481 : vector<1x16xf32> to vector<16xf32>
          %sub3A_1483 = arith.subf %get3A_1476, %get3A_1482 : vector<16xf32>
          %max3A_1484 = arith.maximumf %max3A_1470, %sub3A_1483 : vector<16xf32>
          %add3A_1485 = arith.constant 8 : i32
          %add3A_1486 = arith.addi %mul3A_468, %add3A_1485 : i32
          %get3A_1487 = arith.index_cast %add3A_1486 : i32 to index
          %get3A_1488 = arith.constant 64 : index
          %get3A_1489 = tpu.vector_load %arg6[%get3A_1487, %get3A_1488] {strides = array<i32>} : memref<128x128xf32, #tpu.memory_space<vmem>>, vector<1x16xf32>,
          %get3A_1490 = vector.shape_cast %get3A_1489 : vector<1x16xf32> to vector<16xf32>
          %add3A_1491 = arith.constant 8 : i32
          %add3A_1492 = arith.addi %mul3A_468, %add3A_1491 : i32
          %get3A_1493 = arith.index_cast %add3A_1492 : i32 to index
          %get3A_1494 = arith.constant 64 : index
          %get3A_1495 = tpu.vector_load %arg7[%get3A_1493, %get3A_1494] {strides = array<i32>} : memref<128x128xf32, #tpu.memory_space<vmem>>, vector<1x16xf32>,
          %get3A_1496 = vector.shape_cast %get3A_1495 : vector<1x16xf32> to vector<16xf32>
          %sub3A_1497 = arith.subf %get3A_1490, %get3A_1496 : vector<16xf32>
          %max3A_1498 = arith.maximumf %max3A_1484, %sub3A_1497 : vector<16xf32>
          %add3A_1499 = arith.constant 9 : i32
          %add3A_1500 = arith.addi %mul3A_468, %add3A_1499 : i32
          %get3A_1501 = arith.index_cast %add3A_1500 : i32 to index
          %get3A_1502 = arith.constant 64 : index
          %get3A_1503 = tpu.vector_load %arg6[%get3A_1501, %get3A_1502] {strides = array<i32>} : memref<128x128xf32, #tpu.memory_space<vmem>>, vector<1x16xf32>,
          %get3A_1504 = vector.shape_cast %get3A_1503 : vector<1x16xf32> to vector<16xf32>
          %add3A_1505 = arith.constant 9 : i32
          %add3A_1506 = arith.addi %mul3A_468, %add3A_1505 : i32
          %get3A_1507 = arith.index_cast %add3A_1506 : i32 to index
          %get3A_1508 = arith.constant 64 : index
          %get3A_1509 = tpu.vector_load %arg7[%get3A_1507, %get3A_1508] {strides = array<i32>} : memref<128x128xf32, #tpu.memory_space<vmem>>, vector<1x16xf32>,
          %get3A_1510 = vector.shape_cast %get3A_1509 : vector<1x16xf32> to vector<16xf32>
          %sub3A_1511 = arith.subf %get3A_1504, %get3A_1510 : vector<16xf32>
          %max3A_1512 = arith.maximumf %max3A_1498, %sub3A_1511 : vector<16xf32>
          %add3A_1513 = arith.constant 10 : i32
          %add3A_1514 = arith.addi %mul3A_468, %add3A_1513 : i32
          %get3A_1515 = arith.index_cast %add3A_1514 : i32 to index
          %get3A_1516 = arith.constant 64 : index
          %get3A_1517 = tpu.vector_load %arg6[%get3A_1515, %get3A_1516] {strides = array<i32>} : memref<128x128xf32, #tpu.memory_space<vmem>>, vector<1x16xf32>,
          %get3A_1518 = vector.shape_cast %get3A_1517 : vector<1x16xf32> to vector<16xf32>
          %add3A_1519 = arith.constant 10 : i32
          %add3A_1520 = arith.addi %mul3A_468, %add3A_1519 : i32
          %get3A_1521 = arith.index_cast %add3A_1520 : i32 to index
          %get3A_1522 = arith.constant 64 : index
          %get3A_1523 = tpu.vector_load %arg7[%get3A_1521, %get3A_1522] {strides = array<i32>} : memref<128x128xf32, #tpu.memory_space<vmem>>, vector<1x16xf32>,
          %get3A_1524 = vector.shape_cast %get3A_1523 : vector<1x16xf32> to vector<16xf32>
          %sub3A_1525 = arith.subf %get3A_1518, %get3A_1524 : vector<16xf32>
          %max3A_1526 = arith.maximumf %max3A_1512, %sub3A_1525 : vector<16xf32>
          %add3A_1527 = arith.constant 11 : i32
          %add3A_1528 = arith.addi %mul3A_468, %add3A_1527 : i32
          %get3A_1529 = arith.index_cast %add3A_1528 : i32 to index
          %get3A_1530 = arith.constant 64 : index
          %get3A_1531 = tpu.vector_load %arg6[%get3A_1529, %get3A_1530] {strides = array<i32>} : memref<128x128xf32, #tpu.memory_space<vmem>>, vector<1x16xf32>,
          %get3A_1532 = vector.shape_cast %get3A_1531 : vector<1x16xf32> to vector<16xf32>
          %add3A_1533 = arith.constant 11 : i32
          %add3A_1534 = arith.addi %mul3A_468, %add3A_1533 : i32
          %get3A_1535 = arith.index_cast %add3A_1534 : i32 to index
          %get3A_1536 = arith.constant 64 : index
          %get3A_1537 = tpu.vector_load %arg7[%get3A_1535, %get3A_1536] {strides = array<i32>} : memref<128x128xf32, #tpu.memory_space<vmem>>, vector<1x16xf32>,
          %get3A_1538 = vector.shape_cast %get3A_1537 : vector<1x16xf32> to vector<16xf32>
          %sub3A_1539 = arith.subf %get3A_1532, %get3A_1538 : vector<16xf32>
          %max3A_1540 = arith.maximumf %max3A_1526, %sub3A_1539 : vector<16xf32>
          %add3A_1541 = arith.constant 12 : i32
          %add3A_1542 = arith.addi %mul3A_468, %add3A_1541 : i32
          %get3A_1543 = arith.index_cast %add3A_1542 : i32 to index
          %get3A_1544 = arith.constant 64 : index
          %get3A_1545 = tpu.vector_load %arg6[%get3A_1543, %get3A_1544] {strides = array<i32>} : memref<128x128xf32, #tpu.memory_space<vmem>>, vector<1x16xf32>,
          %get3A_1546 = vector.shape_cast %get3A_1545 : vector<1x16xf32> to vector<16xf32>
          %add3A_1547 = arith.constant 12 : i32
          %add3A_1548 = arith.addi %mul3A_468, %add3A_1547 : i32
          %get3A_1549 = arith.index_cast %add3A_1548 : i32 to index
          %get3A_1550 = arith.constant 64 : index
          %get3A_1551 = tpu.vector_load %arg7[%get3A_1549, %get3A_1550] {strides = array<i32>} : memref<128x128xf32, #tpu.memory_space<vmem>>, vector<1x16xf32>,
          %get3A_1552 = vector.shape_cast %get3A_1551 : vector<1x16xf32> to vector<16xf32>
          %sub3A_1553 = arith.subf %get3A_1546, %get3A_1552 : vector<16xf32>
          %max3A_1554 = arith.maximumf %max3A_1540, %sub3A_1553 : vector<16xf32>
          %add3A_1555 = arith.constant 13 : i32
          %add3A_1556 = arith.addi %mul3A_468, %add3A_1555 : i32
          %get3A_1557 = arith.index_cast %add3A_1556 : i32 to index
          %get3A_1558 = arith.constant 64 : index
          %get3A_1559 = tpu.vector_load %arg6[%get3A_1557, %get3A_1558] {strides = array<i32>} : memref<128x128xf32, #tpu.memory_space<vmem>>, vector<1x16xf32>,
          %get3A_1560 = vector.shape_cast %get3A_1559 : vector<1x16xf32> to vector<16xf32>
          %add3A_1561 = arith.constant 13 : i32
          %add3A_1562 = arith.addi %mul3A_468, %add3A_1561 : i32
          %get3A_1563 = arith.index_cast %add3A_1562 : i32 to index
          %get3A_1564 = arith.constant 64 : index
          %get3A_1565 = tpu.vector_load %arg7[%get3A_1563, %get3A_1564] {strides = array<i32>} : memref<128x128xf32, #tpu.memory_space<vmem>>, vector<1x16xf32>,
          %get3A_1566 = vector.shape_cast %get3A_1565 : vector<1x16xf32> to vector<16xf32>
          %sub3A_1567 = arith.subf %get3A_1560, %get3A_1566 : vector<16xf32>
          %max3A_1568 = arith.maximumf %max3A_1554, %sub3A_1567 : vector<16xf32>
          %add3A_1569 = arith.constant 14 : i32
          %add3A_1570 = arith.addi %mul3A_468, %add3A_1569 : i32
          %get3A_1571 = arith.index_cast %add3A_1570 : i32 to index
          %get3A_1572 = arith.constant 64 : index
          %get3A_1573 = tpu.vector_load %arg6[%get3A_1571, %get3A_1572] {strides = array<i32>} : memref<128x128xf32, #tpu.memory_space<vmem>>, vector<1x16xf32>,
          %get3A_1574 = vector.shape_cast %get3A_1573 : vector<1x16xf32> to vector<16xf32>
          %add3A_1575 = arith.constant 14 : i32
          %add3A_1576 = arith.addi %mul3A_468, %add3A_1575 : i32
          %get3A_1577 = arith.index_cast %add3A_1576 : i32 to index
          %get3A_1578 = arith.constant 64 : index
          %get3A_1579 = tpu.vector_load %arg7[%get3A_1577, %get3A_1578] {strides = array<i32>} : memref<128x128xf32, #tpu.memory_space<vmem>>, vector<1x16xf32>,
          %get3A_1580 = vector.shape_cast %get3A_1579 : vector<1x16xf32> to vector<16xf32>
          %sub3A_1581 = arith.subf %get3A_1574, %get3A_1580 : vector<16xf32>
          %max3A_1582 = arith.maximumf %max3A_1568, %sub3A_1581 : vector<16xf32>
          %add3A_1583 = arith.constant 15 : i32
          %add3A_1584 = arith.addi %mul3A_468, %add3A_1583 : i32
          %get3A_1585 = arith.index_cast %add3A_1584 : i32 to index
          %get3A_1586 = arith.constant 64 : index
          %get3A_1587 = tpu.vector_load %arg6[%get3A_1585, %get3A_1586] {strides = array<i32>} : memref<128x128xf32, #tpu.memory_space<vmem>>, vector<1x16xf32>,
          %get3A_1588 = vector.shape_cast %get3A_1587 : vector<1x16xf32> to vector<16xf32>
          %add3A_1589 = arith.constant 15 : i32
          %add3A_1590 = arith.addi %mul3A_468, %add3A_1589 : i32
          %get3A_1591 = arith.index_cast %add3A_1590 : i32 to index
          %get3A_1592 = arith.constant 64 : index
          %get3A_1593 = tpu.vector_load %arg7[%get3A_1591, %get3A_1592] {strides = array<i32>} : memref<128x128xf32, #tpu.memory_space<vmem>>, vector<1x16xf32>,
          %get3A_1594 = vector.shape_cast %get3A_1593 : vector<1x16xf32> to vector<16xf32>
          %sub3A_1595 = arith.subf %get3A_1588, %get3A_1594 : vector<16xf32>
          %max3A_1596 = arith.maximumf %max3A_1582, %sub3A_1595 : vector<16xf32>
          %swap3A_1597 = arith.constant 0 : i32
          %swap3A_1598 = arith.constant 0 : i32
          %swap3A_1599 = tpu.memref_slice %run_scoped3A_10[%rem3A_276, %swap3A_1597, %swap3A_1598] : memref<2x8x128xf32, #tpu.memory_space<vmem>> -> memref<1x8x128xf32, #tpu.memory_space<vmem>>
          %swap3A_1600 = tpu.memref_squeeze %swap3A_1599 : memref<1x8x128xf32, #tpu.memory_space<vmem>> -> memref<8x128xf32, #tpu.memory_space<vmem>>
          %swap3A_1601 = arith.index_cast %add3A_466 : i32 to index
          %swap3A_1602 = arith.constant 64 : index
          %swap3A_1603 = tpu.vector_load %swap3A_1600[%swap3A_1601, %swap3A_1602] {strides = array<i32>} : memref<8x128xf32, #tpu.memory_space<vmem>>, vector<1x16xf32>,
          %swap3A_1604 = vector.shape_cast %swap3A_1603 : vector<1x16xf32> to vector<16xf32>
          %swap3A_1605 = vector.shape_cast %max3A_1596 : vector<16xf32> to vector<1x16xf32>
          tpu.vector_store %swap3A_1600[%swap3A_1601, %swap3A_1602], %swap3A_1605 {strides = array<i32>} : memref<8x128xf32, #tpu.memory_space<vmem>>, vector<1x16xf32>,
          %get3A_1606 = arith.index_cast %mul3A_468 : i32 to index
          %get3A_1607 = arith.constant 80 : index
          %get3A_1608 = tpu.vector_load %arg6[%get3A_1606, %get3A_1607] {strides = array<i32>} : memref<128x128xf32, #tpu.memory_space<vmem>>, vector<1x16xf32>,
          %get3A_1609 = vector.shape_cast %get3A_1608 : vector<1x16xf32> to vector<16xf32>
          %get3A_1610 = arith.index_cast %mul3A_468 : i32 to index
          %get3A_1611 = arith.constant 80 : index
          %get3A_1612 = tpu.vector_load %arg7[%get3A_1610, %get3A_1611] {strides = array<i32>} : memref<128x128xf32, #tpu.memory_space<vmem>>, vector<1x16xf32>,
          %get3A_1613 = vector.shape_cast %get3A_1612 : vector<1x16xf32> to vector<16xf32>
          %sub3A_1614 = arith.subf %get3A_1609, %get3A_1613 : vector<16xf32>
          %add3A_1615 = arith.constant 1 : i32
          %add3A_1616 = arith.addi %mul3A_468, %add3A_1615 : i32
          %get3A_1617 = arith.index_cast %add3A_1616 : i32 to index
          %get3A_1618 = arith.constant 80 : index
          %get3A_1619 = tpu.vector_load %arg6[%get3A_1617, %get3A_1618] {strides = array<i32>} : memref<128x128xf32, #tpu.memory_space<vmem>>, vector<1x16xf32>,
          %get3A_1620 = vector.shape_cast %get3A_1619 : vector<1x16xf32> to vector<16xf32>
          %add3A_1621 = arith.constant 1 : i32
          %add3A_1622 = arith.addi %mul3A_468, %add3A_1621 : i32
          %get3A_1623 = arith.index_cast %add3A_1622 : i32 to index
          %get3A_1624 = arith.constant 80 : index
          %get3A_1625 = tpu.vector_load %arg7[%get3A_1623, %get3A_1624] {strides = array<i32>} : memref<128x128xf32, #tpu.memory_space<vmem>>, vector<1x16xf32>,
          %get3A_1626 = vector.shape_cast %get3A_1625 : vector<1x16xf32> to vector<16xf32>
          %sub3A_1627 = arith.subf %get3A_1620, %get3A_1626 : vector<16xf32>
          %max3A_1628 = arith.maximumf %sub3A_1614, %sub3A_1627 : vector<16xf32>
          %add3A_1629 = arith.constant 2 : i32
          %add3A_1630 = arith.addi %mul3A_468, %add3A_1629 : i32
          %get3A_1631 = arith.index_cast %add3A_1630 : i32 to index
          %get3A_1632 = arith.constant 80 : index
          %get3A_1633 = tpu.vector_load %arg6[%get3A_1631, %get3A_1632] {strides = array<i32>} : memref<128x128xf32, #tpu.memory_space<vmem>>, vector<1x16xf32>,
          %get3A_1634 = vector.shape_cast %get3A_1633 : vector<1x16xf32> to vector<16xf32>
          %add3A_1635 = arith.constant 2 : i32
          %add3A_1636 = arith.addi %mul3A_468, %add3A_1635 : i32
          %get3A_1637 = arith.index_cast %add3A_1636 : i32 to index
          %get3A_1638 = arith.constant 80 : index
          %get3A_1639 = tpu.vector_load %arg7[%get3A_1637, %get3A_1638] {strides = array<i32>} : memref<128x128xf32, #tpu.memory_space<vmem>>, vector<1x16xf32>,
          %get3A_1640 = vector.shape_cast %get3A_1639 : vector<1x16xf32> to vector<16xf32>
          %sub3A_1641 = arith.subf %get3A_1634, %get3A_1640 : vector<16xf32>
          %max3A_1642 = arith.maximumf %max3A_1628, %sub3A_1641 : vector<16xf32>
          %add3A_1643 = arith.constant 3 : i32
          %add3A_1644 = arith.addi %mul3A_468, %add3A_1643 : i32
          %get3A_1645 = arith.index_cast %add3A_1644 : i32 to index
          %get3A_1646 = arith.constant 80 : index
          %get3A_1647 = tpu.vector_load %arg6[%get3A_1645, %get3A_1646] {strides = array<i32>} : memref<128x128xf32, #tpu.memory_space<vmem>>, vector<1x16xf32>,
          %get3A_1648 = vector.shape_cast %get3A_1647 : vector<1x16xf32> to vector<16xf32>
          %add3A_1649 = arith.constant 3 : i32
          %add3A_1650 = arith.addi %mul3A_468, %add3A_1649 : i32
          %get3A_1651 = arith.index_cast %add3A_1650 : i32 to index
          %get3A_1652 = arith.constant 80 : index
          %get3A_1653 = tpu.vector_load %arg7[%get3A_1651, %get3A_1652] {strides = array<i32>} : memref<128x128xf32, #tpu.memory_space<vmem>>, vector<1x16xf32>,
          %get3A_1654 = vector.shape_cast %get3A_1653 : vector<1x16xf32> to vector<16xf32>
          %sub3A_1655 = arith.subf %get3A_1648, %get3A_1654 : vector<16xf32>
          %max3A_1656 = arith.maximumf %max3A_1642, %sub3A_1655 : vector<16xf32>
          %add3A_1657 = arith.constant 4 : i32
          %add3A_1658 = arith.addi %mul3A_468, %add3A_1657 : i32
          %get3A_1659 = arith.index_cast %add3A_1658 : i32 to index
          %get3A_1660 = arith.constant 80 : index
          %get3A_1661 = tpu.vector_load %arg6[%get3A_1659, %get3A_1660] {strides = array<i32>} : memref<128x128xf32, #tpu.memory_space<vmem>>, vector<1x16xf32>,
          %get3A_1662 = vector.shape_cast %get3A_1661 : vector<1x16xf32> to vector<16xf32>
          %add3A_1663 = arith.constant 4 : i32
          %add3A_1664 = arith.addi %mul3A_468, %add3A_1663 : i32
          %get3A_1665 = arith.index_cast %add3A_1664 : i32 to index
          %get3A_1666 = arith.constant 80 : index
          %get3A_1667 = tpu.vector_load %arg7[%get3A_1665, %get3A_1666] {strides = array<i32>} : memref<128x128xf32, #tpu.memory_space<vmem>>, vector<1x16xf32>,
          %get3A_1668 = vector.shape_cast %get3A_1667 : vector<1x16xf32> to vector<16xf32>
          %sub3A_1669 = arith.subf %get3A_1662, %get3A_1668 : vector<16xf32>
          %max3A_1670 = arith.maximumf %max3A_1656, %sub3A_1669 : vector<16xf32>
          %add3A_1671 = arith.constant 5 : i32
          %add3A_1672 = arith.addi %mul3A_468, %add3A_1671 : i32
          %get3A_1673 = arith.index_cast %add3A_1672 : i32 to index
          %get3A_1674 = arith.constant 80 : index
          %get3A_1675 = tpu.vector_load %arg6[%get3A_1673, %get3A_1674] {strides = array<i32>} : memref<128x128xf32, #tpu.memory_space<vmem>>, vector<1x16xf32>,
          %get3A_1676 = vector.shape_cast %get3A_1675 : vector<1x16xf32> to vector<16xf32>
          %add3A_1677 = arith.constant 5 : i32
          %add3A_1678 = arith.addi %mul3A_468, %add3A_1677 : i32
          %get3A_1679 = arith.index_cast %add3A_1678 : i32 to index
          %get3A_1680 = arith.constant 80 : index
          %get3A_1681 = tpu.vector_load %arg7[%get3A_1679, %get3A_1680] {strides = array<i32>} : memref<128x128xf32, #tpu.memory_space<vmem>>, vector<1x16xf32>,
          %get3A_1682 = vector.shape_cast %get3A_1681 : vector<1x16xf32> to vector<16xf32>
          %sub3A_1683 = arith.subf %get3A_1676, %get3A_1682 : vector<16xf32>
          %max3A_1684 = arith.maximumf %max3A_1670, %sub3A_1683 : vector<16xf32>
          %add3A_1685 = arith.constant 6 : i32
          %add3A_1686 = arith.addi %mul3A_468, %add3A_1685 : i32
          %get3A_1687 = arith.index_cast %add3A_1686 : i32 to index
          %get3A_1688 = arith.constant 80 : index
          %get3A_1689 = tpu.vector_load %arg6[%get3A_1687, %get3A_1688] {strides = array<i32>} : memref<128x128xf32, #tpu.memory_space<vmem>>, vector<1x16xf32>,
          %get3A_1690 = vector.shape_cast %get3A_1689 : vector<1x16xf32> to vector<16xf32>
          %add3A_1691 = arith.constant 6 : i32
          %add3A_1692 = arith.addi %mul3A_468, %add3A_1691 : i32
          %get3A_1693 = arith.index_cast %add3A_1692 : i32 to index
          %get3A_1694 = arith.constant 80 : index
          %get3A_1695 = tpu.vector_load %arg7[%get3A_1693, %get3A_1694] {strides = array<i32>} : memref<128x128xf32, #tpu.memory_space<vmem>>, vector<1x16xf32>,
          %get3A_1696 = vector.shape_cast %get3A_1695 : vector<1x16xf32> to vector<16xf32>
          %sub3A_1697 = arith.subf %get3A_1690, %get3A_1696 : vector<16xf32>
          %max3A_1698 = arith.maximumf %max3A_1684, %sub3A_1697 : vector<16xf32>
          %add3A_1699 = arith.constant 7 : i32
          %add3A_1700 = arith.addi %mul3A_468, %add3A_1699 : i32
          %get3A_1701 = arith.index_cast %add3A_1700 : i32 to index
          %get3A_1702 = arith.constant 80 : index
          %get3A_1703 = tpu.vector_load %arg6[%get3A_1701, %get3A_1702] {strides = array<i32>} : memref<128x128xf32, #tpu.memory_space<vmem>>, vector<1x16xf32>,
          %get3A_1704 = vector.shape_cast %get3A_1703 : vector<1x16xf32> to vector<16xf32>
          %add3A_1705 = arith.constant 7 : i32
          %add3A_1706 = arith.addi %mul3A_468, %add3A_1705 : i32
          %get3A_1707 = arith.index_cast %add3A_1706 : i32 to index
          %get3A_1708 = arith.constant 80 : index
          %get3A_1709 = tpu.vector_load %arg7[%get3A_1707, %get3A_1708] {strides = array<i32>} : memref<128x128xf32, #tpu.memory_space<vmem>>, vector<1x16xf32>,
          %get3A_1710 = vector.shape_cast %get3A_1709 : vector<1x16xf32> to vector<16xf32>
          %sub3A_1711 = arith.subf %get3A_1704, %get3A_1710 : vector<16xf32>
          %max3A_1712 = arith.maximumf %max3A_1698, %sub3A_1711 : vector<16xf32>
          %add3A_1713 = arith.constant 8 : i32
          %add3A_1714 = arith.addi %mul3A_468, %add3A_1713 : i32
          %get3A_1715 = arith.index_cast %add3A_1714 : i32 to index
          %get3A_1716 = arith.constant 80 : index
          %get3A_1717 = tpu.vector_load %arg6[%get3A_1715, %get3A_1716] {strides = array<i32>} : memref<128x128xf32, #tpu.memory_space<vmem>>, vector<1x16xf32>,
          %get3A_1718 = vector.shape_cast %get3A_1717 : vector<1x16xf32> to vector<16xf32>
          %add3A_1719 = arith.constant 8 : i32
          %add3A_1720 = arith.addi %mul3A_468, %add3A_1719 : i32
          %get3A_1721 = arith.index_cast %add3A_1720 : i32 to index
          %get3A_1722 = arith.constant 80 : index
          %get3A_1723 = tpu.vector_load %arg7[%get3A_1721, %get3A_1722] {strides = array<i32>} : memref<128x128xf32, #tpu.memory_space<vmem>>, vector<1x16xf32>,
          %get3A_1724 = vector.shape_cast %get3A_1723 : vector<1x16xf32> to vector<16xf32>
          %sub3A_1725 = arith.subf %get3A_1718, %get3A_1724 : vector<16xf32>
          %max3A_1726 = arith.maximumf %max3A_1712, %sub3A_1725 : vector<16xf32>
          %add3A_1727 = arith.constant 9 : i32
          %add3A_1728 = arith.addi %mul3A_468, %add3A_1727 : i32
          %get3A_1729 = arith.index_cast %add3A_1728 : i32 to index
          %get3A_1730 = arith.constant 80 : index
          %get3A_1731 = tpu.vector_load %arg6[%get3A_1729, %get3A_1730] {strides = array<i32>} : memref<128x128xf32, #tpu.memory_space<vmem>>, vector<1x16xf32>,
          %get3A_1732 = vector.shape_cast %get3A_1731 : vector<1x16xf32> to vector<16xf32>
          %add3A_1733 = arith.constant 9 : i32
          %add3A_1734 = arith.addi %mul3A_468, %add3A_1733 : i32
          %get3A_1735 = arith.index_cast %add3A_1734 : i32 to index
          %get3A_1736 = arith.constant 80 : index
          %get3A_1737 = tpu.vector_load %arg7[%get3A_1735, %get3A_1736] {strides = array<i32>} : memref<128x128xf32, #tpu.memory_space<vmem>>, vector<1x16xf32>,
          %get3A_1738 = vector.shape_cast %get3A_1737 : vector<1x16xf32> to vector<16xf32>
          %sub3A_1739 = arith.subf %get3A_1732, %get3A_1738 : vector<16xf32>
          %max3A_1740 = arith.maximumf %max3A_1726, %sub3A_1739 : vector<16xf32>
          %add3A_1741 = arith.constant 10 : i32
          %add3A_1742 = arith.addi %mul3A_468, %add3A_1741 : i32
          %get3A_1743 = arith.index_cast %add3A_1742 : i32 to index
          %get3A_1744 = arith.constant 80 : index
          %get3A_1745 = tpu.vector_load %arg6[%get3A_1743, %get3A_1744] {strides = array<i32>} : memref<128x128xf32, #tpu.memory_space<vmem>>, vector<1x16xf32>,
          %get3A_1746 = vector.shape_cast %get3A_1745 : vector<1x16xf32> to vector<16xf32>
          %add3A_1747 = arith.constant 10 : i32
          %add3A_1748 = arith.addi %mul3A_468, %add3A_1747 : i32
          %get3A_1749 = arith.index_cast %add3A_1748 : i32 to index
          %get3A_1750 = arith.constant 80 : index
          %get3A_1751 = tpu.vector_load %arg7[%get3A_1749, %get3A_1750] {strides = array<i32>} : memref<128x128xf32, #tpu.memory_space<vmem>>, vector<1x16xf32>,
          %get3A_1752 = vector.shape_cast %get3A_1751 : vector<1x16xf32> to vector<16xf32>
          %sub3A_1753 = arith.subf %get3A_1746, %get3A_1752 : vector<16xf32>
          %max3A_1754 = arith.maximumf %max3A_1740, %sub3A_1753 : vector<16xf32>
          %add3A_1755 = arith.constant 11 : i32
          %add3A_1756 = arith.addi %mul3A_468, %add3A_1755 : i32
          %get3A_1757 = arith.index_cast %add3A_1756 : i32 to index
          %get3A_1758 = arith.constant 80 : index
          %get3A_1759 = tpu.vector_load %arg6[%get3A_1757, %get3A_1758] {strides = array<i32>} : memref<128x128xf32, #tpu.memory_space<vmem>>, vector<1x16xf32>,
          %get3A_1760 = vector.shape_cast %get3A_1759 : vector<1x16xf32> to vector<16xf32>
          %add3A_1761 = arith.constant 11 : i32
          %add3A_1762 = arith.addi %mul3A_468, %add3A_1761 : i32
          %get3A_1763 = arith.index_cast %add3A_1762 : i32 to index
          %get3A_1764 = arith.constant 80 : index
          %get3A_1765 = tpu.vector_load %arg7[%get3A_1763, %get3A_1764] {strides = array<i32>} : memref<128x128xf32, #tpu.memory_space<vmem>>, vector<1x16xf32>,
          %get3A_1766 = vector.shape_cast %get3A_1765 : vector<1x16xf32> to vector<16xf32>
          %sub3A_1767 = arith.subf %get3A_1760, %get3A_1766 : vector<16xf32>
          %max3A_1768 = arith.maximumf %max3A_1754, %sub3A_1767 : vector<16xf32>
          %add3A_1769 = arith.constant 12 : i32
          %add3A_1770 = arith.addi %mul3A_468, %add3A_1769 : i32
          %get3A_1771 = arith.index_cast %add3A_1770 : i32 to index
          %get3A_1772 = arith.constant 80 : index
          %get3A_1773 = tpu.vector_load %arg6[%get3A_1771, %get3A_1772] {strides = array<i32>} : memref<128x128xf32, #tpu.memory_space<vmem>>, vector<1x16xf32>,
          %get3A_1774 = vector.shape_cast %get3A_1773 : vector<1x16xf32> to vector<16xf32>
          %add3A_1775 = arith.constant 12 : i32
          %add3A_1776 = arith.addi %mul3A_468, %add3A_1775 : i32
          %get3A_1777 = arith.index_cast %add3A_1776 : i32 to index
          %get3A_1778 = arith.constant 80 : index
          %get3A_1779 = tpu.vector_load %arg7[%get3A_1777, %get3A_1778] {strides = array<i32>} : memref<128x128xf32, #tpu.memory_space<vmem>>, vector<1x16xf32>,
          %get3A_1780 = vector.shape_cast %get3A_1779 : vector<1x16xf32> to vector<16xf32>
          %sub3A_1781 = arith.subf %get3A_1774, %get3A_1780 : vector<16xf32>
          %max3A_1782 = arith.maximumf %max3A_1768, %sub3A_1781 : vector<16xf32>
          %add3A_1783 = arith.constant 13 : i32
          %add3A_1784 = arith.addi %mul3A_468, %add3A_1783 : i32
          %get3A_1785 = arith.index_cast %add3A_1784 : i32 to index
          %get3A_1786 = arith.constant 80 : index
          %get3A_1787 = tpu.vector_load %arg6[%get3A_1785, %get3A_1786] {strides = array<i32>} : memref<128x128xf32, #tpu.memory_space<vmem>>, vector<1x16xf32>,
          %get3A_1788 = vector.shape_cast %get3A_1787 : vector<1x16xf32> to vector<16xf32>
          %add3A_1789 = arith.constant 13 : i32
          %add3A_1790 = arith.addi %mul3A_468, %add3A_1789 : i32
          %get3A_1791 = arith.index_cast %add3A_1790 : i32 to index
          %get3A_1792 = arith.constant 80 : index
          %get3A_1793 = tpu.vector_load %arg7[%get3A_1791, %get3A_1792] {strides = array<i32>} : memref<128x128xf32, #tpu.memory_space<vmem>>, vector<1x16xf32>,
          %get3A_1794 = vector.shape_cast %get3A_1793 : vector<1x16xf32> to vector<16xf32>
          %sub3A_1795 = arith.subf %get3A_1788, %get3A_1794 : vector<16xf32>
          %max3A_1796 = arith.maximumf %max3A_1782, %sub3A_1795 : vector<16xf32>
          %add3A_1797 = arith.constant 14 : i32
          %add3A_1798 = arith.addi %mul3A_468, %add3A_1797 : i32
          %get3A_1799 = arith.index_cast %add3A_1798 : i32 to index
          %get3A_1800 = arith.constant 80 : index
          %get3A_1801 = tpu.vector_load %arg6[%get3A_1799, %get3A_1800] {strides = array<i32>} : memref<128x128xf32, #tpu.memory_space<vmem>>, vector<1x16xf32>,
          %get3A_1802 = vector.shape_cast %get3A_1801 : vector<1x16xf32> to vector<16xf32>
          %add3A_1803 = arith.constant 14 : i32
          %add3A_1804 = arith.addi %mul3A_468, %add3A_1803 : i32
          %get3A_1805 = arith.index_cast %add3A_1804 : i32 to index
          %get3A_1806 = arith.constant 80 : index
          %get3A_1807 = tpu.vector_load %arg7[%get3A_1805, %get3A_1806] {strides = array<i32>} : memref<128x128xf32, #tpu.memory_space<vmem>>, vector<1x16xf32>,
          %get3A_1808 = vector.shape_cast %get3A_1807 : vector<1x16xf32> to vector<16xf32>
          %sub3A_1809 = arith.subf %get3A_1802, %get3A_1808 : vector<16xf32>
          %max3A_1810 = arith.maximumf %max3A_1796, %sub3A_1809 : vector<16xf32>
          %add3A_1811 = arith.constant 15 : i32
          %add3A_1812 = arith.addi %mul3A_468, %add3A_1811 : i32
          %get3A_1813 = arith.index_cast %add3A_1812 : i32 to index
          %get3A_1814 = arith.constant 80 : index
          %get3A_1815 = tpu.vector_load %arg6[%get3A_1813, %get3A_1814] {strides = array<i32>} : memref<128x128xf32, #tpu.memory_space<vmem>>, vector<1x16xf32>,
          %get3A_1816 = vector.shape_cast %get3A_1815 : vector<1x16xf32> to vector<16xf32>
          %add3A_1817 = arith.constant 15 : i32
          %add3A_1818 = arith.addi %mul3A_468, %add3A_1817 : i32
          %get3A_1819 = arith.index_cast %add3A_1818 : i32 to index
          %get3A_1820 = arith.constant 80 : index
          %get3A_1821 = tpu.vector_load %arg7[%get3A_1819, %get3A_1820] {strides = array<i32>} : memref<128x128xf32, #tpu.memory_space<vmem>>, vector<1x16xf32>,
          %get3A_1822 = vector.shape_cast %get3A_1821 : vector<1x16xf32> to vector<16xf32>
          %sub3A_1823 = arith.subf %get3A_1816, %get3A_1822 : vector<16xf32>
          %max3A_1824 = arith.maximumf %max3A_1810, %sub3A_1823 : vector<16xf32>
          %swap3A_1825 = arith.constant 0 : i32
          %swap3A_1826 = arith.constant 0 : i32
          %swap3A_1827 = tpu.memref_slice %run_scoped3A_10[%rem3A_276, %swap3A_1825, %swap3A_1826] : memref<2x8x128xf32, #tpu.memory_space<vmem>> -> memref<1x8x128xf32, #tpu.memory_space<vmem>>
          %swap3A_1828 = tpu.memref_squeeze %swap3A_1827 : memref<1x8x128xf32, #tpu.memory_space<vmem>> -> memref<8x128xf32, #tpu.memory_space<vmem>>
          %swap3A_1829 = arith.index_cast %add3A_466 : i32 to index
          %swap3A_1830 = arith.constant 80 : index
          %swap3A_1831 = tpu.vector_load %swap3A_1828[%swap3A_1829, %swap3A_1830] {strides = array<i32>} : memref<8x128xf32, #tpu.memory_space<vmem>>, vector<1x16xf32>,
          %swap3A_1832 = vector.shape_cast %swap3A_1831 : vector<1x16xf32> to vector<16xf32>
          %swap3A_1833 = vector.shape_cast %max3A_1824 : vector<16xf32> to vector<1x16xf32>
          tpu.vector_store %swap3A_1828[%swap3A_1829, %swap3A_1830], %swap3A_1833 {strides = array<i32>} : memref<8x128xf32, #tpu.memory_space<vmem>>, vector<1x16xf32>,
          %get3A_1834 = arith.index_cast %mul3A_468 : i32 to index
          %get3A_1835 = arith.constant 96 : index
          %get3A_1836 = tpu.vector_load %arg6[%get3A_1834, %get3A_1835] {strides = array<i32>} : memref<128x128xf32, #tpu.memory_space<vmem>>, vector<1x16xf32>,
          %get3A_1837 = vector.shape_cast %get3A_1836 : vector<1x16xf32> to vector<16xf32>
          %get3A_1838 = arith.index_cast %mul3A_468 : i32 to index
          %get3A_1839 = arith.constant 96 : index
          %get3A_1840 = tpu.vector_load %arg7[%get3A_1838, %get3A_1839] {strides = array<i32>} : memref<128x128xf32, #tpu.memory_space<vmem>>, vector<1x16xf32>,
          %get3A_1841 = vector.shape_cast %get3A_1840 : vector<1x16xf32> to vector<16xf32>
          %sub3A_1842 = arith.subf %get3A_1837, %get3A_1841 : vector<16xf32>
          %add3A_1843 = arith.constant 1 : i32
          %add3A_1844 = arith.addi %mul3A_468, %add3A_1843 : i32
          %get3A_1845 = arith.index_cast %add3A_1844 : i32 to index
          %get3A_1846 = arith.constant 96 : index
          %get3A_1847 = tpu.vector_load %arg6[%get3A_1845, %get3A_1846] {strides = array<i32>} : memref<128x128xf32, #tpu.memory_space<vmem>>, vector<1x16xf32>,
          %get3A_1848 = vector.shape_cast %get3A_1847 : vector<1x16xf32> to vector<16xf32>
          %add3A_1849 = arith.constant 1 : i32
          %add3A_1850 = arith.addi %mul3A_468, %add3A_1849 : i32
          %get3A_1851 = arith.index_cast %add3A_1850 : i32 to index
          %get3A_1852 = arith.constant 96 : index
          %get3A_1853 = tpu.vector_load %arg7[%get3A_1851, %get3A_1852] {strides = array<i32>} : memref<128x128xf32, #tpu.memory_space<vmem>>, vector<1x16xf32>,
          %get3A_1854 = vector.shape_cast %get3A_1853 : vector<1x16xf32> to vector<16xf32>
          %sub3A_1855 = arith.subf %get3A_1848, %get3A_1854 : vector<16xf32>
          %max3A_1856 = arith.maximumf %sub3A_1842, %sub3A_1855 : vector<16xf32>
          %add3A_1857 = arith.constant 2 : i32
          %add3A_1858 = arith.addi %mul3A_468, %add3A_1857 : i32
          %get3A_1859 = arith.index_cast %add3A_1858 : i32 to index
          %get3A_1860 = arith.constant 96 : index
          %get3A_1861 = tpu.vector_load %arg6[%get3A_1859, %get3A_1860] {strides = array<i32>} : memref<128x128xf32, #tpu.memory_space<vmem>>, vector<1x16xf32>,
          %get3A_1862 = vector.shape_cast %get3A_1861 : vector<1x16xf32> to vector<16xf32>
          %add3A_1863 = arith.constant 2 : i32
          %add3A_1864 = arith.addi %mul3A_468, %add3A_1863 : i32
          %get3A_1865 = arith.index_cast %add3A_1864 : i32 to index
          %get3A_1866 = arith.constant 96 : index
          %get3A_1867 = tpu.vector_load %arg7[%get3A_1865, %get3A_1866] {strides = array<i32>} : memref<128x128xf32, #tpu.memory_space<vmem>>, vector<1x16xf32>,
          %get3A_1868 = vector.shape_cast %get3A_1867 : vector<1x16xf32> to vector<16xf32>
          %sub3A_1869 = arith.subf %get3A_1862, %get3A_1868 : vector<16xf32>
          %max3A_1870 = arith.maximumf %max3A_1856, %sub3A_1869 : vector<16xf32>
          %add3A_1871 = arith.constant 3 : i32
          %add3A_1872 = arith.addi %mul3A_468, %add3A_1871 : i32
          %get3A_1873 = arith.index_cast %add3A_1872 : i32 to index
          %get3A_1874 = arith.constant 96 : index
          %get3A_1875 = tpu.vector_load %arg6[%get3A_1873, %get3A_1874] {strides = array<i32>} : memref<128x128xf32, #tpu.memory_space<vmem>>, vector<1x16xf32>,
          %get3A_1876 = vector.shape_cast %get3A_1875 : vector<1x16xf32> to vector<16xf32>
          %add3A_1877 = arith.constant 3 : i32
          %add3A_1878 = arith.addi %mul3A_468, %add3A_1877 : i32
          %get3A_1879 = arith.index_cast %add3A_1878 : i32 to index
          %get3A_1880 = arith.constant 96 : index
          %get3A_1881 = tpu.vector_load %arg7[%get3A_1879, %get3A_1880] {strides = array<i32>} : memref<128x128xf32, #tpu.memory_space<vmem>>, vector<1x16xf32>,
          %get3A_1882 = vector.shape_cast %get3A_1881 : vector<1x16xf32> to vector<16xf32>
          %sub3A_1883 = arith.subf %get3A_1876, %get3A_1882 : vector<16xf32>
          %max3A_1884 = arith.maximumf %max3A_1870, %sub3A_1883 : vector<16xf32>
          %add3A_1885 = arith.constant 4 : i32
          %add3A_1886 = arith.addi %mul3A_468, %add3A_1885 : i32
          %get3A_1887 = arith.index_cast %add3A_1886 : i32 to index
          %get3A_1888 = arith.constant 96 : index
          %get3A_1889 = tpu.vector_load %arg6[%get3A_1887, %get3A_1888] {strides = array<i32>} : memref<128x128xf32, #tpu.memory_space<vmem>>, vector<1x16xf32>,
          %get3A_1890 = vector.shape_cast %get3A_1889 : vector<1x16xf32> to vector<16xf32>
          %add3A_1891 = arith.constant 4 : i32
          %add3A_1892 = arith.addi %mul3A_468, %add3A_1891 : i32
          %get3A_1893 = arith.index_cast %add3A_1892 : i32 to index
          %get3A_1894 = arith.constant 96 : index
          %get3A_1895 = tpu.vector_load %arg7[%get3A_1893, %get3A_1894] {strides = array<i32>} : memref<128x128xf32, #tpu.memory_space<vmem>>, vector<1x16xf32>,
          %get3A_1896 = vector.shape_cast %get3A_1895 : vector<1x16xf32> to vector<16xf32>
          %sub3A_1897 = arith.subf %get3A_1890, %get3A_1896 : vector<16xf32>
          %max3A_1898 = arith.maximumf %max3A_1884, %sub3A_1897 : vector<16xf32>
          %add3A_1899 = arith.constant 5 : i32
          %add3A_1900 = arith.addi %mul3A_468, %add3A_1899 : i32
          %get3A_1901 = arith.index_cast %add3A_1900 : i32 to index
          %get3A_1902 = arith.constant 96 : index
          %get3A_1903 = tpu.vector_load %arg6[%get3A_1901, %get3A_1902] {strides = array<i32>} : memref<128x128xf32, #tpu.memory_space<vmem>>, vector<1x16xf32>,
          %get3A_1904 = vector.shape_cast %get3A_1903 : vector<1x16xf32> to vector<16xf32>
          %add3A_1905 = arith.constant 5 : i32
          %add3A_1906 = arith.addi %mul3A_468, %add3A_1905 : i32
          %get3A_1907 = arith.index_cast %add3A_1906 : i32 to index
          %get3A_1908 = arith.constant 96 : index
          %get3A_1909 = tpu.vector_load %arg7[%get3A_1907, %get3A_1908] {strides = array<i32>} : memref<128x128xf32, #tpu.memory_space<vmem>>, vector<1x16xf32>,
          %get3A_1910 = vector.shape_cast %get3A_1909 : vector<1x16xf32> to vector<16xf32>
          %sub3A_1911 = arith.subf %get3A_1904, %get3A_1910 : vector<16xf32>
          %max3A_1912 = arith.maximumf %max3A_1898, %sub3A_1911 : vector<16xf32>
          %add3A_1913 = arith.constant 6 : i32
          %add3A_1914 = arith.addi %mul3A_468, %add3A_1913 : i32
          %get3A_1915 = arith.index_cast %add3A_1914 : i32 to index
          %get3A_1916 = arith.constant 96 : index
          %get3A_1917 = tpu.vector_load %arg6[%get3A_1915, %get3A_1916] {strides = array<i32>} : memref<128x128xf32, #tpu.memory_space<vmem>>, vector<1x16xf32>,
          %get3A_1918 = vector.shape_cast %get3A_1917 : vector<1x16xf32> to vector<16xf32>
          %add3A_1919 = arith.constant 6 : i32
          %add3A_1920 = arith.addi %mul3A_468, %add3A_1919 : i32
          %get3A_1921 = arith.index_cast %add3A_1920 : i32 to index
          %get3A_1922 = arith.constant 96 : index
          %get3A_1923 = tpu.vector_load %arg7[%get3A_1921, %get3A_1922] {strides = array<i32>} : memref<128x128xf32, #tpu.memory_space<vmem>>, vector<1x16xf32>,
          %get3A_1924 = vector.shape_cast %get3A_1923 : vector<1x16xf32> to vector<16xf32>
          %sub3A_1925 = arith.subf %get3A_1918, %get3A_1924 : vector<16xf32>
          %max3A_1926 = arith.maximumf %max3A_1912, %sub3A_1925 : vector<16xf32>
          %add3A_1927 = arith.constant 7 : i32
          %add3A_1928 = arith.addi %mul3A_468, %add3A_1927 : i32
          %get3A_1929 = arith.index_cast %add3A_1928 : i32 to index
          %get3A_1930 = arith.constant 96 : index
          %get3A_1931 = tpu.vector_load %arg6[%get3A_1929, %get3A_1930] {strides = array<i32>} : memref<128x128xf32, #tpu.memory_space<vmem>>, vector<1x16xf32>,
          %get3A_1932 = vector.shape_cast %get3A_1931 : vector<1x16xf32> to vector<16xf32>
          %add3A_1933 = arith.constant 7 : i32
          %add3A_1934 = arith.addi %mul3A_468, %add3A_1933 : i32
          %get3A_1935 = arith.index_cast %add3A_1934 : i32 to index
          %get3A_1936 = arith.constant 96 : index
          %get3A_1937 = tpu.vector_load %arg7[%get3A_1935, %get3A_1936] {strides = array<i32>} : memref<128x128xf32, #tpu.memory_space<vmem>>, vector<1x16xf32>,
          %get3A_1938 = vector.shape_cast %get3A_1937 : vector<1x16xf32> to vector<16xf32>
          %sub3A_1939 = arith.subf %get3A_1932, %get3A_1938 : vector<16xf32>
          %max3A_1940 = arith.maximumf %max3A_1926, %sub3A_1939 : vector<16xf32>
          %add3A_1941 = arith.constant 8 : i32
          %add3A_1942 = arith.addi %mul3A_468, %add3A_1941 : i32
          %get3A_1943 = arith.index_cast %add3A_1942 : i32 to index
          %get3A_1944 = arith.constant 96 : index
          %get3A_1945 = tpu.vector_load %arg6[%get3A_1943, %get3A_1944] {strides = array<i32>} : memref<128x128xf32, #tpu.memory_space<vmem>>, vector<1x16xf32>,
          %get3A_1946 = vector.shape_cast %get3A_1945 : vector<1x16xf32> to vector<16xf32>
          %add3A_1947 = arith.constant 8 : i32
          %add3A_1948 = arith.addi %mul3A_468, %add3A_1947 : i32
          %get3A_1949 = arith.index_cast %add3A_1948 : i32 to index
          %get3A_1950 = arith.constant 96 : index
          %get3A_1951 = tpu.vector_load %arg7[%get3A_1949, %get3A_1950] {strides = array<i32>} : memref<128x128xf32, #tpu.memory_space<vmem>>, vector<1x16xf32>,
          %get3A_1952 = vector.shape_cast %get3A_1951 : vector<1x16xf32> to vector<16xf32>
          %sub3A_1953 = arith.subf %get3A_1946, %get3A_1952 : vector<16xf32>
          %max3A_1954 = arith.maximumf %max3A_1940, %sub3A_1953 : vector<16xf32>
          %add3A_1955 = arith.constant 9 : i32
          %add3A_1956 = arith.addi %mul3A_468, %add3A_1955 : i32
          %get3A_1957 = arith.index_cast %add3A_1956 : i32 to index
          %get3A_1958 = arith.constant 96 : index
          %get3A_1959 = tpu.vector_load %arg6[%get3A_1957, %get3A_1958] {strides = array<i32>} : memref<128x128xf32, #tpu.memory_space<vmem>>, vector<1x16xf32>,
          %get3A_1960 = vector.shape_cast %get3A_1959 : vector<1x16xf32> to vector<16xf32>
          %add3A_1961 = arith.constant 9 : i32
          %add3A_1962 = arith.addi %mul3A_468, %add3A_1961 : i32
          %get3A_1963 = arith.index_cast %add3A_1962 : i32 to index
          %get3A_1964 = arith.constant 96 : index
          %get3A_1965 = tpu.vector_load %arg7[%get3A_1963, %get3A_1964] {strides = array<i32>} : memref<128x128xf32, #tpu.memory_space<vmem>>, vector<1x16xf32>,
          %get3A_1966 = vector.shape_cast %get3A_1965 : vector<1x16xf32> to vector<16xf32>
          %sub3A_1967 = arith.subf %get3A_1960, %get3A_1966 : vector<16xf32>
          %max3A_1968 = arith.maximumf %max3A_1954, %sub3A_1967 : vector<16xf32>
          %add3A_1969 = arith.constant 10 : i32
          %add3A_1970 = arith.addi %mul3A_468, %add3A_1969 : i32
          %get3A_1971 = arith.index_cast %add3A_1970 : i32 to index
          %get3A_1972 = arith.constant 96 : index
          %get3A_1973 = tpu.vector_load %arg6[%get3A_1971, %get3A_1972] {strides = array<i32>} : memref<128x128xf32, #tpu.memory_space<vmem>>, vector<1x16xf32>,
          %get3A_1974 = vector.shape_cast %get3A_1973 : vector<1x16xf32> to vector<16xf32>
          %add3A_1975 = arith.constant 10 : i32
          %add3A_1976 = arith.addi %mul3A_468, %add3A_1975 : i32
          %get3A_1977 = arith.index_cast %add3A_1976 : i32 to index
          %get3A_1978 = arith.constant 96 : index
          %get3A_1979 = tpu.vector_load %arg7[%get3A_1977, %get3A_1978] {strides = array<i32>} : memref<128x128xf32, #tpu.memory_space<vmem>>, vector<1x16xf32>,
          %get3A_1980 = vector.shape_cast %get3A_1979 : vector<1x16xf32> to vector<16xf32>
          %sub3A_1981 = arith.subf %get3A_1974, %get3A_1980 : vector<16xf32>
          %max3A_1982 = arith.maximumf %max3A_1968, %sub3A_1981 : vector<16xf32>
          %add3A_1983 = arith.constant 11 : i32
          %add3A_1984 = arith.addi %mul3A_468, %add3A_1983 : i32
          %get3A_1985 = arith.index_cast %add3A_1984 : i32 to index
          %get3A_1986 = arith.constant 96 : index
          %get3A_1987 = tpu.vector_load %arg6[%get3A_1985, %get3A_1986] {strides = array<i32>} : memref<128x128xf32, #tpu.memory_space<vmem>>, vector<1x16xf32>,
          %get3A_1988 = vector.shape_cast %get3A_1987 : vector<1x16xf32> to vector<16xf32>
          %add3A_1989 = arith.constant 11 : i32
          %add3A_1990 = arith.addi %mul3A_468, %add3A_1989 : i32
          %get3A_1991 = arith.index_cast %add3A_1990 : i32 to index
          %get3A_1992 = arith.constant 96 : index
          %get3A_1993 = tpu.vector_load %arg7[%get3A_1991, %get3A_1992] {strides = array<i32>} : memref<128x128xf32, #tpu.memory_space<vmem>>, vector<1x16xf32>,
          %get3A_1994 = vector.shape_cast %get3A_1993 : vector<1x16xf32> to vector<16xf32>
          %sub3A_1995 = arith.subf %get3A_1988, %get3A_1994 : vector<16xf32>
          %max3A_1996 = arith.maximumf %max3A_1982, %sub3A_1995 : vector<16xf32>
          %add3A_1997 = arith.constant 12 : i32
          %add3A_1998 = arith.addi %mul3A_468, %add3A_1997 : i32
          %get3A_1999 = arith.index_cast %add3A_1998 : i32 to index
          %get3A_2000 = arith.constant 96 : index
          %get3A_2001 = tpu.vector_load %arg6[%get3A_1999, %get3A_2000] {strides = array<i32>} : memref<128x128xf32, #tpu.memory_space<vmem>>, vector<1x16xf32>,
          %get3A_2002 = vector.shape_cast %get3A_2001 : vector<1x16xf32> to vector<16xf32>
          %add3A_2003 = arith.constant 12 : i32
          %add3A_2004 = arith.addi %mul3A_468, %add3A_2003 : i32
          %get3A_2005 = arith.index_cast %add3A_2004 : i32 to index
          %get3A_2006 = arith.constant 96 : index
          %get3A_2007 = tpu.vector_load %arg7[%get3A_2005, %get3A_2006] {strides = array<i32>} : memref<128x128xf32, #tpu.memory_space<vmem>>, vector<1x16xf32>,
          %get3A_2008 = vector.shape_cast %get3A_2007 : vector<1x16xf32> to vector<16xf32>
          %sub3A_2009 = arith.subf %get3A_2002, %get3A_2008 : vector<16xf32>
          %max3A_2010 = arith.maximumf %max3A_1996, %sub3A_2009 : vector<16xf32>
          %add3A_2011 = arith.constant 13 : i32
          %add3A_2012 = arith.addi %mul3A_468, %add3A_2011 : i32
          %get3A_2013 = arith.index_cast %add3A_2012 : i32 to index
          %get3A_2014 = arith.constant 96 : index
          %get3A_2015 = tpu.vector_load %arg6[%get3A_2013, %get3A_2014] {strides = array<i32>} : memref<128x128xf32, #tpu.memory_space<vmem>>, vector<1x16xf32>,
          %get3A_2016 = vector.shape_cast %get3A_2015 : vector<1x16xf32> to vector<16xf32>
          %add3A_2017 = arith.constant 13 : i32
          %add3A_2018 = arith.addi %mul3A_468, %add3A_2017 : i32
          %get3A_2019 = arith.index_cast %add3A_2018 : i32 to index
          %get3A_2020 = arith.constant 96 : index
          %get3A_2021 = tpu.vector_load %arg7[%get3A_2019, %get3A_2020] {strides = array<i32>} : memref<128x128xf32, #tpu.memory_space<vmem>>, vector<1x16xf32>,
          %get3A_2022 = vector.shape_cast %get3A_2021 : vector<1x16xf32> to vector<16xf32>
          %sub3A_2023 = arith.subf %get3A_2016, %get3A_2022 : vector<16xf32>
          %max3A_2024 = arith.maximumf %max3A_2010, %sub3A_2023 : vector<16xf32>
          %add3A_2025 = arith.constant 14 : i32
          %add3A_2026 = arith.addi %mul3A_468, %add3A_2025 : i32
          %get3A_2027 = arith.index_cast %add3A_2026 : i32 to index
          %get3A_2028 = arith.constant 96 : index
          %get3A_2029 = tpu.vector_load %arg6[%get3A_2027, %get3A_2028] {strides = array<i32>} : memref<128x128xf32, #tpu.memory_space<vmem>>, vector<1x16xf32>,
          %get3A_2030 = vector.shape_cast %get3A_2029 : vector<1x16xf32> to vector<16xf32>
          %add3A_2031 = arith.constant 14 : i32
          %add3A_2032 = arith.addi %mul3A_468, %add3A_2031 : i32
          %get3A_2033 = arith.index_cast %add3A_2032 : i32 to index
          %get3A_2034 = arith.constant 96 : index
          %get3A_2035 = tpu.vector_load %arg7[%get3A_2033, %get3A_2034] {strides = array<i32>} : memref<128x128xf32, #tpu.memory_space<vmem>>, vector<1x16xf32>,
          %get3A_2036 = vector.shape_cast %get3A_2035 : vector<1x16xf32> to vector<16xf32>
          %sub3A_2037 = arith.subf %get3A_2030, %get3A_2036 : vector<16xf32>
          %max3A_2038 = arith.maximumf %max3A_2024, %sub3A_2037 : vector<16xf32>
          %add3A_2039 = arith.constant 15 : i32
          %add3A_2040 = arith.addi %mul3A_468, %add3A_2039 : i32
          %get3A_2041 = arith.index_cast %add3A_2040 : i32 to index
          %get3A_2042 = arith.constant 96 : index
          %get3A_2043 = tpu.vector_load %arg6[%get3A_2041, %get3A_2042] {strides = array<i32>} : memref<128x128xf32, #tpu.memory_space<vmem>>, vector<1x16xf32>,
          %get3A_2044 = vector.shape_cast %get3A_2043 : vector<1x16xf32> to vector<16xf32>
          %add3A_2045 = arith.constant 15 : i32
          %add3A_2046 = arith.addi %mul3A_468, %add3A_2045 : i32
          %get3A_2047 = arith.index_cast %add3A_2046 : i32 to index
          %get3A_2048 = arith.constant 96 : index
          %get3A_2049 = tpu.vector_load %arg7[%get3A_2047, %get3A_2048] {strides = array<i32>} : memref<128x128xf32, #tpu.memory_space<vmem>>, vector<1x16xf32>,
          %get3A_2050 = vector.shape_cast %get3A_2049 : vector<1x16xf32> to vector<16xf32>
          %sub3A_2051 = arith.subf %get3A_2044, %get3A_2050 : vector<16xf32>
          %max3A_2052 = arith.maximumf %max3A_2038, %sub3A_2051 : vector<16xf32>
          %swap3A_2053 = arith.constant 0 : i32
          %swap3A_2054 = arith.constant 0 : i32
          %swap3A_2055 = tpu.memref_slice %run_scoped3A_10[%rem3A_276, %swap3A_2053, %swap3A_2054] : memref<2x8x128xf32, #tpu.memory_space<vmem>> -> memref<1x8x128xf32, #tpu.memory_space<vmem>>
          %swap3A_2056 = tpu.memref_squeeze %swap3A_2055 : memref<1x8x128xf32, #tpu.memory_space<vmem>> -> memref<8x128xf32, #tpu.memory_space<vmem>>
          %swap3A_2057 = arith.index_cast %add3A_466 : i32 to index
          %swap3A_2058 = arith.constant 96 : index
          %swap3A_2059 = tpu.vector_load %swap3A_2056[%swap3A_2057, %swap3A_2058] {strides = array<i32>} : memref<8x128xf32, #tpu.memory_space<vmem>>, vector<1x16xf32>,
          %swap3A_2060 = vector.shape_cast %swap3A_2059 : vector<1x16xf32> to vector<16xf32>
          %swap3A_2061 = vector.shape_cast %max3A_2052 : vector<16xf32> to vector<1x16xf32>
          tpu.vector_store %swap3A_2056[%swap3A_2057, %swap3A_2058], %swap3A_2061 {strides = array<i32>} : memref<8x128xf32, #tpu.memory_space<vmem>>, vector<1x16xf32>,
          %get3A_2062 = arith.index_cast %mul3A_468 : i32 to index
          %get3A_2063 = arith.constant 112 : index
          %get3A_2064 = tpu.vector_load %arg6[%get3A_2062, %get3A_2063] {strides = array<i32>} : memref<128x128xf32, #tpu.memory_space<vmem>>, vector<1x16xf32>,
          %get3A_2065 = vector.shape_cast %get3A_2064 : vector<1x16xf32> to vector<16xf32>
          %get3A_2066 = arith.index_cast %mul3A_468 : i32 to index
          %get3A_2067 = arith.constant 112 : index
          %get3A_2068 = tpu.vector_load %arg7[%get3A_2066, %get3A_2067] {strides = array<i32>} : memref<128x128xf32, #tpu.memory_space<vmem>>, vector<1x16xf32>,
          %get3A_2069 = vector.shape_cast %get3A_2068 : vector<1x16xf32> to vector<16xf32>
          %sub3A_2070 = arith.subf %get3A_2065, %get3A_2069 : vector<16xf32>
          %add3A_2071 = arith.constant 1 : i32
          %add3A_2072 = arith.addi %mul3A_468, %add3A_2071 : i32
          %get3A_2073 = arith.index_cast %add3A_2072 : i32 to index
          %get3A_2074 = arith.constant 112 : index
          %get3A_2075 = tpu.vector_load %arg6[%get3A_2073, %get3A_2074] {strides = array<i32>} : memref<128x128xf32, #tpu.memory_space<vmem>>, vector<1x16xf32>,
          %get3A_2076 = vector.shape_cast %get3A_2075 : vector<1x16xf32> to vector<16xf32>
          %add3A_2077 = arith.constant 1 : i32
          %add3A_2078 = arith.addi %mul3A_468, %add3A_2077 : i32
          %get3A_2079 = arith.index_cast %add3A_2078 : i32 to index
          %get3A_2080 = arith.constant 112 : index
          %get3A_2081 = tpu.vector_load %arg7[%get3A_2079, %get3A_2080] {strides = array<i32>} : memref<128x128xf32, #tpu.memory_space<vmem>>, vector<1x16xf32>,
          %get3A_2082 = vector.shape_cast %get3A_2081 : vector<1x16xf32> to vector<16xf32>
          %sub3A_2083 = arith.subf %get3A_2076, %get3A_2082 : vector<16xf32>
          %max3A_2084 = arith.maximumf %sub3A_2070, %sub3A_2083 : vector<16xf32>
          %add3A_2085 = arith.constant 2 : i32
          %add3A_2086 = arith.addi %mul3A_468, %add3A_2085 : i32
          %get3A_2087 = arith.index_cast %add3A_2086 : i32 to index
          %get3A_2088 = arith.constant 112 : index
          %get3A_2089 = tpu.vector_load %arg6[%get3A_2087, %get3A_2088] {strides = array<i32>} : memref<128x128xf32, #tpu.memory_space<vmem>>, vector<1x16xf32>,
          %get3A_2090 = vector.shape_cast %get3A_2089 : vector<1x16xf32> to vector<16xf32>
          %add3A_2091 = arith.constant 2 : i32
          %add3A_2092 = arith.addi %mul3A_468, %add3A_2091 : i32
          %get3A_2093 = arith.index_cast %add3A_2092 : i32 to index
          %get3A_2094 = arith.constant 112 : index
          %get3A_2095 = tpu.vector_load %arg7[%get3A_2093, %get3A_2094] {strides = array<i32>} : memref<128x128xf32, #tpu.memory_space<vmem>>, vector<1x16xf32>,
          %get3A_2096 = vector.shape_cast %get3A_2095 : vector<1x16xf32> to vector<16xf32>
          %sub3A_2097 = arith.subf %get3A_2090, %get3A_2096 : vector<16xf32>
          %max3A_2098 = arith.maximumf %max3A_2084, %sub3A_2097 : vector<16xf32>
          %add3A_2099 = arith.constant 3 : i32
          %add3A_2100 = arith.addi %mul3A_468, %add3A_2099 : i32
          %get3A_2101 = arith.index_cast %add3A_2100 : i32 to index
          %get3A_2102 = arith.constant 112 : index
          %get3A_2103 = tpu.vector_load %arg6[%get3A_2101, %get3A_2102] {strides = array<i32>} : memref<128x128xf32, #tpu.memory_space<vmem>>, vector<1x16xf32>,
          %get3A_2104 = vector.shape_cast %get3A_2103 : vector<1x16xf32> to vector<16xf32>
          %add3A_2105 = arith.constant 3 : i32
          %add3A_2106 = arith.addi %mul3A_468, %add3A_2105 : i32
          %get3A_2107 = arith.index_cast %add3A_2106 : i32 to index
          %get3A_2108 = arith.constant 112 : index
          %get3A_2109 = tpu.vector_load %arg7[%get3A_2107, %get3A_2108] {strides = array<i32>} : memref<128x128xf32, #tpu.memory_space<vmem>>, vector<1x16xf32>,
          %get3A_2110 = vector.shape_cast %get3A_2109 : vector<1x16xf32> to vector<16xf32>
          %sub3A_2111 = arith.subf %get3A_2104, %get3A_2110 : vector<16xf32>
          %max3A_2112 = arith.maximumf %max3A_2098, %sub3A_2111 : vector<16xf32>
          %add3A_2113 = arith.constant 4 : i32
          %add3A_2114 = arith.addi %mul3A_468, %add3A_2113 : i32
          %get3A_2115 = arith.index_cast %add3A_2114 : i32 to index
          %get3A_2116 = arith.constant 112 : index
          %get3A_2117 = tpu.vector_load %arg6[%get3A_2115, %get3A_2116] {strides = array<i32>} : memref<128x128xf32, #tpu.memory_space<vmem>>, vector<1x16xf32>,
          %get3A_2118 = vector.shape_cast %get3A_2117 : vector<1x16xf32> to vector<16xf32>
          %add3A_2119 = arith.constant 4 : i32
          %add3A_2120 = arith.addi %mul3A_468, %add3A_2119 : i32
          %get3A_2121 = arith.index_cast %add3A_2120 : i32 to index
          %get3A_2122 = arith.constant 112 : index
          %get3A_2123 = tpu.vector_load %arg7[%get3A_2121, %get3A_2122] {strides = array<i32>} : memref<128x128xf32, #tpu.memory_space<vmem>>, vector<1x16xf32>,
          %get3A_2124 = vector.shape_cast %get3A_2123 : vector<1x16xf32> to vector<16xf32>
          %sub3A_2125 = arith.subf %get3A_2118, %get3A_2124 : vector<16xf32>
          %max3A_2126 = arith.maximumf %max3A_2112, %sub3A_2125 : vector<16xf32>
          %add3A_2127 = arith.constant 5 : i32
          %add3A_2128 = arith.addi %mul3A_468, %add3A_2127 : i32
          %get3A_2129 = arith.index_cast %add3A_2128 : i32 to index
          %get3A_2130 = arith.constant 112 : index
          %get3A_2131 = tpu.vector_load %arg6[%get3A_2129, %get3A_2130] {strides = array<i32>} : memref<128x128xf32, #tpu.memory_space<vmem>>, vector<1x16xf32>,
          %get3A_2132 = vector.shape_cast %get3A_2131 : vector<1x16xf32> to vector<16xf32>
          %add3A_2133 = arith.constant 5 : i32
          %add3A_2134 = arith.addi %mul3A_468, %add3A_2133 : i32
          %get3A_2135 = arith.index_cast %add3A_2134 : i32 to index
          %get3A_2136 = arith.constant 112 : index
          %get3A_2137 = tpu.vector_load %arg7[%get3A_2135, %get3A_2136] {strides = array<i32>} : memref<128x128xf32, #tpu.memory_space<vmem>>, vector<1x16xf32>,
          %get3A_2138 = vector.shape_cast %get3A_2137 : vector<1x16xf32> to vector<16xf32>
          %sub3A_2139 = arith.subf %get3A_2132, %get3A_2138 : vector<16xf32>
          %max3A_2140 = arith.maximumf %max3A_2126, %sub3A_2139 : vector<16xf32>
          %add3A_2141 = arith.constant 6 : i32
          %add3A_2142 = arith.addi %mul3A_468, %add3A_2141 : i32
          %get3A_2143 = arith.index_cast %add3A_2142 : i32 to index
          %get3A_2144 = arith.constant 112 : index
          %get3A_2145 = tpu.vector_load %arg6[%get3A_2143, %get3A_2144] {strides = array<i32>} : memref<128x128xf32, #tpu.memory_space<vmem>>, vector<1x16xf32>,
          %get3A_2146 = vector.shape_cast %get3A_2145 : vector<1x16xf32> to vector<16xf32>
          %add3A_2147 = arith.constant 6 : i32
          %add3A_2148 = arith.addi %mul3A_468, %add3A_2147 : i32
          %get3A_2149 = arith.index_cast %add3A_2148 : i32 to index
          %get3A_2150 = arith.constant 112 : index
          %get3A_2151 = tpu.vector_load %arg7[%get3A_2149, %get3A_2150] {strides = array<i32>} : memref<128x128xf32, #tpu.memory_space<vmem>>, vector<1x16xf32>,
          %get3A_2152 = vector.shape_cast %get3A_2151 : vector<1x16xf32> to vector<16xf32>
          %sub3A_2153 = arith.subf %get3A_2146, %get3A_2152 : vector<16xf32>
          %max3A_2154 = arith.maximumf %max3A_2140, %sub3A_2153 : vector<16xf32>
          %add3A_2155 = arith.constant 7 : i32
          %add3A_2156 = arith.addi %mul3A_468, %add3A_2155 : i32
          %get3A_2157 = arith.index_cast %add3A_2156 : i32 to index
          %get3A_2158 = arith.constant 112 : index
          %get3A_2159 = tpu.vector_load %arg6[%get3A_2157, %get3A_2158] {strides = array<i32>} : memref<128x128xf32, #tpu.memory_space<vmem>>, vector<1x16xf32>,
          %get3A_2160 = vector.shape_cast %get3A_2159 : vector<1x16xf32> to vector<16xf32>
          %add3A_2161 = arith.constant 7 : i32
          %add3A_2162 = arith.addi %mul3A_468, %add3A_2161 : i32
          %get3A_2163 = arith.index_cast %add3A_2162 : i32 to index
          %get3A_2164 = arith.constant 112 : index
          %get3A_2165 = tpu.vector_load %arg7[%get3A_2163, %get3A_2164] {strides = array<i32>} : memref<128x128xf32, #tpu.memory_space<vmem>>, vector<1x16xf32>,
          %get3A_2166 = vector.shape_cast %get3A_2165 : vector<1x16xf32> to vector<16xf32>
          %sub3A_2167 = arith.subf %get3A_2160, %get3A_2166 : vector<16xf32>
          %max3A_2168 = arith.maximumf %max3A_2154, %sub3A_2167 : vector<16xf32>
          %add3A_2169 = arith.constant 8 : i32
          %add3A_2170 = arith.addi %mul3A_468, %add3A_2169 : i32
          %get3A_2171 = arith.index_cast %add3A_2170 : i32 to index
          %get3A_2172 = arith.constant 112 : index
          %get3A_2173 = tpu.vector_load %arg6[%get3A_2171, %get3A_2172] {strides = array<i32>} : memref<128x128xf32, #tpu.memory_space<vmem>>, vector<1x16xf32>,
          %get3A_2174 = vector.shape_cast %get3A_2173 : vector<1x16xf32> to vector<16xf32>
          %add3A_2175 = arith.constant 8 : i32
          %add3A_2176 = arith.addi %mul3A_468, %add3A_2175 : i32
          %get3A_2177 = arith.index_cast %add3A_2176 : i32 to index
          %get3A_2178 = arith.constant 112 : index
          %get3A_2179 = tpu.vector_load %arg7[%get3A_2177, %get3A_2178] {strides = array<i32>} : memref<128x128xf32, #tpu.memory_space<vmem>>, vector<1x16xf32>,
          %get3A_2180 = vector.shape_cast %get3A_2179 : vector<1x16xf32> to vector<16xf32>
          %sub3A_2181 = arith.subf %get3A_2174, %get3A_2180 : vector<16xf32>
          %max3A_2182 = arith.maximumf %max3A_2168, %sub3A_2181 : vector<16xf32>
          %add3A_2183 = arith.constant 9 : i32
          %add3A_2184 = arith.addi %mul3A_468, %add3A_2183 : i32
          %get3A_2185 = arith.index_cast %add3A_2184 : i32 to index
          %get3A_2186 = arith.constant 112 : index
          %get3A_2187 = tpu.vector_load %arg6[%get3A_2185, %get3A_2186] {strides = array<i32>} : memref<128x128xf32, #tpu.memory_space<vmem>>, vector<1x16xf32>,
          %get3A_2188 = vector.shape_cast %get3A_2187 : vector<1x16xf32> to vector<16xf32>
          %add3A_2189 = arith.constant 9 : i32
          %add3A_2190 = arith.addi %mul3A_468, %add3A_2189 : i32
          %get3A_2191 = arith.index_cast %add3A_2190 : i32 to index
          %get3A_2192 = arith.constant 112 : index
          %get3A_2193 = tpu.vector_load %arg7[%get3A_2191, %get3A_2192] {strides = array<i32>} : memref<128x128xf32, #tpu.memory_space<vmem>>, vector<1x16xf32>,
          %get3A_2194 = vector.shape_cast %get3A_2193 : vector<1x16xf32> to vector<16xf32>
          %sub3A_2195 = arith.subf %get3A_2188, %get3A_2194 : vector<16xf32>
          %max3A_2196 = arith.maximumf %max3A_2182, %sub3A_2195 : vector<16xf32>
          %add3A_2197 = arith.constant 10 : i32
          %add3A_2198 = arith.addi %mul3A_468, %add3A_2197 : i32
          %get3A_2199 = arith.index_cast %add3A_2198 : i32 to index
          %get3A_2200 = arith.constant 112 : index
          %get3A_2201 = tpu.vector_load %arg6[%get3A_2199, %get3A_2200] {strides = array<i32>} : memref<128x128xf32, #tpu.memory_space<vmem>>, vector<1x16xf32>,
          %get3A_2202 = vector.shape_cast %get3A_2201 : vector<1x16xf32> to vector<16xf32>
          %add3A_2203 = arith.constant 10 : i32
          %add3A_2204 = arith.addi %mul3A_468, %add3A_2203 : i32
          %get3A_2205 = arith.index_cast %add3A_2204 : i32 to index
          %get3A_2206 = arith.constant 112 : index
          %get3A_2207 = tpu.vector_load %arg7[%get3A_2205, %get3A_2206] {strides = array<i32>} : memref<128x128xf32, #tpu.memory_space<vmem>>, vector<1x16xf32>,
          %get3A_2208 = vector.shape_cast %get3A_2207 : vector<1x16xf32> to vector<16xf32>
          %sub3A_2209 = arith.subf %get3A_2202, %get3A_2208 : vector<16xf32>
          %max3A_2210 = arith.maximumf %max3A_2196, %sub3A_2209 : vector<16xf32>
          %add3A_2211 = arith.constant 11 : i32
          %add3A_2212 = arith.addi %mul3A_468, %add3A_2211 : i32
          %get3A_2213 = arith.index_cast %add3A_2212 : i32 to index
          %get3A_2214 = arith.constant 112 : index
          %get3A_2215 = tpu.vector_load %arg6[%get3A_2213, %get3A_2214] {strides = array<i32>} : memref<128x128xf32, #tpu.memory_space<vmem>>, vector<1x16xf32>,
          %get3A_2216 = vector.shape_cast %get3A_2215 : vector<1x16xf32> to vector<16xf32>
          %add3A_2217 = arith.constant 11 : i32
          %add3A_2218 = arith.addi %mul3A_468, %add3A_2217 : i32
          %get3A_2219 = arith.index_cast %add3A_2218 : i32 to index
          %get3A_2220 = arith.constant 112 : index
          %get3A_2221 = tpu.vector_load %arg7[%get3A_2219, %get3A_2220] {strides = array<i32>} : memref<128x128xf32, #tpu.memory_space<vmem>>, vector<1x16xf32>,
          %get3A_2222 = vector.shape_cast %get3A_2221 : vector<1x16xf32> to vector<16xf32>
          %sub3A_2223 = arith.subf %get3A_2216, %get3A_2222 : vector<16xf32>
          %max3A_2224 = arith.maximumf %max3A_2210, %sub3A_2223 : vector<16xf32>
          %add3A_2225 = arith.constant 12 : i32
          %add3A_2226 = arith.addi %mul3A_468, %add3A_2225 : i32
          %get3A_2227 = arith.index_cast %add3A_2226 : i32 to index
          %get3A_2228 = arith.constant 112 : index
          %get3A_2229 = tpu.vector_load %arg6[%get3A_2227, %get3A_2228] {strides = array<i32>} : memref<128x128xf32, #tpu.memory_space<vmem>>, vector<1x16xf32>,
          %get3A_2230 = vector.shape_cast %get3A_2229 : vector<1x16xf32> to vector<16xf32>
          %add3A_2231 = arith.constant 12 : i32
          %add3A_2232 = arith.addi %mul3A_468, %add3A_2231 : i32
          %get3A_2233 = arith.index_cast %add3A_2232 : i32 to index
          %get3A_2234 = arith.constant 112 : index
          %get3A_2235 = tpu.vector_load %arg7[%get3A_2233, %get3A_2234] {strides = array<i32>} : memref<128x128xf32, #tpu.memory_space<vmem>>, vector<1x16xf32>,
          %get3A_2236 = vector.shape_cast %get3A_2235 : vector<1x16xf32> to vector<16xf32>
          %sub3A_2237 = arith.subf %get3A_2230, %get3A_2236 : vector<16xf32>
          %max3A_2238 = arith.maximumf %max3A_2224, %sub3A_2237 : vector<16xf32>
          %add3A_2239 = arith.constant 13 : i32
          %add3A_2240 = arith.addi %mul3A_468, %add3A_2239 : i32
          %get3A_2241 = arith.index_cast %add3A_2240 : i32 to index
          %get3A_2242 = arith.constant 112 : index
          %get3A_2243 = tpu.vector_load %arg6[%get3A_2241, %get3A_2242] {strides = array<i32>} : memref<128x128xf32, #tpu.memory_space<vmem>>, vector<1x16xf32>,
          %get3A_2244 = vector.shape_cast %get3A_2243 : vector<1x16xf32> to vector<16xf32>
          %add3A_2245 = arith.constant 13 : i32
          %add3A_2246 = arith.addi %mul3A_468, %add3A_2245 : i32
          %get3A_2247 = arith.index_cast %add3A_2246 : i32 to index
          %get3A_2248 = arith.constant 112 : index
          %get3A_2249 = tpu.vector_load %arg7[%get3A_2247, %get3A_2248] {strides = array<i32>} : memref<128x128xf32, #tpu.memory_space<vmem>>, vector<1x16xf32>,
          %get3A_2250 = vector.shape_cast %get3A_2249 : vector<1x16xf32> to vector<16xf32>
          %sub3A_2251 = arith.subf %get3A_2244, %get3A_2250 : vector<16xf32>
          %max3A_2252 = arith.maximumf %max3A_2238, %sub3A_2251 : vector<16xf32>
          %add3A_2253 = arith.constant 14 : i32
          %add3A_2254 = arith.addi %mul3A_468, %add3A_2253 : i32
          %get3A_2255 = arith.index_cast %add3A_2254 : i32 to index
          %get3A_2256 = arith.constant 112 : index
          %get3A_2257 = tpu.vector_load %arg6[%get3A_2255, %get3A_2256] {strides = array<i32>} : memref<128x128xf32, #tpu.memory_space<vmem>>, vector<1x16xf32>,
          %get3A_2258 = vector.shape_cast %get3A_2257 : vector<1x16xf32> to vector<16xf32>
          %add3A_2259 = arith.constant 14 : i32
          %add3A_2260 = arith.addi %mul3A_468, %add3A_2259 : i32
          %get3A_2261 = arith.index_cast %add3A_2260 : i32 to index
          %get3A_2262 = arith.constant 112 : index
          %get3A_2263 = tpu.vector_load %arg7[%get3A_2261, %get3A_2262] {strides = array<i32>} : memref<128x128xf32, #tpu.memory_space<vmem>>, vector<1x16xf32>,
          %get3A_2264 = vector.shape_cast %get3A_2263 : vector<1x16xf32> to vector<16xf32>
          %sub3A_2265 = arith.subf %get3A_2258, %get3A_2264 : vector<16xf32>
          %max3A_2266 = arith.maximumf %max3A_2252, %sub3A_2265 : vector<16xf32>
          %add3A_2267 = arith.constant 15 : i32
          %add3A_2268 = arith.addi %mul3A_468, %add3A_2267 : i32
          %get3A_2269 = arith.index_cast %add3A_2268 : i32 to index
          %get3A_2270 = arith.constant 112 : index
          %get3A_2271 = tpu.vector_load %arg6[%get3A_2269, %get3A_2270] {strides = array<i32>} : memref<128x128xf32, #tpu.memory_space<vmem>>, vector<1x16xf32>,
          %get3A_2272 = vector.shape_cast %get3A_2271 : vector<1x16xf32> to vector<16xf32>
          %add3A_2273 = arith.constant 15 : i32
          %add3A_2274 = arith.addi %mul3A_468, %add3A_2273 : i32
          %get3A_2275 = arith.index_cast %add3A_2274 : i32 to index
          %get3A_2276 = arith.constant 112 : index
          %get3A_2277 = tpu.vector_load %arg7[%get3A_2275, %get3A_2276] {strides = array<i32>} : memref<128x128xf32, #tpu.memory_space<vmem>>, vector<1x16xf32>,
          %get3A_2278 = vector.shape_cast %get3A_2277 : vector<1x16xf32> to vector<16xf32>
          %sub3A_2279 = arith.subf %get3A_2272, %get3A_2278 : vector<16xf32>
          %max3A_2280 = arith.maximumf %max3A_2266, %sub3A_2279 : vector<16xf32>
          %swap3A_2281 = arith.constant 0 : i32
          %swap3A_2282 = arith.constant 0 : i32
          %swap3A_2283 = tpu.memref_slice %run_scoped3A_10[%rem3A_276, %swap3A_2281, %swap3A_2282] : memref<2x8x128xf32, #tpu.memory_space<vmem>> -> memref<1x8x128xf32, #tpu.memory_space<vmem>>
          %swap3A_2284 = tpu.memref_squeeze %swap3A_2283 : memref<1x8x128xf32, #tpu.memory_space<vmem>> -> memref<8x128xf32, #tpu.memory_space<vmem>>
          %swap3A_2285 = arith.index_cast %add3A_466 : i32 to index
          %swap3A_2286 = arith.constant 112 : index
          %swap3A_2287 = tpu.vector_load %swap3A_2284[%swap3A_2285, %swap3A_2286] {strides = array<i32>} : memref<8x128xf32, #tpu.memory_space<vmem>>, vector<1x16xf32>,
          %swap3A_2288 = vector.shape_cast %swap3A_2287 : vector<1x16xf32> to vector<16xf32>
          %swap3A_2289 = vector.shape_cast %max3A_2280 : vector<16xf32> to vector<1x16xf32>
          tpu.vector_store %swap3A_2284[%swap3A_2285, %swap3A_2286], %swap3A_2289 {strides = array<i32>} : memref<8x128xf32, #tpu.memory_space<vmem>>, vector<1x16xf32>,
        }
        %scan3A_345 = arith.constant 8 : i32
        "tpu.trace_stop"() : () -> ()
        %ne3A_346 = arith.cmpi ne, %add3A_169, %add3A_187 : i32
        %or3A_347 = arith.constant false
        %or3A_348 = arith.ori %or3A_347, %ne3A_346 : i1
        %or3A_349 = arith.constant false
        %or3A_350 = arith.ori %or3A_348, %or3A_349 : i1
        %or3A_351 = arith.constant false
        %or3A_352 = arith.ori %or3A_350, %or3A_351 : i1
        %or3A_353 = arith.ori %or3A_352, %eq3A_168 : i1
        %convert_element_type3A_354 = arith.extui %or3A_353 : i1 to i32
        %cond3A_355 = arith.constant 0 : i32
        %cond3A_356 = arith.cmpi ne, %convert_element_type3A_354, %cond3A_355 : i32
        scf.if %cond3A_356 {
        } else {
        }
        %and3A_357 = arith.constant false
        %and3A_358 = arith.andi %or3A_353, %and3A_357 : i1
        %ne3A_359 = arith.cmpi ne, %add3A_169, %add3A_187 : i32
        %or3A_360 = arith.constant false
        %or3A_361 = arith.ori %or3A_360, %ne3A_359 : i1
        %or3A_362 = arith.constant false
        %or3A_363 = arith.ori %or3A_361, %or3A_362 : i1
        %or3A_364 = arith.constant false
        %or3A_365 = arith.ori %or3A_363, %or3A_364 : i1
        %or3A_366 = arith.ori %or3A_365, %eq3A_168 : i1
        %convert_element_type3A_367 = arith.extui %or3A_366 : i1 to i32
        %cond3A_368 = arith.constant 0 : i32
        %cond3A_369 = arith.cmpi ne, %convert_element_type3A_367, %cond3A_368 : i32
        scf.if %cond3A_369 {
        } else {
        }
        %and3A_370 = arith.constant false
        %and3A_371 = arith.andi %or3A_366, %and3A_370 : i1
        %ne3A_372 = arith.cmpi ne, %add3A_169, %add3A_187 : i32
        %or3A_373 = arith.constant false
        %or3A_374 = arith.ori %or3A_373, %ne3A_372 : i1
        %or3A_375 = arith.constant false
        %or3A_376 = arith.ori %or3A_374, %or3A_375 : i1
        %or3A_377 = arith.ori %or3A_376, %eq3A_168 : i1
        %convert_element_type3A_378 = arith.extui %or3A_377 : i1 to i32
        %cond3A_379 = arith.constant 0 : i32
        %cond3A_380 = arith.cmpi ne, %convert_element_type3A_378, %cond3A_379 : i32
        scf.if %cond3A_380 {
          "tpu.trace_start"() <{level = 10 : i32, message = "ep_copy_out"}> : () -> ()
          %rem3A_462 = arith.constant 2 : i32
          %rem3A_463 = arith.remui %scan3A_162, %rem3A_462 : i32
          %mul3A_464 = arith.constant 8 : i32
          %mul3A_465 = arith.muli %mul3A_464, %add3A_169 : i32
          %dma_start3A_466 = arith.constant 0 : i32
          %dma_start3A_467 = arith.constant 0 : i32
          %dma_start3A_468 = tpu.memref_slice %run_scoped3A_10[%rem3A_463, %dma_start3A_466, %dma_start3A_467] : memref<2x8x128xf32, #tpu.memory_space<vmem>> -> memref<1x8x128xf32, #tpu.memory_space<vmem>>
          %dma_start3A_469 = tpu.memref_squeeze %dma_start3A_468 : memref<1x8x128xf32, #tpu.memory_space<vmem>> -> memref<8x128xf32, #tpu.memory_space<vmem>>
          %dma_start3A_470 = arith.constant 0 : i32
          %dma_start3A_471 = tpu.memref_slice %arg5[%mul3A_465, %dma_start3A_470] : memref<20224x128xf32, #tpu.memory_space<hbm>> -> memref<8x128xf32, #tpu.memory_space<hbm>>
          %dma_start3A_472 = tpu.memref_slice %run_scoped3A_11[%rem3A_463] : memref<2x!tpu.dma_semaphore, #tpu.memory_space<semaphore_mem>> -> memref<1x!tpu.dma_semaphore, #tpu.memory_space<semaphore_mem>>
          %dma_start3A_473 = tpu.memref_squeeze %dma_start3A_472 : memref<1x!tpu.dma_semaphore, #tpu.memory_space<semaphore_mem>> -> memref<!tpu.dma_semaphore, #tpu.memory_space<semaphore_mem>>
          %dma_start3A_474 = arith.constant 0 : i32
          %dma_start3A_475 = tpu.memref_slice %arg5[%mul3A_465, %dma_start3A_474] : memref<20224x128xf32, #tpu.memory_space<hbm>> -> memref<8x128xf32, #tpu.memory_space<hbm>>
          %dma_start3A_476 = arith.constant 0 : i32
          %dma_start3A_477 = arith.constant 0 : i32
          %dma_start3A_478 = tpu.memref_slice %run_scoped3A_10[%rem3A_463, %dma_start3A_476, %dma_start3A_477] : memref<2x8x128xf32, #tpu.memory_space<vmem>> -> memref<1x8x128xf32, #tpu.memory_space<vmem>>
          %dma_start3A_479 = tpu.memref_squeeze %dma_start3A_478 : memref<1x8x128xf32, #tpu.memory_space<vmem>> -> memref<8x128xf32, #tpu.memory_space<vmem>>
          tpu.enqueue_dma source(%dma_start3A_479 : memref<8x128xf32, #tpu.memory_space<vmem>>) target(%dma_start3A_475 : memref<8x128xf32, #tpu.memory_space<hbm>>) target_semaphore(%dma_start3A_473 : memref<!tpu.dma_semaphore, #tpu.memory_space<semaphore_mem>>)
          "tpu.trace_stop"() : () -> ()
        } else {
        }
        %and3A_381 = arith.constant true
        %and3A_382 = arith.andi %or3A_377, %and3A_381 : i1
        %add3A_383 = arith.constant 1 : i32
        %add3A_384 = arith.addi %scan3A_162, %add3A_383 : i32
        %select_n3A_385 = arith.select %and3A_382, %add3A_384, %scan3A_162 : i32
        %ne3A_386 = arith.cmpi ne, %add3A_169, %add3A_178 : i32
        %or3A_387 = arith.constant false
        %or3A_388 = arith.ori %or3A_387, %ne3A_386 : i1
        %or3A_389 = arith.constant false
        %or3A_390 = arith.ori %or3A_388, %or3A_389 : i1
        %or3A_391 = arith.constant false
        %or3A_392 = arith.ori %or3A_390, %or3A_391 : i1
        %not3A_393 = arith.constant true
        %not3A_394 = arith.xori %eq3A_166, %not3A_393 : i1
        %and3A_395 = arith.andi %or3A_392, %not3A_394 : i1
        %convert_element_type3A_396 = arith.extui %and3A_395 : i1 to i32
        %cond3A_397 = arith.constant 0 : i32
        %cond3A_398 = arith.cmpi ne, %convert_element_type3A_396, %cond3A_397 : i32
        scf.if %cond3A_398 {
        } else {
        }
        %and3A_399 = arith.constant false
        %and3A_400 = arith.andi %and3A_395, %and3A_399 : i1
        %ne3A_401 = arith.cmpi ne, %add3A_169, %add3A_178 : i32
        %or3A_402 = arith.constant false
        %or3A_403 = arith.ori %or3A_402, %ne3A_401 : i1
        %or3A_404 = arith.constant false
        %or3A_405 = arith.ori %or3A_403, %or3A_404 : i1
        %or3A_406 = arith.constant false
        %or3A_407 = arith.ori %or3A_405, %or3A_406 : i1
        %not3A_408 = arith.constant true
        %not3A_409 = arith.xori %eq3A_166, %not3A_408 : i1
        %and3A_410 = arith.andi %or3A_407, %not3A_409 : i1
        %convert_element_type3A_411 = arith.extui %and3A_410 : i1 to i32
        %cond3A_412 = arith.constant 0 : i32
        %cond3A_413 = arith.cmpi ne, %convert_element_type3A_411, %cond3A_412 : i32
        scf.if %cond3A_413 {
        } else {
        }
        %and3A_414 = arith.constant false
        %and3A_415 = arith.andi %and3A_410, %and3A_414 : i1
        %ne3A_416 = arith.cmpi ne, %add3A_169, %add3A_178 : i32
        %or3A_417 = arith.constant false
        %or3A_418 = arith.ori %or3A_417, %ne3A_416 : i1
        %or3A_419 = arith.constant false
        %or3A_420 = arith.ori %or3A_418, %or3A_419 : i1
        %not3A_421 = arith.constant true
        %not3A_422 = arith.xori %eq3A_166, %not3A_421 : i1
        %and3A_423 = arith.andi %or3A_420, %not3A_422 : i1
        %convert_element_type3A_424 = arith.extui %and3A_423 : i1 to i32
        %cond3A_425 = arith.constant 0 : i32
        %cond3A_426 = arith.cmpi ne, %convert_element_type3A_424, %cond3A_425 : i32
        scf.if %cond3A_426 {
          "tpu.trace_start"() <{level = 10 : i32, message = "ep_wait_out"}> : () -> ()
          %rem3A_462 = arith.constant 2 : i32
          %rem3A_463 = arith.remui %scan3A_163, %rem3A_462 : i32
          %mul3A_464 = arith.constant 8 : i32
          %mul3A_465 = arith.muli %mul3A_464, %add3A_178 : i32
          %dma_wait3A_466 = arith.constant 0 : i32
          %dma_wait3A_467 = arith.constant 0 : i32
          %dma_wait3A_468 = tpu.memref_slice %run_scoped3A_10[%rem3A_463, %dma_wait3A_466, %dma_wait3A_467] : memref<2x8x128xf32, #tpu.memory_space<vmem>> -> memref<1x8x128xf32, #tpu.memory_space<vmem>>
          %dma_wait3A_469 = tpu.memref_squeeze %dma_wait3A_468 : memref<1x8x128xf32, #tpu.memory_space<vmem>> -> memref<8x128xf32, #tpu.memory_space<vmem>>
          %dma_wait3A_470 = arith.constant 0 : i32
          %dma_wait3A_471 = tpu.memref_slice %arg5[%mul3A_465, %dma_wait3A_470] : memref<20224x128xf32, #tpu.memory_space<hbm>> -> memref<8x128xf32, #tpu.memory_space<hbm>>
          %dma_wait3A_472 = tpu.memref_slice %run_scoped3A_11[%rem3A_463] : memref<2x!tpu.dma_semaphore, #tpu.memory_space<semaphore_mem>> -> memref<1x!tpu.dma_semaphore, #tpu.memory_space<semaphore_mem>>
          %dma_wait3A_473 = tpu.memref_squeeze %dma_wait3A_472 : memref<1x!tpu.dma_semaphore, #tpu.memory_space<semaphore_mem>> -> memref<!tpu.dma_semaphore, #tpu.memory_space<semaphore_mem>>
          %dma_wait3A_474 = arith.constant 0 : i32
          %dma_wait3A_475 = tpu.memref_slice %arg5[%mul3A_465, %dma_wait3A_474] : memref<20224x128xf32, #tpu.memory_space<hbm>> -> memref<8x128xf32, #tpu.memory_space<hbm>>
          %dma_wait3A_476 = arith.constant 0 : i32
          %dma_wait3A_477 = arith.constant 0 : i32
          %dma_wait3A_478 = tpu.memref_slice %run_scoped3A_10[%rem3A_463, %dma_wait3A_476, %dma_wait3A_477] : memref<2x8x128xf32, #tpu.memory_space<vmem>> -> memref<1x8x128xf32, #tpu.memory_space<vmem>>
          %dma_wait3A_479 = tpu.memref_squeeze %dma_wait3A_478 : memref<1x8x128xf32, #tpu.memory_space<vmem>> -> memref<8x128xf32, #tpu.memory_space<vmem>>
          tpu.wait_dma2 semaphore(%dma_wait3A_473 : memref<!tpu.dma_semaphore, #tpu.memory_space<semaphore_mem>>) src(%dma_wait3A_479 : memref<8x128xf32, #tpu.memory_space<vmem>>) dst(%dma_wait3A_475 : memref<8x128xf32, #tpu.memory_space<hbm>>)
          "tpu.trace_stop"() : () -> ()
        } else {
        }
        %and3A_427 = arith.constant true
        %and3A_428 = arith.andi %and3A_423, %and3A_427 : i1
        %add3A_429 = arith.constant 1 : i32
        %add3A_430 = arith.addi %scan3A_163, %add3A_429 : i32
        %select_n3A_431 = arith.select %and3A_428, %add3A_430, %scan3A_163 : i32
        %ne3A_432 = arith.cmpi ne, %add3A_169, %add3A_187 : i32
        %or3A_433 = arith.constant false
        %or3A_434 = arith.ori %or3A_433, %ne3A_432 : i1
        %or3A_435 = arith.constant false
        %or3A_436 = arith.ori %or3A_434, %or3A_435 : i1
        %or3A_437 = arith.constant false
        %or3A_438 = arith.ori %or3A_436, %or3A_437 : i1
        %or3A_439 = arith.ori %or3A_438, %eq3A_168 : i1
        %add3A_440 = arith.constant 1 : i32
        %add3A_441 = arith.addi %scan3A_159, %add3A_440 : i32
        %select_n3A_442 = arith.select %or3A_439, %add3A_441, %scan3A_159 : i32
        %ne3A_443 = arith.cmpi ne, %add3A_169, %add3A_187 : i32
        %or3A_444 = arith.constant false
        %or3A_445 = arith.ori %or3A_444, %ne3A_443 : i1
        %or3A_446 = arith.constant false
        %or3A_447 = arith.ori %or3A_445, %or3A_446 : i1
        %or3A_448 = arith.constant false
        %or3A_449 = arith.ori %or3A_447, %or3A_448 : i1
        %or3A_450 = arith.ori %or3A_449, %eq3A_168 : i1
        %add3A_451 = arith.constant 1 : i32
        %add3A_452 = arith.addi %scan3A_161, %add3A_451 : i32
        %select_n3A_453 = arith.select %or3A_450, %add3A_452, %scan3A_161 : i32
        %add3A_454 = arith.constant 1 : i32
        %add3A_455 = arith.addi %scan3A_164, %add3A_454 : i32
        %select_n3A_456 = arith.constant true
        %select_n3A_457 = arith.select %select_n3A_456, %add3A_455, %scan3A_164 : i32
        %eq3A_458 = arith.constant 79 : i32
        %eq3A_459 = arith.cmpi eq, %select_n3A_457, %eq3A_458 : i32
        %select_n3A_460 = arith.constant 0 : i32
        %select_n3A_461 = arith.select %eq3A_459, %select_n3A_460, %select_n3A_457 : i32
        scf.yield %select_n3A_209, %select_n3A_442, %select_n3A_229, %select_n3A_453, %select_n3A_385, %select_n3A_431, %select_n3A_461 : i32, i32, i32, i32, i32, i32, i32
      }
      %scan3A_104 = arith.constant 79 : i32
      %sub3A = arith.constant 1 : i32
      %sub3A_105 = arith.subi %scan3A_103#6, %sub3A : i32
      %select_n3A_106 = arith.constant true
      %select_n3A_107 = arith.select %select_n3A_106, %sub3A_105, %scan3A_103#6 : i32
      %eq3A_108 = arith.constant -1 : i32
      %eq3A_109 = arith.cmpi eq, %select_n3A_107, %eq3A_108 : i32
      %select_n3A_110 = arith.constant 78 : i32
      %select_n3A_111 = arith.select %eq3A_109, %select_n3A_110, %select_n3A_107 : i32
      %add3A_112 = arith.addi %select_n3A_111, %mul3A_6 : i32
      %sub3A_113 = arith.constant 1 : i32
      %sub3A_114 = arith.subi %select_n3A_111, %sub3A_113 : i32
      %select_n3A_115 = arith.constant true
      %select_n3A_116 = arith.select %select_n3A_115, %sub3A_114, %select_n3A_111 : i32
      %eq3A_117 = arith.constant -1 : i32
      %eq3A_118 = arith.cmpi eq, %select_n3A_116, %eq3A_117 : i32
      %select_n3A_119 = arith.constant 78 : i32
      %select_n3A_120 = arith.select %eq3A_118, %select_n3A_119, %select_n3A_116 : i32
      %add3A_121 = arith.addi %select_n3A_120, %mul3A_6 : i32
      %add3A_122 = arith.constant 1 : i32
      %add3A_123 = arith.addi %select_n3A_111, %add3A_122 : i32
      %select_n3A_124 = arith.constant true
      %select_n3A_125 = arith.select %select_n3A_124, %add3A_123, %select_n3A_111 : i32
      %eq3A_126 = arith.constant 79 : i32
      %eq3A_127 = arith.cmpi eq, %select_n3A_125, %eq3A_126 : i32
      %select_n3A_128 = arith.constant 0 : i32
      %select_n3A_129 = arith.select %eq3A_127, %select_n3A_128, %select_n3A_125 : i32
      %add3A_130 = arith.addi %select_n3A_129, %mul3A_6 : i32
      %add3A_131 = arith.constant 1 : i32
      %add3A_132 = arith.addi %select_n3A_129, %add3A_131 : i32
      %select_n3A_133 = arith.constant true
      %select_n3A_134 = arith.select %select_n3A_133, %add3A_132, %select_n3A_129 : i32
      %eq3A_135 = arith.constant 79 : i32
      %eq3A_136 = arith.cmpi eq, %select_n3A_134, %eq3A_135 : i32
      %select_n3A_137 = arith.constant 0 : i32
      %select_n3A_138 = arith.select %eq3A_136, %select_n3A_137, %select_n3A_134 : i32
      %add3A_139 = arith.addi %select_n3A_138, %mul3A_6 : i32
      "tpu.trace_start"() <{level = 10 : i32, message = "ep_finalize"}> : () -> ()
      %rem3A_140 = arith.constant 2 : i32
      %rem3A_141 = arith.remui %scan3A_103#5, %rem3A_140 : i32
      %mul3A_142 = arith.constant 8 : i32
      %mul3A_143 = arith.muli %mul3A_142, %add3A_112 : i32
      %dma_wait3A = arith.constant 0 : i32
      %dma_wait3A_144 = arith.constant 0 : i32
      %dma_wait3A_145 = tpu.memref_slice %run_scoped3A_10[%rem3A_141, %dma_wait3A, %dma_wait3A_144] : memref<2x8x128xf32, #tpu.memory_space<vmem>> -> memref<1x8x128xf32, #tpu.memory_space<vmem>>
      %dma_wait3A_146 = tpu.memref_squeeze %dma_wait3A_145 : memref<1x8x128xf32, #tpu.memory_space<vmem>> -> memref<8x128xf32, #tpu.memory_space<vmem>>
      %dma_wait3A_147 = arith.constant 0 : i32
      %dma_wait3A_148 = tpu.memref_slice %arg5[%mul3A_143, %dma_wait3A_147] : memref<20224x128xf32, #tpu.memory_space<hbm>> -> memref<8x128xf32, #tpu.memory_space<hbm>>
      %dma_wait3A_149 = tpu.memref_slice %run_scoped3A_11[%rem3A_141] : memref<2x!tpu.dma_semaphore, #tpu.memory_space<semaphore_mem>> -> memref<1x!tpu.dma_semaphore, #tpu.memory_space<semaphore_mem>>
      %dma_wait3A_150 = tpu.memref_squeeze %dma_wait3A_149 : memref<1x!tpu.dma_semaphore, #tpu.memory_space<semaphore_mem>> -> memref<!tpu.dma_semaphore, #tpu.memory_space<semaphore_mem>>
      %dma_wait3A_151 = arith.constant 0 : i32
      %dma_wait3A_152 = tpu.memref_slice %arg5[%mul3A_143, %dma_wait3A_151] : memref<20224x128xf32, #tpu.memory_space<hbm>> -> memref<8x128xf32, #tpu.memory_space<hbm>>
      %dma_wait3A_153 = arith.constant 0 : i32
      %dma_wait3A_154 = arith.constant 0 : i32
      %dma_wait3A_155 = tpu.memref_slice %run_scoped3A_10[%rem3A_141, %dma_wait3A_153, %dma_wait3A_154] : memref<2x8x128xf32, #tpu.memory_space<vmem>> -> memref<1x8x128xf32, #tpu.memory_space<vmem>>
      %dma_wait3A_156 = tpu.memref_squeeze %dma_wait3A_155 : memref<1x8x128xf32, #tpu.memory_space<vmem>> -> memref<8x128xf32, #tpu.memory_space<vmem>>
      tpu.wait_dma2 semaphore(%dma_wait3A_150 : memref<!tpu.dma_semaphore, #tpu.memory_space<semaphore_mem>>) src(%dma_wait3A_156 : memref<8x128xf32, #tpu.memory_space<vmem>>) dst(%dma_wait3A_152 : memref<8x128xf32, #tpu.memory_space<hbm>>)
      "tpu.trace_stop"() : () -> ()
      tpu.yield
    }) : () -> ()
    return
  }
}

module attributes {stable_mosaic.version = 14 : i64} {
  func.func @body(%arg0: i32, %arg1: memref<1x128x10000xf32, #tpu.memory_space<vmem>>, %arg2: memref<1x10000x128xf32, #tpu.memory_space<vmem>>) attributes {dimension_semantics = [#tpu.dimension_semantics<arbitrary>], iteration_bounds = array<i64: 2>, scalar_prefetch = 0 : i64, scratch_operands = 0 : i64, tpu.core_type = #tpu.core_type<tc>, window_params = [{transform_indices = @transform_0, window_bounds = array<i64: 1, 128, 10000>}, {transform_indices = @transform_1, window_bounds = array<i64: 1, 10000, 128>}]} {
    %get3A = arith.constant 0 : index
    %get3A_0 = arith.constant 0 : index
    %get3A_1 = arith.constant 0 : index
    %get3A_2 = vector.load %arg1[%get3A, %get3A_0, %get3A_1] : memref<1x128x10000xf32, #tpu.memory_space<vmem>>, vector<1x128x10000xf32>
    %get3A_3 = vector.shape_cast %get3A_2 : vector<1x128x10000xf32> to vector<128x10000xf32>
    %transpose3A = tpu.transpose %get3A_3, [1, 0] : vector<128x10000xf32> -> vector<10000x128xf32>
    %swap3A = arith.constant 0 : index
    %swap3A_4 = arith.constant 0 : index
    %swap3A_5 = arith.constant 0 : index
    %swap3A_6 = vector.load %arg2[%swap3A, %swap3A_4, %swap3A_5] : memref<1x10000x128xf32, #tpu.memory_space<vmem>>, vector<1x10000x128xf32>
    %swap3A_7 = vector.shape_cast %swap3A_6 : vector<1x10000x128xf32> to vector<10000x128xf32>
    %swap3A_8 = vector.shape_cast %transpose3A : vector<10000x128xf32> to vector<1x10000x128xf32>
    tpu.vector_store %arg2[%swap3A, %swap3A_4, %swap3A_5], %swap3A_8 {strides = array<i32>} : memref<1x10000x128xf32, #tpu.memory_space<vmem>>, vector<1x10000x128xf32>,
    return
  }
  func.func @transform_0(%arg0: i32) -> (i32, i32, i32) {
    %c0_i32 = arith.constant 0 : i32
    %c0_i32_0 = arith.constant 0 : i32
    %c0_i32_1 = arith.constant 0 : i32
    return %arg0, %c0_i32, %c0_i32_0 : i32, i32, i32
  }
  func.func @transform_1(%arg0: i32) -> (i32, i32, i32) {
    %c0_i32 = arith.constant 0 : i32
    %c0_i32_0 = arith.constant 0 : i32
    %c0_i32_1 = arith.constant 0 : i32
    return %arg0, %c0_i32, %c0_i32_0 : i32, i32, i32
  }
}

module attributes {stable_mosaic.version = 14 : i64} {
  func.func @body(%arg0: i32, %arg1: i32, %arg2: memref<1x128x10000xf32, #tpu.memory_space<vmem>>, %arg3: memref<10000x128xf32, #tpu.memory_space<vmem>>, %arg4: memref<4x32x64xf32, #tpu.memory_space<vmem>>, %arg5: memref<128x1xf32, #tpu.memory_space<vmem>>, %arg6: memref<1x128x10000xf32, #tpu.memory_space<vmem>>, %arg7: memref<128x2xf32, #tpu.memory_space<vmem>>) attributes {dimension_semantics = [#tpu.dimension_semantics<arbitrary>, #tpu.dimension_semantics<arbitrary>], iteration_bounds = array<i64: 2, 1>, scalar_prefetch = 0 : i64, scratch_operands = 0 : i64, tpu.core_type = #tpu.core_type<tc>, window_params = [{transform_indices = @transform_0, window_bounds = array<i64: 1, 128, 10000>}, {transform_indices = @transform_1, window_bounds = array<i64: 10000, 128>}, {pipeline_mode = #tpu.pipeline_mode<synchronous>, transform_indices = @transform_2, window_bounds = array<i64: 4, 32, 64>}, {pipeline_mode = #tpu.pipeline_mode<synchronous>, transform_indices = @transform_3, window_bounds = array<i64: 128, 1>}, {transform_indices = @transform_4, window_bounds = array<i64: 1, 128, 10000>}, {pipeline_mode = #tpu.pipeline_mode<synchronous>, transform_indices = @transform_5, window_bounds = array<i64: 128, 2>}]} {
    %mul3A = arith.constant 1 : i32
    %mul3A_0 = arith.muli %arg0, %mul3A : i32
    %add3A = arith.addi %mul3A_0, %arg1 : i32
    %get3A = arith.constant 0 : index
    %get3A_1 = arith.constant 0 : index
    %get3A_2 = arith.constant 0 : index
    %get3A_3 = vector.load %arg2[%get3A, %get3A_1, %get3A_2] : memref<1x128x10000xf32, #tpu.memory_space<vmem>>, vector<1x128x10000xf32>
    %get3A_4 = vector.shape_cast %get3A_3 : vector<1x128x10000xf32> to vector<128x10000xf32>
    %get3A_5 = arith.constant 0 : index
    %get3A_6 = arith.constant 0 : index
    %get3A_7 = vector.load %arg3[%get3A_5, %get3A_6] : memref<10000x128xf32, #tpu.memory_space<vmem>>, vector<10000x128xf32>
    %get3A_8 = arith.constant 0 : index
    %get3A_9 = arith.constant 0 : index
    %get3A_10 = arith.constant 0 : index
    %get3A_11 = vector.load %arg4[%get3A_8, %get3A_9, %get3A_10] : memref<4x32x64xf32, #tpu.memory_space<vmem>>, vector<1x32x64xf32>
    %get3A_12 = vector.shape_cast %get3A_11 : vector<1x32x64xf32> to vector<32x64xf32>
    %slice3A = vector.extract_strided_slice %get3A_4 {offsets = [0, 0], sizes = [64, 10000], strides = [1, 1]} : vector<128x10000xf32> to vector<64x10000xf32>
    %dot_general3A = arith.constant dense<0.000000e+00> : vector<32x10000xf32>
    %dot_general3A_13 = tpu.matmul %get3A_12, %slice3A, %dot_general3A {dimension_numbers = #tpu.dot_dimension_numbers<[1], [0], [0], [1], [0, 0, 1, 1], [], []>, precision = #tpu.contract_precision<fp32>, transpose_lhs_hint = false} : vector<32x64xf32>, vector<64x10000xf32>, vector<32x10000xf32> -> vector<32x10000xf32>
    %get3A_14 = arith.constant 1 : index
    %get3A_15 = arith.constant 0 : index
    %get3A_16 = arith.constant 0 : index
    %get3A_17 = vector.load %arg4[%get3A_14, %get3A_15, %get3A_16] : memref<4x32x64xf32, #tpu.memory_space<vmem>>, vector<1x32x64xf32>
    %get3A_18 = vector.shape_cast %get3A_17 : vector<1x32x64xf32> to vector<32x64xf32>
    %slice3A_19 = vector.extract_strided_slice %get3A_4 {offsets = [64, 0], sizes = [64, 10000], strides = [1, 1]} : vector<128x10000xf32> to vector<64x10000xf32>
    %dot_general3A_20 = arith.constant dense<0.000000e+00> : vector<32x10000xf32>
    %dot_general3A_21 = tpu.matmul %get3A_18, %slice3A_19, %dot_general3A_20 {dimension_numbers = #tpu.dot_dimension_numbers<[1], [0], [0], [1], [0, 0, 1, 1], [], []>, precision = #tpu.contract_precision<fp32>, transpose_lhs_hint = false} : vector<32x64xf32>, vector<64x10000xf32>, vector<32x10000xf32> -> vector<32x10000xf32>
    %get3A_22 = arith.constant 2 : index
    %get3A_23 = arith.constant 0 : index
    %get3A_24 = arith.constant 0 : index
    %get3A_25 = vector.load %arg4[%get3A_22, %get3A_23, %get3A_24] : memref<4x32x64xf32, #tpu.memory_space<vmem>>, vector<1x32x64xf32>
    %get3A_26 = vector.shape_cast %get3A_25 : vector<1x32x64xf32> to vector<32x64xf32>
    %slice3A_27 = vector.extract_strided_slice %get3A_7 {offsets = [0, 0], sizes = [10000, 64], strides = [1, 1]} : vector<10000x128xf32> to vector<10000x64xf32>
    %dot_general3A_28 = arith.constant dense<0.000000e+00> : vector<32x10000xf32>
    %dot_general3A_29 = tpu.matmul %get3A_26, %slice3A_27, %dot_general3A_28 {dimension_numbers = #tpu.dot_dimension_numbers<[1], [1], [0], [0], [0, 0, 1, 0], [], []>, precision = #tpu.contract_precision<fp32>, transpose_lhs_hint = false} : vector<32x64xf32>, vector<10000x64xf32>, vector<32x10000xf32> -> vector<32x10000xf32>
    %get3A_30 = arith.constant 3 : index
    %get3A_31 = arith.constant 0 : index
    %get3A_32 = arith.constant 0 : index
    %get3A_33 = vector.load %arg4[%get3A_30, %get3A_31, %get3A_32] : memref<4x32x64xf32, #tpu.memory_space<vmem>>, vector<1x32x64xf32>
    %get3A_34 = vector.shape_cast %get3A_33 : vector<1x32x64xf32> to vector<32x64xf32>
    %slice3A_35 = vector.extract_strided_slice %get3A_7 {offsets = [0, 64], sizes = [10000, 64], strides = [1, 1]} : vector<10000x128xf32> to vector<10000x64xf32>
    %dot_general3A_36 = arith.constant dense<0.000000e+00> : vector<32x10000xf32>
    %dot_general3A_37 = tpu.matmul %get3A_34, %slice3A_35, %dot_general3A_36 {dimension_numbers = #tpu.dot_dimension_numbers<[1], [1], [0], [0], [0, 0, 1, 0], [], []>, precision = #tpu.contract_precision<fp32>, transpose_lhs_hint = false} : vector<32x64xf32>, vector<10000x64xf32>, vector<32x10000xf32> -> vector<32x10000xf32>
    %concatenate3A = tpu.concatenate %dot_general3A_13, %dot_general3A_21, %dot_general3A_29, %dot_general3A_37 in 0 : vector<32x10000xf32>, vector<32x10000xf32>, vector<32x10000xf32>, vector<32x10000xf32> -> vector<128x10000xf32>
    %get3A_38 = arith.constant 0 : index
    %get3A_39 = arith.constant 0 : index
    %get3A_40 = vector.load %arg5[%get3A_38, %get3A_39] : memref<128x1xf32, #tpu.memory_space<vmem>>, vector<128x1xf32>
    %add3A_41 = vector.broadcast %get3A_40 : vector<128x1xf32> to vector<128x10000xf32>
    %add3A_42 = arith.addf %concatenate3A, %add3A_41 : vector<128x10000xf32>
    %swap3A = arith.constant 0 : index
    %swap3A_43 = arith.constant 0 : index
    %swap3A_44 = arith.constant 0 : index
    %swap3A_45 = vector.load %arg6[%swap3A, %swap3A_43, %swap3A_44] : memref<1x128x10000xf32, #tpu.memory_space<vmem>>, vector<1x128x10000xf32>
    %swap3A_46 = vector.shape_cast %swap3A_45 : vector<1x128x10000xf32> to vector<128x10000xf32>
    %swap3A_47 = vector.shape_cast %add3A_42 : vector<128x10000xf32> to vector<1x128x10000xf32>
    tpu.vector_store %arg6[%swap3A, %swap3A_43, %swap3A_44], %swap3A_47 {strides = array<i32>} : memref<1x128x10000xf32, #tpu.memory_space<vmem>>, vector<1x128x10000xf32>,
    %eq3A = arith.constant 0 : i32
    %eq3A_48 = arith.cmpi eq, %add3A, %eq3A : i32
    %convert_element_type3A = arith.extui %eq3A_48 : i1 to i32
    %cond3A = arith.constant 0 : i32
    %cond3A_49 = arith.cmpi ne, %convert_element_type3A, %cond3A : i32
    scf.if %cond3A_49 {
      %broadcast_in_dim3A_69 = arith.constant 0.000000e+00 : f32
      %broadcast_in_dim3A_70 = vector.broadcast %broadcast_in_dim3A_69 : f32 to vector<128x2xf32>
      %swap3A_71 = arith.constant 0 : index
      %swap3A_72 = arith.constant 0 : index
      %swap3A_73 = vector.load %arg7[%swap3A_71, %swap3A_72] : memref<128x2xf32, #tpu.memory_space<vmem>>, vector<128x2xf32>
      tpu.vector_store %arg7[%swap3A_71, %swap3A_72], %broadcast_in_dim3A_70 {strides = array<i32>} : memref<128x2xf32, #tpu.memory_space<vmem>>, vector<128x2xf32>,
    } else {
    }
    %get3A_50 = arith.constant 0 : index
    %get3A_51 = arith.constant 0 : index
    %get3A_52 = vector.load %arg7[%get3A_50, %get3A_51] : memref<128x2xf32, #tpu.memory_space<vmem>>, vector<128x1xf32>
    %reduce_sum3A = arith.constant dense<0.000000e+00> : vector<128xf32>
    %reduce_sum3A_53 = vector.multi_reduction <add>, %add3A_42, %reduce_sum3A [1] : vector<128x10000xf32> to vector<128xf32>
    %broadcast_in_dim3A = vector.shape_cast %reduce_sum3A_53 : vector<128xf32> to vector<128x1xf32>
    %add3A_54 = arith.addf %get3A_52, %broadcast_in_dim3A : vector<128x1xf32>
    %swap3A_55 = arith.constant 0 : index
    %swap3A_56 = arith.constant 0 : index
    %swap3A_57 = vector.load %arg7[%swap3A_55, %swap3A_56] : memref<128x2xf32, #tpu.memory_space<vmem>>, vector<128x1xf32>
    tpu.vector_store %arg7[%swap3A_55, %swap3A_56], %add3A_54 {strides = array<i32>} : memref<128x2xf32, #tpu.memory_space<vmem>>, vector<128x1xf32>,
    %get3A_58 = arith.constant 0 : index
    %get3A_59 = arith.constant 1 : index
    %get3A_60 = vector.load %arg7[%get3A_58, %get3A_59] : memref<128x2xf32, #tpu.memory_space<vmem>>, vector<128x1xf32>
    %mul3A_61 = arith.mulf %add3A_42, %add3A_42 : vector<128x10000xf32>
    %reduce_sum3A_62 = arith.constant dense<0.000000e+00> : vector<128xf32>
    %reduce_sum3A_63 = vector.multi_reduction <add>, %mul3A_61, %reduce_sum3A_62 [1] : vector<128x10000xf32> to vector<128xf32>
    %broadcast_in_dim3A_64 = vector.shape_cast %reduce_sum3A_63 : vector<128xf32> to vector<128x1xf32>
    %add3A_65 = arith.addf %get3A_60, %broadcast_in_dim3A_64 : vector<128x1xf32>
    %swap3A_66 = arith.constant 0 : index
    %swap3A_67 = arith.constant 1 : index
    %swap3A_68 = vector.load %arg7[%swap3A_66, %swap3A_67] : memref<128x2xf32, #tpu.memory_space<vmem>>, vector<128x1xf32>
    tpu.vector_store %arg7[%swap3A_66, %swap3A_67], %add3A_65 {strides = array<i32>} : memref<128x2xf32, #tpu.memory_space<vmem>>, vector<128x1xf32>,
    return
  }
  func.func @transform_0(%arg0: i32, %arg1: i32) -> (i32, i32, i32) {
    %c0_i32 = arith.constant 0 : i32
    %c0_i32_0 = arith.constant 0 : i32
    return %arg0, %c0_i32, %arg1 : i32, i32, i32
  }
  func.func @transform_1(%arg0: i32, %arg1: i32) -> (i32, i32) {
    %mul3A = arith.constant 1 : i32
    %mul3A_0 = arith.muli %arg0, %mul3A : i32
    %add3A = arith.addi %mul3A_0, %arg1 : i32
    %c0_i32 = arith.constant 0 : i32
    %c0_i32_1 = arith.constant 0 : i32
    return %add3A, %c0_i32 : i32, i32
  }
  func.func @transform_2(%arg0: i32, %arg1: i32) -> (i32, i32, i32) {
    %c0_i32 = arith.constant 0 : i32
    %c0_i32_0 = arith.constant 0 : i32
    %c0_i32_1 = arith.constant 0 : i32
    %c0_i32_2 = arith.constant 0 : i32
    return %c0_i32, %c0_i32_0, %c0_i32_1 : i32, i32, i32
  }
  func.func @transform_3(%arg0: i32, %arg1: i32) -> (i32, i32) {
    %c0_i32 = arith.constant 0 : i32
    %c0_i32_0 = arith.constant 0 : i32
    %c0_i32_1 = arith.constant 0 : i32
    return %c0_i32, %c0_i32_0 : i32, i32
  }
  func.func @transform_4(%arg0: i32, %arg1: i32) -> (i32, i32, i32) {
    %c0_i32 = arith.constant 0 : i32
    %c0_i32_0 = arith.constant 0 : i32
    return %arg0, %c0_i32, %arg1 : i32, i32, i32
  }
  func.func @transform_5(%arg0: i32, %arg1: i32) -> (i32, i32) {
    %c0_i32 = arith.constant 0 : i32
    %c0_i32_0 = arith.constant 0 : i32
    %c0_i32_1 = arith.constant 0 : i32
    return %c0_i32, %c0_i32_0 : i32, i32
  }
}

module attributes {stable_mosaic.version = 14 : i64} {
  func.func @body(%arg0: i32, %arg1: i32, %arg2: memref<1x128x10000xf32, #tpu.memory_space<vmem>>, %arg3: memref<128x2xf32, #tpu.memory_space<vmem>>, %arg4: memref<128x1xf32, #tpu.memory_space<vmem>>, %arg5: memref<128x1xf32, #tpu.memory_space<vmem>>, %arg6: memref<1x128x10000xf32, #tpu.memory_space<vmem>>) attributes {dimension_semantics = [#tpu.dimension_semantics<arbitrary>, #tpu.dimension_semantics<arbitrary>], iteration_bounds = array<i64: 2, 1>, scalar_prefetch = 0 : i64, scratch_operands = 0 : i64, tpu.core_type = #tpu.core_type<tc>, window_params = [{transform_indices = @transform_0, window_bounds = array<i64: 1, 128, 10000>}, {pipeline_mode = #tpu.pipeline_mode<synchronous>, transform_indices = @transform_1, window_bounds = array<i64: 128, 2>}, {pipeline_mode = #tpu.pipeline_mode<synchronous>, transform_indices = @transform_2, window_bounds = array<i64: 128, 1>}, {pipeline_mode = #tpu.pipeline_mode<synchronous>, transform_indices = @transform_3, window_bounds = array<i64: 128, 1>}, {transform_indices = @transform_4, window_bounds = array<i64: 1, 128, 10000>}]} {
    %get3A = arith.constant 0 : index
    %get3A_0 = arith.constant 0 : index
    %get3A_1 = vector.load %arg3[%get3A, %get3A_0] : memref<128x2xf32, #tpu.memory_space<vmem>>, vector<128x1xf32>
    %mul3A = arith.constant 5.000000e-05 : f32
    %mul3A_2 = vector.broadcast %mul3A : f32 to vector<128x1xf32>
    %mul3A_3 = arith.mulf %get3A_1, %mul3A_2 : vector<128x1xf32>
    %get3A_4 = arith.constant 0 : index
    %get3A_5 = arith.constant 1 : index
    %get3A_6 = vector.load %arg3[%get3A_4, %get3A_5] : memref<128x2xf32, #tpu.memory_space<vmem>>, vector<128x1xf32>
    %mul3A_7 = arith.constant 5.000000e-05 : f32
    %mul3A_8 = vector.broadcast %mul3A_7 : f32 to vector<128x1xf32>
    %mul3A_9 = arith.mulf %get3A_6, %mul3A_8 : vector<128x1xf32>
    %mul3A_10 = arith.mulf %mul3A_3, %mul3A_3 : vector<128x1xf32>
    %sub3A = arith.subf %mul3A_9, %mul3A_10 : vector<128x1xf32>
    %add3A = arith.constant 9.99999974E-6 : f32
    %add3A_11 = vector.broadcast %add3A : f32 to vector<128x1xf32>
    %add3A_12 = arith.addf %sub3A, %add3A_11 : vector<128x1xf32>
    %rsqrt3A = math.rsqrt %add3A_12 : vector<128x1xf32>
    %get3A_13 = arith.constant 0 : index
    %get3A_14 = arith.constant 0 : index
    %get3A_15 = vector.load %arg4[%get3A_13, %get3A_14] : memref<128x1xf32, #tpu.memory_space<vmem>>, vector<128x1xf32>
    %mul3A_16 = arith.mulf %get3A_15, %rsqrt3A : vector<128x1xf32>
    %get3A_17 = arith.constant 0 : index
    %get3A_18 = arith.constant 0 : index
    %get3A_19 = vector.load %arg5[%get3A_17, %get3A_18] : memref<128x1xf32, #tpu.memory_space<vmem>>, vector<128x1xf32>
    %mul3A_20 = arith.mulf %mul3A_3, %mul3A_16 : vector<128x1xf32>
    %sub3A_21 = arith.subf %get3A_19, %mul3A_20 : vector<128x1xf32>
    %get3A_22 = arith.constant 0 : index
    %get3A_23 = arith.constant 0 : index
    %get3A_24 = arith.constant 0 : index
    %get3A_25 = vector.load %arg2[%get3A_22, %get3A_23, %get3A_24] : memref<1x128x10000xf32, #tpu.memory_space<vmem>>, vector<1x128x10000xf32>
    %get3A_26 = vector.shape_cast %get3A_25 : vector<1x128x10000xf32> to vector<128x10000xf32>
    %mul3A_27 = vector.broadcast %mul3A_16 : vector<128x1xf32> to vector<128x10000xf32>
    %mul3A_28 = arith.mulf %get3A_26, %mul3A_27 : vector<128x10000xf32>
    %add3A_29 = vector.broadcast %sub3A_21 : vector<128x1xf32> to vector<128x10000xf32>
    %add3A_30 = arith.addf %mul3A_28, %add3A_29 : vector<128x10000xf32>
    %mul3A_31 = arith.constant 5.000000e-01 : f32
    %mul3A_32 = vector.broadcast %mul3A_31 : f32 to vector<128x10000xf32>
    %mul3A_33 = arith.mulf %mul3A_32, %add3A_30 : vector<128x10000xf32>
    %mul3A_34 = arith.constant 0.707106769 : f32
    %mul3A_35 = vector.broadcast %mul3A_34 : f32 to vector<128x10000xf32>
    %mul3A_36 = arith.mulf %add3A_30, %mul3A_35 : vector<128x10000xf32>
    %erf3A = math.erf %mul3A_36 : vector<128x10000xf32>
    %add3A_37 = arith.constant 1.000000e+00 : f32
    %add3A_38 = vector.broadcast %add3A_37 : f32 to vector<128x10000xf32>
    %add3A_39 = arith.addf %add3A_38, %erf3A : vector<128x10000xf32>
    %mul3A_40 = arith.mulf %mul3A_33, %add3A_39 : vector<128x10000xf32>
    %swap3A = arith.constant 0 : index
    %swap3A_41 = arith.constant 0 : index
    %swap3A_42 = arith.constant 0 : index
    %swap3A_43 = vector.load %arg6[%swap3A, %swap3A_41, %swap3A_42] : memref<1x128x10000xf32, #tpu.memory_space<vmem>>, vector<1x128x10000xf32>
    %swap3A_44 = vector.shape_cast %swap3A_43 : vector<1x128x10000xf32> to vector<128x10000xf32>
    %swap3A_45 = vector.shape_cast %mul3A_40 : vector<128x10000xf32> to vector<1x128x10000xf32>
    tpu.vector_store %arg6[%swap3A, %swap3A_41, %swap3A_42], %swap3A_45 {strides = array<i32>} : memref<1x128x10000xf32, #tpu.memory_space<vmem>>, vector<1x128x10000xf32>,
    return
  }
  func.func @transform_0(%arg0: i32, %arg1: i32) -> (i32, i32, i32) {
    %c0_i32 = arith.constant 0 : i32
    %c0_i32_0 = arith.constant 0 : i32
    return %arg0, %c0_i32, %arg1 : i32, i32, i32
  }
  func.func @transform_1(%arg0: i32, %arg1: i32) -> (i32, i32) {
    %c0_i32 = arith.constant 0 : i32
    %c0_i32_0 = arith.constant 0 : i32
    %c0_i32_1 = arith.constant 0 : i32
    return %c0_i32, %c0_i32_0 : i32, i32
  }
  func.func @transform_2(%arg0: i32, %arg1: i32) -> (i32, i32) {
    %c0_i32 = arith.constant 0 : i32
    %c0_i32_0 = arith.constant 0 : i32
    %c0_i32_1 = arith.constant 0 : i32
    return %c0_i32, %c0_i32_0 : i32, i32
  }
  func.func @transform_3(%arg0: i32, %arg1: i32) -> (i32, i32) {
    %c0_i32 = arith.constant 0 : i32
    %c0_i32_0 = arith.constant 0 : i32
    %c0_i32_1 = arith.constant 0 : i32
    return %c0_i32, %c0_i32_0 : i32, i32
  }
  func.func @transform_4(%arg0: i32, %arg1: i32) -> (i32, i32, i32) {
    %c0_i32 = arith.constant 0 : i32
    %c0_i32_0 = arith.constant 0 : i32
    return %arg0, %c0_i32, %arg1 : i32, i32, i32
  }
}

</mosaic_0001>

<sc_bundles>
// kernel: kernel.6.cloned.1.call-start
scs
__scs_entry_jumppad:
0x0: {  	(pc) =	sbr.rel $0x88, $3  }
0x1: {  	(tag) =	ssettag $0x0;
	lr =	simm.s32 $0x1  }
0x2: {  	[smem:$0x3F9B] =	sst lr;
	_ =	strace $0xD0000000  }
0x3: {  	_ = 	snop  }
0x4: {  	_ = 	snop  }
0x5: {  	_ = 	snop  }
0x6: {  	_ = 	snop  }
0x7: {  	_ = 	snop  }
__scs_overlays_trampoline_lowered:
0x8: {  	[smem:$0x3FAA] =	sst s0  }
0x9: {  	[smem:$0x3FAB] =	sst s1  }
0xa: {  	[smem:$0x3FAC] =	sst s2  }
0xb: {  	[smem:$0x3FAD] =	sst s3  }
0xc: {  	[smem:$0x3FAE] =	sst s4  }
0xd: {  	[smem:$0x3FAF] =	sst s5  }
0xe: {  	[smem:$0x3FB0] =	sst s6  }
0xf: {  	[smem:$0x3FB1] =	sst s7  }
0x10: {  	[smem:$0x3FB2] =	sst s8  }
0x11: {  	[smem:$0x3FB3] =	sst s9;
	s0 =	simm.s32 @!p0 $0x0  }
0x12: {  	s1 =	sld [smem:$0x3F99];
	s0 =	simm.s32 @p0 $0x1  }
0x13: {  	[smem:$0x3FB4] =	sst s0;
	s0 =	simm.s32 @!p1 $0x0  }
0x14: {  	s2 =	sld [smem:$0x3F98];
	s0 =	simm.s32 @p1 $0x1  }
0x15: {  	[smem:$0x3FB5] =	sst s0;
	s0 =	simm.s32 @!p2 $0x0  }
0x16: {  	s3 =	sld [smem:$0x3FDB];
	s0 =	simm.s32 @p2 $0x1  }
0x17: {  	s4 =	simm.s32 $0x1BF5;
	[smem:$0x3FB7] =	sst s0  }
0x18: {  	s0 =	sld [smem:$0x3F9A];
	_ =	swait.ge [sflag:s4], $0x0  }
0x19: {  	s7 =	sld [smem:$0x3F9B]  }
0x1a: {  	s8 =	sadd.s32 $0xFFFFE003, lr  }
0x1b: {  	s9 =	sadd.s32 $0xFFFFFEF7, lr;
	s5 =	simm.s32 $0xFFFFFFFF;
	p2 =	slt.u32 s8, $0xFFFFF086  }
0x1c: {  	p1 =	slt.u32 s9, $0xF7A;
	s5 =	simm.s32 @!p2 $0x0  }
0x1d: {  	s5 =	simm.s32 @p1 $0x1;
	p0 =	seq.s32 s7, s2  }
0x1e: {  	s7 =	smul.u32 @!p0 $0xF7A, s2;
	p2 =	seq.s32 @!p0 s5, $0x0  }
0x1f: {  	s9 =	smul.u32 $0xF7A, s1;
	s8 =	simm.s32 @!p0 $0x1BF5;
	p2 =	por !p2, p0  }
0x20: {  	[sflag:s8] =	ssyncset.s32 @!p0 $0xFFFFF086;
	s6 =	sadd.s32 @!p0 s3, s7;
	s7 =	simm.s32 @!p0 $0x108  }
0x21: {  	s3 =	sadd.s32 s3, s9;
	s6 =	sadd.s32 @!p0 $0x88, s6;
	s7 =	simm.s32 @p2 $0x1082  }
0x22: {  	[simem:s7], [sflag:s8] =	dma.local @!p0 [hbm:s6], $0xF7A  }
0x23: {  	s9 =	sor.u32 $0xD0000000, s2;
	s6 =	simm.s32 $0x108;
	_ =	swait.ge @!p0 [sflag:s8], $0x0  }
0x24: {  	s3 =	sadd.s32 $0x88, s3;
	s6 =	simm.s32 @!p1 $0x1082;
	[sflag:s4] =	ssyncset.s32 $0xFFFFF086  }
0x25: {  	[simem:s6], [sflag:s4] =	dma.local [hbm:s3], $0xF7A  }
0x26: {  	[smem:$0x3F9B] =	sst s1;
	(tag) =	ssettag s2;
	_ =	strace s9  }
0x27: {  	s1 =	sld [smem:$0x3FAB]  }
0x28: {  	s2 =	sld [smem:$0x3FAC]  }
0x29: {  	s4 =	sld [smem:$0x3FAE]  }
0x2a: {  	p0 =	seq.s32 s5, $0x0;
	s5 =	sld [smem:$0x3FAF]  }
0x2b: {  	s6 =	sld [smem:$0x3FB0]  }
0x2c: {  	s7 =	sld [smem:$0x3FB1]  }
0x2d: {  	s3 =	simm.s32 $0x108;
	s8 =	sld [smem:$0x3FB2]  }
0x2e: {  	s3 =	simm.s32 @!p0 $0x1082;
	s9 =	sld [smem:$0x3FB3]  }
0x2f: {  	lr =	sadd.s32 s0, s3;
	s0 =	sld [smem:$0x3FAA]  }
0x30: {  	s3 =	sld [smem:$0x3FAD]  }
0x31: {  	[smem:$0x3FB6] =	sst s10  }
0x32: {  	s10 =	sld [smem:$0x3FB4];
	_ =	sdelay $0x3  }
0x33: {  	p0 =	seq.s32 s10, $0x1;
	s10 =	sld [smem:$0x3FB6];
	_ =	sdelay $0x3  }
0x34: {  	[smem:$0x3FB6] =	sst s10  }
0x35: {  	s10 =	sld [smem:$0x3FB5];
	_ =	sdelay $0x3  }
0x36: {  	p1 =	seq.s32 s10, $0x1;
	s10 =	sld [smem:$0x3FB6];
	_ =	sdelay $0x3  }
0x37: {  	[smem:$0x3FB6] =	sst s10  }
0x38: {  	s10 =	sld [smem:$0x3FB7]  }
0x39: {  	_ = 	snop;
	(pc) =	sbr.ind lr, $3  }
0x3a: {  	_ = 	snop  }
0x3b: {  	_ = 	snop  }
0x3c: {  	p2 =	seq.s32 s10, $0x1;
	s10 =	sld [smem:$0x3FB6]  }
0x3d: {  	_ =	shalt  }
0x3e: {  	_ =	shalt  }
0x3f: {  	_ =	shalt  }
0x40: {  	_ =	shalt  }
0x41: {  	_ =	shalt  }
0x42: {  	_ =	shalt  }
0x43: {  	_ =	shalt  }
0x44: {  	_ =	shalt  }
0x45: {  	_ =	shalt  }
0x46: {  	_ =	shalt  }
0x47: {  	_ =	shalt  }
0x48: {  	_ =	shalt  }
0x49: {  	_ =	shalt  }
0x4a: {  	_ =	shalt  }
0x4b: {  	_ =	shalt  }
0x4c: {  	_ =	shalt  }
0x4d: {  	_ =	shalt  }
0x4e: {  	_ =	shalt  }
0x4f: {  	_ =	shalt  }
0x50: {  	_ =	shalt  }
0x51: {  	_ =	shalt  }
0x52: {  	_ =	shalt  }
0x53: {  	_ =	shalt  }
0x54: {  	_ =	shalt  }
0x55: {  	_ =	shalt  }
0x56: {  	_ =	shalt  }
0x57: {  	_ =	shalt  }
0x58: {  	_ =	shalt  }
0x59: {  	_ =	shalt  }
0x5a: {  	_ =	shalt  }
0x5b: {  	_ =	shalt  }
0x5c: {  	_ =	shalt  }
0x5d: {  	_ =	shalt  }
0x5e: {  	_ =	shalt  }
0x5f: {  	_ =	shalt  }
0x60: {  	_ =	shalt  }
0x61: {  	_ =	shalt  }
0x62: {  	_ =	shalt  }
0x63: {  	_ =	shalt  }
0x64: {  	_ =	shalt  }
0x65: {  	_ =	shalt  }
0x66: {  	_ =	shalt  }
0x67: {  	_ =	shalt  }
0x68: {  	_ =	shalt  }
0x69: {  	_ =	shalt  }
0x6a: {  	_ =	shalt  }
0x6b: {  	_ =	shalt  }
0x6c: {  	_ =	shalt  }
0x6d: {  	_ =	shalt  }
0x6e: {  	_ =	shalt  }
0x6f: {  	_ =	shalt  }
0x70: {  	_ =	shalt  }
0x71: {  	_ =	shalt  }
0x72: {  	_ =	shalt  }
0x73: {  	_ =	shalt  }
0x74: {  	_ =	shalt  }
0x75: {  	_ =	shalt  }
0x76: {  	_ =	shalt  }
0x77: {  	_ =	shalt  }
0x78: {  	_ =	shalt  }
0x79: {  	_ =	shalt  }
0x7a: {  	_ =	shalt  }
0x7b: {  	_ =	shalt  }
0x7c: {  	_ =	shalt  }
0x7d: {  	_ =	shalt  }
0x7e: {  	_ =	shalt  }
0x7f: {  	_ =	shalt  }
0x80: {  	_ =	shalt  }
0x81: {  	_ =	shalt  }
0x82: {  	_ =	shalt  }
0x83: {  	_ =	shalt  }
0x84: {  	_ =	shalt  }
0x85: {  	_ =	shalt  }
0x86: {  	_ =	shalt  }
0x87: {  	_ =	shalt  }
.Lfunc_end0:
.L_simem_size_0:
called_computation_lowered:
.L_overlay_start_0:
0x88: {  	s2 =	sld [smem:$0x3FD9]  }
0x89: {  	s3 =	sld [smem:$0x3FFE];
	_ =	sdelay $0x1  }
0x8a: {  	s1 =	srdreg.scid  }
0x8b: {  	s0 =	sand.u32 $0x1, s1  }
0x8c: {  	s17 =	sshll.u32 s0, $0xA;
	s2 =	sadd.s32 s3, s2  }
0x8d: {  	s2 =	sadd.s32 s2, s17  }
0x8e: {  	[smem:$0x3FC2] =	sst s2  }
0x8f: {  	_ = 	snop  }
0x90: {  	s2 =	sld [smem:$0x3FD0];
	(tm) =	ssettm $0x1  }
0x91: {  	s18 =	sld [smem:$0x3FFB];
	_ =	sdelay $0x3  }
0x92: {  	_ =	strace s18  }
0x93: {  	s3 =	sld [smem:$0x3FFC];
	_ =	sdelay $0x3  }
0x94: {  	_ =	strace s3  }
0x95: {  	s3 =	sld [smem:$0x3FFD];
	_ =	sdelay $0x3  }
0x96: {  	_ =	strace s3  }
0x97: {  	_ =	strace $0x8FFFFFFF  }
0x98: {  	s19 =	sld [smem:$0x3FDB];
	_ =	sdelay $0x1  }
0x99: {  	s4 =	simm.s32 $_scs_section_size  }
0x9a: {  	s5 =	simm.s32 $_size__tile_overlayer_lowered;
	s6 =	simm.s32 $_tile_overlayer_lowered  }
0x9b: {  	s22 =	simm.s32 $0x1BFF;
	s21 =	sshll.u32 s6, $0x1;
	s3 =	sadd.s32 s4, s19  }
0x9c: {  	s7 =	simm.s32 $0x0;
	s20 =	sshll.u32 s5, $0x1;
	s5 =	sadd.s32 s21, s3  }
0x9d: {  	[timem:s7], [sflag:s22] =	dma.local [hbm:s5], s20  }
0x9e: {  	_ =	swait.ge [sflag:s22], s20  }
0x9f: {  	s4 =	ssub.s32 $0x0, s20;
	[sflag:s22] =	ssyncset.done $0x0  }
0xa0: {  	[sflag:s22] =	ssyncadd.s32 s4;
	_ =	sdelay $0x1  }
0xa1: {  	s23 =	simm.s32 $0x1B8B  }
0xa2: {  	_ =	swait.ge [sflag:s23], $0x1  }
0xa3: {  	[sflag:s23] =	ssyncset.done $0x0  }
0xa4: {  	s25 =	simm.s32 $0x1B8E;
	s24 =	sld [smem:$0x3FFE];
	[sflag:s23] =	ssyncadd.s32 $0xFFFFFFFF  }
0xa5: {  	s26 =	simm.s32 $execute0_lowered;
	[smem:$0x3FD2] =	sst s25  }
0xa6: {  	s5 =	sshll.u32 s26, $0x1;
	_ =	strace $0x80000046;
	[dreg:$0x1] =	wrdreg $0xFFFFFFFF  }
0xa7: {  	s28 =	simm.s32 $_size_execute0_lowered;
	s3 =	sadd.s32 s3, s5;
	[dreg:$0x0] =	wrdreg $0x0  }
0xa8: {  	s5 =	sshll.u32 s28, $0x1;
	[dreg:$0x2] =	wrdreg s3  }
0xa9: {  	[dreg:$0x3] =	wrdreg s5  }
0xaa: {  	[dreg:$0x4] =	wrdreg $0xC0  }
0xab: {  	_ =	task [dreg:s7], $0x5FFFF  }
0xac: {  	[dreg:$0x1] =	wrdreg $0xFFFFFFFF  }
0xad: {  	[dreg:$0x0] =	wrdreg $0x60  }
0xae: {  	[dreg:$0x2] =	wrdreg s2  }
0xaf: {  	[dreg:$0x3] =	wrdreg s24  }
0xb0: {  	[dreg:$0x4] =	wrdreg $0x9  }
0xb1: {  	_ =	task.clear_ibuf [dreg:s7], $0x5FFFF;
	_ =	strace $0x90000046  }
0xb2: {  	s29 =	simm.s32 $0x9;
	_ =	strace $0x80000051  }
0xb3: {  	_ =	swait.ge [sflag:s29], $0x1  }
0xb4: {  	[sflag:s29] =	ssyncadd.s32 $0xFFFFFFFF  }
0xb5: {  	_ =	strace $0x90000051  }
0xb6: {  	_ =	sfence  }
0xb7: {  	s30 =	sld [smem:$0x0];
	_ =	sdelay $0x2  }
0xb8: {  	s31 =	sshll.u32 s1, $0xD;
	s1 =	sshrl.u32 s1, $0x2  }
0xb9: {  	s3 =	sand.u32 $0x4000, s31;
	s1 =	sadd.s32 s1, s30  }
0xba: {  	s0 =	sor.u32 s3, s0;
	s1 =	sshll.u32 s1, $0x11  }
0xbb: {  	s0 =	sor.u32 s1, s0  }
0xbc: {  	s0 =	sadd.s32 $0x8F2B, s0  }
0xbd: {  	[sflag:s0] =	ssyncadd.remote.s32 $0x1  }
0xbe: {  	_ =	sfence.sel $0xFFFF  }
0xbf: {  	[dreg:$0x0] =	wrdreg $0xFFFFFFFF;
	(pc) =	sbr.abs _section_cstart, $3  }
0xc0: {  	[dreg:$0x1] =	wrdreg $0xFFFFFFFF  }
0xc1: {  	_ =	task.clear_ibuf [dreg:s7], $0x2FFFF;
	_ =	strace $0x9FFFFFFF  }
0xc2: {  	(tm) =	ssettm $0x7FFFFFFF  }
0xc3: {  	_ =	shalt  }
tec
execute0_lowered:
.L_overlay_start_1:
0x0: {  	(tag) =	ssettag $0x1  }
0x1: {  	s1 =	rddreg [dreg:$0x0]  }
0x2: {  	s0 =	rddreg [dreg:$0x1];
	s2 =	srdreg.scid  }
0x3: {  	s3 =	simm.s32 $0x0;
	s5 =	stileid.u32;
	s13 =	simm.s32 $0x80  }
0x4: {  	s14 =	simm.s32 $0x4000;
	s15 =	simm.s32 $0x1;
	s16 =	simm.s32 $0x2  }
0x5: {  	s17 =	simm.s32 $0x7;
	s18 =	simm.s32 $0x0;
	s2 =	sand.u32 $0x1, s2  }
0x6: {  	[smem:$0x7FF] =	sst s3;
	s6 =	sadd.s32 $0x15000, s0;
	s4 =	sshll.u32 s2, $0x4  }
0x7: {  	_ =	strace $0x80000047;
	s2 =	ssub.s32 $0x2, s2;
	s7 =	sor.u32 s5, s4  }
0x8: {  	s4 =	sadd.s32 $0x1400, s0;
	s8 =	sshrl.u32 s2, $0x1;
	s9 =	smul.u32 $0x4F0, s7  }
0x9: {  	s5 =	sadd.s32 $0xB200, s0;
	s31 =	ssub.s32 s2, s8;
	s7 =	smul.u32 $0x4F, s7  }
0xa: {  	s10 =	smax.u32 s31, $0x1;
	s8 =	sadd.s32 s4, s9;
	s9 =	sadd.s32 s5, s9  }
.LBB2_1:
0xb: {  	_ =	strace $0x80000048;
	s0 =	simm.s32 $0x8000;
	s31 =	simm.s32 $0x8100  }
0xc: {  	s28 =	simm.s32 $0x0;
	s19 =	simm.s32 $0x0;
	s20 =	simm.s32 $0x0  }
0xd: {  	[tilespmem:s0], [sflag:$0x3] =	stream.linear.gather [hbm4b:s8+s3], $0x80, $0x200038;
	[tilespmem:$0x8A00] =	vst v63  }
0xe: {  	s21 =	simm.s32 $0x0;
	s22 =	simm.s32 $0x1;
	s23 =	simm.s32 $0x0  }
0xf: {  	[tilespmem:s31], [sflag:$0x5] =	stream.linear.gather [hbm4b:s9+s3], $0x80, $0x200038;
	[tilespmem:$0x8A00] =	vst v63  }
0x10: {  	s24 =	simm.s32 $0x1;
	s25 =	simm.s32 $0x0;
	_ =	strace $0x90000048  }
.LBB2_2:
0x11: {  	s26 =	sadd.s32 $0x1, s28  }
0x12: {  	p0 =	seq.s32 s26, $0x4F  }
0x13: {  	s26 =	simm.s32 @p0 $0x0;
	p0 =	seq.s32 s25, $0x4E  }
0x14: {  	p1 =	seq.s32 @!p0 s28, s26  }
0x15: {  	p2 =	por p1, p0  }
0x16: {  	s0 =	sadd.s32 @!p2 s7, s26  }
0x17: {  	s2 =	sand.u32 @!p2 $0x1, s24;
	_ =	strace @!p2 $0x80000049;
	s0 =	sshll.u32 @!p2 s0, $0x4  }
0x18: {  	s30 =	simm.s32 @!p2 $0x0;
	s12 =	sshll.u32 @!p2 s2, $0x7;
	s0 =	sand.u32 @!p2 $0x1FFFFFF0, s0  }
0x19: {  	s2 =	sadd.s32 @!p2 $0x3, s2;
	s12 =	sor.u32 @!p2 $0x8000, s12;
	s29 =	sadd.s32 @!p2 s4, s0  }
0x1a: {  	[tilespmem:s12], [sflag:s2] =	stream.linear.gather @!p2 [hbm4b:s29+s30], $0x80, $0x200038;
	[tilespmem:$0x8A00] =	vst v63  }
0x1b: {  	s2 =	sand.u32 @!p2 $0x1, s22  }
0x1c: {  	s0 =	sadd.s32 @!p2 s5, s0;
	_ =	strace @!p2 $0x90000049;
	s12 =	sshll.u32 @!p2 s2, $0x7  }
0x1d: {  	s2 =	sadd.s32 @!p2 $0x5, s2;
	_ =	strace @!p2 $0x8000004A;
	s12 =	sor.u32 @!p2 $0x8100, s12  }
0x1e: {  	[tilespmem:s12], [sflag:s2] =	stream.linear.gather @!p2 [hbm4b:s0+s30], $0x80, $0x200038;
	[tilespmem:$0x8A00] =	vst v63  }
0x1f: {  	s12 =	sand.u32 $0x1, s23;
	_ =	strace @!p2 $0x9000004A  }
0x20: {  	s0 =	sadd.s32 $0x3, s12;
	_ =	strace $0x8000004B  }
0x21: {  	_ =	swait.ge [sflag:s0], $0x80  }
0x22: {  	[sflag:s0] =	ssyncset.done $0x0  }
0x23: {  	[sflag:s0] =	ssyncadd.s32 $0xFFFFFF80  }
0x24: {  	s2 =	sand.u32 $0x1, s21;
	_ =	strace $0x9000004B  }
0x25: {  	s0 =	sadd.s32 $0x5, s2;
	_ =	strace $0x8000004C  }
0x26: {  	_ =	swait.ge [sflag:s0], $0x80  }
0x27: {  	[sflag:s0] =	ssyncset.done $0x0  }
0x28: {  	s12 =	sshll.u32 s23, $0x7;
	[sflag:s0] =	ssyncadd.s32 $0xFFFFFF80  }
0x29: {  	s30 =	simm.s32 $0x0;
	s0 =	sand.u32 $0x80, s12;
	_ =	strace $0x9000004C  }
0x2a: {  	s2 =	sshll.u32 s21, $0x7;
	s0 =	sor.u32 $0x8000, s0;
	_ =	strace $0x8000004D  }
0x2b: {  	[tilespmem:s30], [sflag:$0x1] =	stream.indirect.gather [hbm4b:s1+s13], $0x80, s0, s13, $0x2000b8;
	[tilespmem:$0x8A00] =	vst v63  }
0x2c: {  	s0 =	sand.u32 $0x80, s2  }
0x2d: {  	s0 =	sor.u32 $0x8100, s0  }
0x2e: {  	[tilespmem:s14], [sflag:$0x2] =	stream.indirect.gather [hbm4b:s1+s13], $0x80, s0, s13, $0x2000b8;
	[tilespmem:$0x8A00] =	vst v63  }
0x2f: {  	s11 =	smov.u32 s24;
	s31 =	sadd.s32 s7, s28;
	_ =	swait.ge [sflag:s15], $0x4000  }
0x30: {  	p1 =	por !p1, p0;
	s0 =	sadd.s32 @!p2 $0x1, s24;
	[sflag:s15] =	ssyncset.done $0x0  }
0x31: {  	s24 =	smov.u32 @p1 s0;
	s0 =	sand.u32 $0x1, s20;
	[sflag:s15] =	ssyncadd.s32 $0xFFFFC000  }
0x32: {  	s29 =	simm.s32 $0x0;
	s12 =	sshll.u32 s0, $0xA;
	_ =	swait.ge [sflag:s16], $0x4000  }
0x33: {  	s29 =	simm.s32 @p1 $0x1;
	s2 =	sor.u32 $0x8200, s12;
	[sflag:s16] =	ssyncset.done $0x0  }
0x34: {  	s29 =	simm.s32 @p0 $0x0;
	s24 =	smov.u32 @p0 s11;
	v0 =	vmov s2;
	[sflag:s16] =	ssyncadd.s32 $0xFFFFC000  }
.LBB2_3:
0x35: {  	s11 =	sshll.u32 s30, $0xB  }
0x36: {  	v1 =	vld [tilespmem:s11+$0x0]  }
0x37: {  	v2 =	vld [tilespmem:s11+$0x4000]  }
0x38: {  	v3 =	vld [tilespmem:s11+$0x80]  }
0x39: {  	v4 =	vld [tilespmem:s11+$0x4080]  }
0x3a: {  	v5 =	vld [tilespmem:s11+$0x100]  }
0x3b: {  	v6 =	vld [tilespmem:s11+$0x4100]  }
0x3c: {  	v7 =	vld [tilespmem:s11+$0x180]  }
0x3d: {  	v8 =	vld [tilespmem:s11+$0x4180]  }
0x3e: {  	v9 =	vld [tilespmem:s11+$0x200]  }
0x3f: {  	v10 =	vld [tilespmem:s11+$0x4200]  }
0x40: {  	v11 =	vld [tilespmem:s11+$0x280]  }
0x41: {  	v12 =	vld [tilespmem:s11+$0x4280]  }
0x42: {  	v13 =	vld [tilespmem:s11+$0x300]  }
0x43: {  	v14 =	vld [tilespmem:s11+$0x4300]  }
0x44: {  	v15 =	vld [tilespmem:s11+$0x380]  }
0x45: {  	v16 =	vld [tilespmem:s11+$0x4380]  }
0x46: {  	v17 =	vld [tilespmem:s11+$0x400]  }
0x47: {  	v18 =	vld [tilespmem:s11+$0x4400]  }
0x48: {  	v19 =	vld [tilespmem:s11+$0x480]  }
0x49: {  	v20 =	vld [tilespmem:s11+$0x4480]  }
0x4a: {  	v21 =	vld [tilespmem:s11+$0x500]  }
0x4b: {  	v22 =	vld [tilespmem:s11+$0x4500]  }
0x4c: {  	v24 =	vld [tilespmem:s11+$0x4580];
	v1 =	vsub.f32 v1, v2;
	v2 =	vsub.f32 v3, v4  }
0x4d: {  	v25 =	vld [tilespmem:s11+$0x600];
	v23 =	vsub.f32 v5, v6  }
0x4e: {  	v27 =	vld [tilespmem:s11+$0x4600];
	v1 =	vmax.f32 v1, v2;
	v2 =	vsub.f32 v7, v8  }
0x4f: {  	v28 =	vld [tilespmem:s11+$0x680];
	v26 =	vsub.f32 v9, v10;
	v1 =	vmax.f32 v1, v23  }
0x50: {  	v30 =	vld [tilespmem:s11+$0x4680];
	v1 =	vmax.f32 v1, v2;
	v2 =	vsub.f32 v11, v12  }
0x51: {  	v3 =	vld [tilespmem:s11+$0x580];
	v29 =	vsub.f32 v13, v14;
	v1 =	vmax.f32 v1, v26  }
0x52: {  	v31 =	vld [tilespmem:s11+$0x700];
	v1 =	vmax.f32 v1, v2;
	v2 =	vsub.f32 v15, v16  }
0x53: {  	v33 =	vld [tilespmem:s11+$0x4700];
	v32 =	vsub.f32 v17, v18;
	v1 =	vmax.f32 v1, v29  }
0x54: {  	v34 =	vld [tilespmem:s11+$0x780];
	v1 =	vmax.f32 v1, v2;
	v2 =	vsub.f32 v19, v20  }
0x55: {  	v36 =	vld [tilespmem:s11+$0x4780];
	v35 =	vsub.f32 v21, v22;
	v1 =	vmax.f32 v1, v32  }
0x56: {  	v1 =	vmax.f32 v1, v2;
	v2 =	vsub.f32 v3, v24  }
0x57: {  	v3 =	vsub.f32 v25, v27;
	v1 =	vmax.f32 v1, v35  }
0x58: {  	v1 =	vmax.f32 v1, v2;
	v2 =	vsub.f32 v28, v30  }
0x59: {  	v1 =	vmax.f32 v1, v3;
	v3 =	vsub.f32 v31, v33  }
0x5a: {  	v1 =	vmax.f32 v1, v2;
	v2 =	vsub.f32 v34, v36  }
0x5b: {  	s12 =	sshll.u32 s30, $0x7;
	v1 =	vmax.f32 v1, v3  }
0x5c: {  	s12 =	sand.u32 $0x3FFFFF80, s12;
	v1 =	vmax.f32 v1, v2  }
0x5d: {  	[tilespmem:v0+s12+$0x0 ss:$0x1] =	vst.idx.msk $0xffff, v1  }
0x5e: {  	v1 =	vld [tilespmem:s11+$0x10]  }
0x5f: {  	v2 =	vld [tilespmem:s11+$0x4010]  }
0x60: {  	v3 =	vld [tilespmem:s11+$0x90]  }
0x61: {  	v37 =	vld [tilespmem:s11+$0x4090]  }
0x62: {  	v38 =	vld [tilespmem:s11+$0x110]  }
0x63: {  	v39 =	vld [tilespmem:s11+$0x4110]  }
0x64: {  	v40 =	vld [tilespmem:s11+$0x190]  }
0x65: {  	v41 =	vld [tilespmem:s11+$0x4190]  }
0x66: {  	v42 =	vld [tilespmem:s11+$0x210]  }
0x67: {  	v43 =	vld [tilespmem:s11+$0x4210]  }
0x68: {  	v44 =	vld [tilespmem:s11+$0x290]  }
0x69: {  	v45 =	vld [tilespmem:s11+$0x4290]  }
0x6a: {  	v46 =	vld [tilespmem:s11+$0x310]  }
0x6b: {  	v47 =	vld [tilespmem:s11+$0x4310]  }
0x6c: {  	v48 =	vld [tilespmem:s11+$0x390]  }
0x6d: {  	v49 =	vld [tilespmem:s11+$0x4390]  }
0x6e: {  	v50 =	vld [tilespmem:s11+$0x410]  }
0x6f: {  	v51 =	vld [tilespmem:s11+$0x4410]  }
0x70: {  	v52 =	vld [tilespmem:s11+$0x490]  }
0x71: {  	v53 =	vld [tilespmem:s11+$0x4490]  }
0x72: {  	v54 =	vld [tilespmem:s11+$0x510]  }
0x73: {  	v55 =	vld [tilespmem:s11+$0x4510]  }
0x74: {  	v57 =	vld [tilespmem:s11+$0x4590];
	v1 =	vsub.f32 v1, v2;
	v2 =	vsub.f32 v3, v37  }
0x75: {  	v58 =	vld [tilespmem:s11+$0x610];
	v56 =	vsub.f32 v38, v39  }
0x76: {  	v60 =	vld [tilespmem:s11+$0x4610];
	v1 =	vmax.f32 v1, v2;
	v2 =	vsub.f32 v40, v41  }
0x77: {  	v61 =	vld [tilespmem:s11+$0x690];
	v59 =	vsub.f32 v42, v43;
	v1 =	vmax.f32 v1, v56  }
0x78: {  	v63 =	vld [tilespmem:s11+$0x4690];
	v1 =	vmax.f32 v1, v2;
	v2 =	vsub.f32 v44, v45  }
0x79: {  	v3 =	vld [tilespmem:s11+$0x590];
	v62 =	vsub.f32 v46, v47;
	v1 =	vmax.f32 v1, v59  }
0x7a: {  	v16 =	vld [tilespmem:s11+$0x710];
	v1 =	vmax.f32 v1, v2;
	v2 =	vsub.f32 v48, v49  }
0x7b: {  	v23 =	vld [tilespmem:s11+$0x4710];
	v18 =	vsub.f32 v50, v51;
	v1 =	vmax.f32 v1, v62  }
0x7c: {  	v24 =	vld [tilespmem:s11+$0x790];
	v1 =	vmax.f32 v1, v2;
	v2 =	vsub.f32 v52, v53  }
0x7d: {  	v26 =	vld [tilespmem:s11+$0x4790];
	v25 =	vsub.f32 v54, v55;
	v1 =	vmax.f32 v1, v18  }
0x7e: {  	v1 =	vmax.f32 v1, v2;
	v2 =	vsub.f32 v3, v57  }
0x7f: {  	v3 =	vsub.f32 v58, v60;
	v1 =	vmax.f32 v1, v25  }
0x80: {  	v1 =	vmax.f32 v1, v2;
	v2 =	vsub.f32 v61, v63  }
0x81: {  	v1 =	vmax.f32 v1, v3;
	v3 =	vsub.f32 v16, v23  }
0x82: {  	v1 =	vmax.f32 v1, v2;
	v2 =	vsub.f32 v24, v26  }
0x83: {  	v1 =	vmax.f32 v1, v3  }
0x84: {  	v1 =	vmax.f32 v1, v2  }
0x85: {  	[tilespmem:v0+s12+$0x10 ss:$0x1] =	vst.idx.msk $0xffff, v1  }
0x86: {  	v1 =	vld [tilespmem:s11+$0x20]  }
0x87: {  	v2 =	vld [tilespmem:s11+$0x4020]  }
0x88: {  	v3 =	vld [tilespmem:s11+$0xA0]  }
0x89: {  	v27 =	vld [tilespmem:s11+$0x40A0]  }
0x8a: {  	v28 =	vld [tilespmem:s11+$0x120]  }
0x8b: {  	v29 =	vld [tilespmem:s11+$0x4120]  }
0x8c: {  	v30 =	vld [tilespmem:s11+$0x1A0]  }
0x8d: {  	v31 =	vld [tilespmem:s11+$0x41A0]  }
0x8e: {  	v32 =	vld [tilespmem:s11+$0x220]  }
0x8f: {  	v33 =	vld [tilespmem:s11+$0x4220]  }
0x90: {  	v34 =	vld [tilespmem:s11+$0x2A0]  }
0x91: {  	v35 =	vld [tilespmem:s11+$0x42A0]  }
0x92: {  	v36 =	vld [tilespmem:s11+$0x320]  }
0x93: {  	v37 =	vld [tilespmem:s11+$0x4320]  }
0x94: {  	v38 =	vld [tilespmem:s11+$0x3A0]  }
0x95: {  	v39 =	vld [tilespmem:s11+$0x43A0]  }
0x96: {  	v40 =	vld [tilespmem:s11+$0x420]  }
0x97: {  	v41 =	vld [tilespmem:s11+$0x4420]  }
0x98: {  	v42 =	vld [tilespmem:s11+$0x4A0]  }
0x99: {  	v43 =	vld [tilespmem:s11+$0x44A0]  }
0x9a: {  	v44 =	vld [tilespmem:s11+$0x520]  }
0x9b: {  	v45 =	vld [tilespmem:s11+$0x4520]  }
0x9c: {  	v47 =	vld [tilespmem:s11+$0x45A0];
	v1 =	vsub.f32 v1, v2;
	v2 =	vsub.f32 v3, v27  }
0x9d: {  	v48 =	vld [tilespmem:s11+$0x620];
	v46 =	vsub.f32 v28, v29  }
0x9e: {  	v50 =	vld [tilespmem:s11+$0x4620];
	v1 =	vmax.f32 v1, v2;
	v2 =	vsub.f32 v30, v31  }
0x9f: {  	v51 =	vld [tilespmem:s11+$0x6A0];
	v49 =	vsub.f32 v32, v33;
	v1 =	vmax.f32 v1, v46  }
0xa0: {  	v53 =	vld [tilespmem:s11+$0x46A0];
	v1 =	vmax.f32 v1, v2;
	v2 =	vsub.f32 v34, v35  }
0xa1: {  	v3 =	vld [tilespmem:s11+$0x5A0];
	v52 =	vsub.f32 v36, v37;
	v1 =	vmax.f32 v1, v49  }
0xa2: {  	v54 =	vld [tilespmem:s11+$0x720];
	v1 =	vmax.f32 v1, v2;
	v2 =	vsub.f32 v38, v39  }
0xa3: {  	v56 =	vld [tilespmem:s11+$0x4720];
	v55 =	vsub.f32 v40, v41;
	v1 =	vmax.f32 v1, v52  }
0xa4: {  	v57 =	vld [tilespmem:s11+$0x7A0];
	v1 =	vmax.f32 v1, v2;
	v2 =	vsub.f32 v42, v43  }
0xa5: {  	v59 =	vld [tilespmem:s11+$0x47A0];
	v58 =	vsub.f32 v44, v45;
	v1 =	vmax.f32 v1, v55  }
0xa6: {  	v1 =	vmax.f32 v1, v2;
	v2 =	vsub.f32 v3, v47  }
0xa7: {  	v3 =	vsub.f32 v48, v50;
	v1 =	vmax.f32 v1, v58  }
0xa8: {  	v1 =	vmax.f32 v1, v2;
	v2 =	vsub.f32 v51, v53  }
0xa9: {  	v1 =	vmax.f32 v1, v3;
	v3 =	vsub.f32 v54, v56  }
0xaa: {  	v1 =	vmax.f32 v1, v2;
	v2 =	vsub.f32 v57, v59  }
0xab: {  	v1 =	vmax.f32 v1, v3  }
0xac: {  	v1 =	vmax.f32 v1, v2  }
0xad: {  	[tilespmem:v0+s12+$0x20 ss:$0x1] =	vst.idx.msk $0xffff, v1  }
0xae: {  	v1 =	vld [tilespmem:s11+$0x30]  }
0xaf: {  	v2 =	vld [tilespmem:s11+$0x4030]  }
0xb0: {  	v3 =	vld [tilespmem:s11+$0xB0]  }
0xb1: {  	v60 =	vld [tilespmem:s11+$0x40B0]  }
0xb2: {  	v61 =	vld [tilespmem:s11+$0x130]  }
0xb3: {  	v62 =	vld [tilespmem:s11+$0x4130]  }
0xb4: {  	v63 =	vld [tilespmem:s11+$0x1B0]  }
0xb5: {  	v24 =	vld [tilespmem:s11+$0x41B0]  }
0xb6: {  	v25 =	vld [tilespmem:s11+$0x230]  }
0xb7: {  	v26 =	vld [tilespmem:s11+$0x4230]  }
0xb8: {  	v27 =	vld [tilespmem:s11+$0x2B0]  }
0xb9: {  	v28 =	vld [tilespmem:s11+$0x42B0]  }
0xba: {  	v29 =	vld [tilespmem:s11+$0x330]  }
0xbb: {  	v30 =	vld [tilespmem:s11+$0x4330]  }
0xbc: {  	v31 =	vld [tilespmem:s11+$0x3B0]  }
0xbd: {  	v32 =	vld [tilespmem:s11+$0x43B0]  }
0xbe: {  	v33 =	vld [tilespmem:s11+$0x430]  }
0xbf: {  	v34 =	vld [tilespmem:s11+$0x4430]  }
0xc0: {  	v35 =	vld [tilespmem:s11+$0x4B0]  }
0xc1: {  	v36 =	vld [tilespmem:s11+$0x44B0]  }
0xc2: {  	v37 =	vld [tilespmem:s11+$0x530]  }
0xc3: {  	v38 =	vld [tilespmem:s11+$0x4530]  }
0xc4: {  	v40 =	vld [tilespmem:s11+$0x45B0];
	v1 =	vsub.f32 v1, v2;
	v2 =	vsub.f32 v3, v60  }
0xc5: {  	v41 =	vld [tilespmem:s11+$0x630];
	v39 =	vsub.f32 v61, v62  }
0xc6: {  	v43 =	vld [tilespmem:s11+$0x4630];
	v1 =	vmax.f32 v1, v2;
	v2 =	vsub.f32 v63, v24  }
0xc7: {  	v44 =	vld [tilespmem:s11+$0x6B0];
	v42 =	vsub.f32 v25, v26;
	v1 =	vmax.f32 v1, v39  }
0xc8: {  	v46 =	vld [tilespmem:s11+$0x46B0];
	v1 =	vmax.f32 v1, v2;
	v2 =	vsub.f32 v27, v28  }
0xc9: {  	v3 =	vld [tilespmem:s11+$0x5B0];
	v45 =	vsub.f32 v29, v30;
	v1 =	vmax.f32 v1, v42  }
0xca: {  	v47 =	vld [tilespmem:s11+$0x730];
	v1 =	vmax.f32 v1, v2;
	v2 =	vsub.f32 v31, v32  }
0xcb: {  	v49 =	vld [tilespmem:s11+$0x4730];
	v48 =	vsub.f32 v33, v34;
	v1 =	vmax.f32 v1, v45  }
0xcc: {  	v50 =	vld [tilespmem:s11+$0x7B0];
	v1 =	vmax.f32 v1, v2;
	v2 =	vsub.f32 v35, v36  }
0xcd: {  	v52 =	vld [tilespmem:s11+$0x47B0];
	v51 =	vsub.f32 v37, v38;
	v1 =	vmax.f32 v1, v48  }
0xce: {  	v1 =	vmax.f32 v1, v2;
	v2 =	vsub.f32 v3, v40  }
0xcf: {  	v3 =	vsub.f32 v41, v43;
	v1 =	vmax.f32 v1, v51  }
0xd0: {  	v1 =	vmax.f32 v1, v2;
	v2 =	vsub.f32 v44, v46  }
0xd1: {  	v1 =	vmax.f32 v1, v3;
	v3 =	vsub.f32 v47, v49  }
0xd2: {  	v1 =	vmax.f32 v1, v2;
	v2 =	vsub.f32 v50, v52  }
0xd3: {  	v1 =	vmax.f32 v1, v3  }
0xd4: {  	v1 =	vmax.f32 v1, v2  }
0xd5: {  	[tilespmem:v0+s12+$0x30 ss:$0x1] =	vst.idx.msk $0xffff, v1  }
0xd6: {  	v1 =	vld [tilespmem:s11+$0x40]  }
0xd7: {  	v2 =	vld [tilespmem:s11+$0x4040]  }
0xd8: {  	v3 =	vld [tilespmem:s11+$0xC0]  }
0xd9: {  	v53 =	vld [tilespmem:s11+$0x40C0]  }
0xda: {  	v54 =	vld [tilespmem:s11+$0x140]  }
0xdb: {  	v55 =	vld [tilespmem:s11+$0x4140]  }
0xdc: {  	v56 =	vld [tilespmem:s11+$0x1C0]  }
0xdd: {  	v57 =	vld [tilespmem:s11+$0x41C0]  }
0xde: {  	v58 =	vld [tilespmem:s11+$0x240]  }
0xdf: {  	v59 =	vld [tilespmem:s11+$0x4240]  }
0xe0: {  	v60 =	vld [tilespmem:s11+$0x2C0]  }
0xe1: {  	v61 =	vld [tilespmem:s11+$0x42C0]  }
0xe2: {  	v62 =	vld [tilespmem:s11+$0x340]  }
0xe3: {  	v63 =	vld [tilespmem:s11+$0x4340]  }
0xe4: {  	v24 =	vld [tilespmem:s11+$0x3C0]  }
0xe5: {  	v25 =	vld [tilespmem:s11+$0x43C0]  }
0xe6: {  	v26 =	vld [tilespmem:s11+$0x440]  }
0xe7: {  	v27 =	vld [tilespmem:s11+$0x4440]  }
0xe8: {  	v28 =	vld [tilespmem:s11+$0x4C0]  }
0xe9: {  	v29 =	vld [tilespmem:s11+$0x44C0]  }
0xea: {  	v30 =	vld [tilespmem:s11+$0x540]  }
0xeb: {  	v31 =	vld [tilespmem:s11+$0x4540]  }
0xec: {  	v33 =	vld [tilespmem:s11+$0x45C0];
	v1 =	vsub.f32 v1, v2;
	v2 =	vsub.f32 v3, v53  }
0xed: {  	v34 =	vld [tilespmem:s11+$0x640];
	v32 =	vsub.f32 v54, v55  }
0xee: {  	v36 =	vld [tilespmem:s11+$0x4640];
	v1 =	vmax.f32 v1, v2;
	v2 =	vsub.f32 v56, v57  }
0xef: {  	v37 =	vld [tilespmem:s11+$0x6C0];
	v35 =	vsub.f32 v58, v59;
	v1 =	vmax.f32 v1, v32  }
0xf0: {  	v39 =	vld [tilespmem:s11+$0x46C0];
	v1 =	vmax.f32 v1, v2;
	v2 =	vsub.f32 v60, v61  }
0xf1: {  	v3 =	vld [tilespmem:s11+$0x5C0];
	v38 =	vsub.f32 v62, v63;
	v1 =	vmax.f32 v1, v35  }
0xf2: {  	v40 =	vld [tilespmem:s11+$0x740];
	v1 =	vmax.f32 v1, v2;
	v2 =	vsub.f32 v24, v25  }
0xf3: {  	v42 =	vld [tilespmem:s11+$0x4740];
	v41 =	vsub.f32 v26, v27;
	v1 =	vmax.f32 v1, v38  }
0xf4: {  	v43 =	vld [tilespmem:s11+$0x7C0];
	v1 =	vmax.f32 v1, v2;
	v2 =	vsub.f32 v28, v29  }
0xf5: {  	v45 =	vld [tilespmem:s11+$0x47C0];
	v44 =	vsub.f32 v30, v31;
	v1 =	vmax.f32 v1, v41  }
0xf6: {  	v1 =	vmax.f32 v1, v2;
	v2 =	vsub.f32 v3, v33  }
0xf7: {  	v3 =	vsub.f32 v34, v36;
	v1 =	vmax.f32 v1, v44  }
0xf8: {  	v1 =	vmax.f32 v1, v2;
	v2 =	vsub.f32 v37, v39  }
0xf9: {  	v1 =	vmax.f32 v1, v3;
	v3 =	vsub.f32 v40, v42  }
0xfa: {  	v1 =	vmax.f32 v1, v2;
	v2 =	vsub.f32 v43, v45  }
0xfb: {  	v1 =	vmax.f32 v1, v3  }
0xfc: {  	v1 =	vmax.f32 v1, v2  }
0xfd: {  	[tilespmem:v0+s12+$0x40 ss:$0x1] =	vst.idx.msk $0xffff, v1  }
0xfe: {  	v1 =	vld [tilespmem:s11+$0x50]  }
0xff: {  	v2 =	vld [tilespmem:s11+$0x4050]  }
0x100: {  	v3 =	vld [tilespmem:s11+$0xD0]  }
0x101: {  	v46 =	vld [tilespmem:s11+$0x40D0]  }
0x102: {  	v47 =	vld [tilespmem:s11+$0x150]  }
0x103: {  	v48 =	vld [tilespmem:s11+$0x4150]  }
0x104: {  	v49 =	vld [tilespmem:s11+$0x1D0]  }
0x105: {  	v50 =	vld [tilespmem:s11+$0x41D0]  }
0x106: {  	v51 =	vld [tilespmem:s11+$0x250]  }
0x107: {  	v52 =	vld [tilespmem:s11+$0x4250]  }
0x108: {  	v53 =	vld [tilespmem:s11+$0x2D0]  }
0x109: {  	v54 =	vld [tilespmem:s11+$0x42D0]  }
0x10a: {  	v55 =	vld [tilespmem:s11+$0x350]  }
0x10b: {  	v56 =	vld [tilespmem:s11+$0x4350]  }
0x10c: {  	v57 =	vld [tilespmem:s11+$0x3D0]  }
0x10d: {  	v58 =	vld [tilespmem:s11+$0x43D0]  }
0x10e: {  	v59 =	vld [tilespmem:s11+$0x450]  }
0x10f: {  	v60 =	vld [tilespmem:s11+$0x4450]  }
0x110: {  	v61 =	vld [tilespmem:s11+$0x4D0]  }
0x111: {  	v62 =	vld [tilespmem:s11+$0x44D0]  }
0x112: {  	v63 =	vld [tilespmem:s11+$0x550]  }
0x113: {  	v24 =	vld [tilespmem:s11+$0x4550]  }
0x114: {  	v26 =	vld [tilespmem:s11+$0x45D0];
	v1 =	vsub.f32 v1, v2;
	v2 =	vsub.f32 v3, v46  }
0x115: {  	v27 =	vld [tilespmem:s11+$0x650];
	v25 =	vsub.f32 v47, v48  }
0x116: {  	v29 =	vld [tilespmem:s11+$0x4650];
	v1 =	vmax.f32 v1, v2;
	v2 =	vsub.f32 v49, v50  }
0x117: {  	v30 =	vld [tilespmem:s11+$0x6D0];
	v28 =	vsub.f32 v51, v52;
	v1 =	vmax.f32 v1, v25  }
0x118: {  	v32 =	vld [tilespmem:s11+$0x46D0];
	v1 =	vmax.f32 v1, v2;
	v2 =	vsub.f32 v53, v54  }
0x119: {  	v3 =	vld [tilespmem:s11+$0x5D0];
	v31 =	vsub.f32 v55, v56;
	v1 =	vmax.f32 v1, v28  }
0x11a: {  	v33 =	vld [tilespmem:s11+$0x750];
	v1 =	vmax.f32 v1, v2;
	v2 =	vsub.f32 v57, v58  }
0x11b: {  	v35 =	vld [tilespmem:s11+$0x4750];
	v34 =	vsub.f32 v59, v60;
	v1 =	vmax.f32 v1, v31  }
0x11c: {  	v36 =	vld [tilespmem:s11+$0x7D0];
	v1 =	vmax.f32 v1, v2;
	v2 =	vsub.f32 v61, v62  }
0x11d: {  	v38 =	vld [tilespmem:s11+$0x47D0];
	v37 =	vsub.f32 v63, v24;
	v1 =	vmax.f32 v1, v34  }
0x11e: {  	v1 =	vmax.f32 v1, v2;
	v2 =	vsub.f32 v3, v26  }
0x11f: {  	v3 =	vsub.f32 v27, v29;
	v1 =	vmax.f32 v1, v37  }
0x120: {  	v1 =	vmax.f32 v1, v2;
	v2 =	vsub.f32 v30, v32  }
0x121: {  	v1 =	vmax.f32 v1, v3;
	v3 =	vsub.f32 v33, v35  }
0x122: {  	v1 =	vmax.f32 v1, v2;
	v2 =	vsub.f32 v36, v38  }
0x123: {  	v1 =	vmax.f32 v1, v3  }
0x124: {  	v1 =	vmax.f32 v1, v2  }
0x125: {  	[tilespmem:v0+s12+$0x50 ss:$0x1] =	vst.idx.msk $0xffff, v1  }
0x126: {  	v1 =	vld [tilespmem:s11+$0x60]  }
0x127: {  	v2 =	vld [tilespmem:s11+$0x4060]  }
0x128: {  	v3 =	vld [tilespmem:s11+$0xE0]  }
0x129: {  	v39 =	vld [tilespmem:s11+$0x40E0]  }
0x12a: {  	v40 =	vld [tilespmem:s11+$0x160]  }
0x12b: {  	v41 =	vld [tilespmem:s11+$0x4160]  }
0x12c: {  	v42 =	vld [tilespmem:s11+$0x1E0]  }
0x12d: {  	v43 =	vld [tilespmem:s11+$0x41E0]  }
0x12e: {  	v44 =	vld [tilespmem:s11+$0x260]  }
0x12f: {  	v45 =	vld [tilespmem:s11+$0x4260]  }
0x130: {  	v46 =	vld [tilespmem:s11+$0x2E0]  }
0x131: {  	v47 =	vld [tilespmem:s11+$0x42E0]  }
0x132: {  	v48 =	vld [tilespmem:s11+$0x360]  }
0x133: {  	v49 =	vld [tilespmem:s11+$0x4360]  }
0x134: {  	v50 =	vld [tilespmem:s11+$0x3E0]  }
0x135: {  	v51 =	vld [tilespmem:s11+$0x43E0]  }
0x136: {  	v52 =	vld [tilespmem:s11+$0x460]  }
0x137: {  	v53 =	vld [tilespmem:s11+$0x4460]  }
0x138: {  	v54 =	vld [tilespmem:s11+$0x4E0]  }
0x139: {  	v55 =	vld [tilespmem:s11+$0x44E0]  }
0x13a: {  	v56 =	vld [tilespmem:s11+$0x560]  }
0x13b: {  	v57 =	vld [tilespmem:s11+$0x4560]  }
0x13c: {  	v59 =	vld [tilespmem:s11+$0x45E0];
	v1 =	vsub.f32 v1, v2;
	v2 =	vsub.f32 v3, v39  }
0x13d: {  	v60 =	vld [tilespmem:s11+$0x660];
	v58 =	vsub.f32 v40, v41  }
0x13e: {  	v62 =	vld [tilespmem:s11+$0x4660];
	v1 =	vmax.f32 v1, v2;
	v2 =	vsub.f32 v42, v43  }
0x13f: {  	v63 =	vld [tilespmem:s11+$0x6E0];
	v61 =	vsub.f32 v44, v45;
	v1 =	vmax.f32 v1, v58  }
0x140: {  	v24 =	vld [tilespmem:s11+$0x46E0];
	v1 =	vmax.f32 v1, v2;
	v2 =	vsub.f32 v46, v47  }
0x141: {  	v3 =	vld [tilespmem:s11+$0x5E0];
	v23 =	vsub.f32 v48, v49;
	v1 =	vmax.f32 v1, v61  }
0x142: {  	v25 =	vld [tilespmem:s11+$0x760];
	v1 =	vmax.f32 v1, v2;
	v2 =	vsub.f32 v50, v51  }
0x143: {  	v27 =	vld [tilespmem:s11+$0x4760];
	v26 =	vsub.f32 v52, v53;
	v1 =	vmax.f32 v1, v23  }
0x144: {  	v28 =	vld [tilespmem:s11+$0x7E0];
	v1 =	vmax.f32 v1, v2;
	v2 =	vsub.f32 v54, v55  }
0x145: {  	v30 =	vld [tilespmem:s11+$0x47E0];
	v29 =	vsub.f32 v56, v57;
	v1 =	vmax.f32 v1, v26  }
0x146: {  	v1 =	vmax.f32 v1, v2;
	v2 =	vsub.f32 v3, v59  }
0x147: {  	v3 =	vsub.f32 v60, v62;
	v1 =	vmax.f32 v1, v29  }
0x148: {  	v1 =	vmax.f32 v1, v2;
	v2 =	vsub.f32 v63, v24  }
0x149: {  	v1 =	vmax.f32 v1, v3;
	v3 =	vsub.f32 v25, v27  }
0x14a: {  	v1 =	vmax.f32 v1, v2;
	v2 =	vsub.f32 v28, v30  }
0x14b: {  	v1 =	vmax.f32 v1, v3  }
0x14c: {  	v1 =	vmax.f32 v1, v2  }
0x14d: {  	[tilespmem:v0+s12+$0x60 ss:$0x1] =	vst.idx.msk $0xffff, v1  }
0x14e: {  	v1 =	vld [tilespmem:s11+$0x70]  }
0x14f: {  	v2 =	vld [tilespmem:s11+$0x4070]  }
0x150: {  	v3 =	vld [tilespmem:s11+$0xF0]  }
0x151: {  	v31 =	vld [tilespmem:s11+$0x40F0]  }
0x152: {  	v32 =	vld [tilespmem:s11+$0x170]  }
0x153: {  	v33 =	vld [tilespmem:s11+$0x4170]  }
0x154: {  	v34 =	vld [tilespmem:s11+$0x1F0]  }
0x155: {  	v35 =	vld [tilespmem:s11+$0x41F0]  }
0x156: {  	v36 =	vld [tilespmem:s11+$0x270]  }
0x157: {  	v37 =	vld [tilespmem:s11+$0x4270]  }
0x158: {  	v38 =	vld [tilespmem:s11+$0x2F0]  }
0x159: {  	v39 =	vld [tilespmem:s11+$0x42F0]  }
0x15a: {  	v40 =	vld [tilespmem:s11+$0x370]  }
0x15b: {  	v41 =	vld [tilespmem:s11+$0x4370]  }
0x15c: {  	v42 =	vld [tilespmem:s11+$0x3F0]  }
0x15d: {  	v43 =	vld [tilespmem:s11+$0x43F0]  }
0x15e: {  	v44 =	vld [tilespmem:s11+$0x470]  }
0x15f: {  	v45 =	vld [tilespmem:s11+$0x4470]  }
0x160: {  	v46 =	vld [tilespmem:s11+$0x4F0]  }
0x161: {  	v47 =	vld [tilespmem:s11+$0x44F0]  }
0x162: {  	v48 =	vld [tilespmem:s11+$0x570]  }
0x163: {  	v49 =	vld [tilespmem:s11+$0x4570]  }
0x164: {  	v51 =	vld [tilespmem:s11+$0x45F0];
	v1 =	vsub.f32 v1, v2;
	v2 =	vsub.f32 v3, v31  }
0x165: {  	v52 =	vld [tilespmem:s11+$0x670];
	v50 =	vsub.f32 v32, v33  }
0x166: {  	v54 =	vld [tilespmem:s11+$0x4670];
	v1 =	vmax.f32 v1, v2;
	v2 =	vsub.f32 v34, v35  }
0x167: {  	v55 =	vld [tilespmem:s11+$0x6F0];
	v53 =	vsub.f32 v36, v37;
	v1 =	vmax.f32 v1, v50  }
0x168: {  	v57 =	vld [tilespmem:s11+$0x46F0];
	v1 =	vmax.f32 v1, v2;
	v2 =	vsub.f32 v38, v39  }
0x169: {  	v3 =	vld [tilespmem:s11+$0x5F0];
	v56 =	vsub.f32 v40, v41;
	v1 =	vmax.f32 v1, v53  }
0x16a: {  	v58 =	vld [tilespmem:s11+$0x770];
	v1 =	vmax.f32 v1, v2;
	v2 =	vsub.f32 v42, v43  }
0x16b: {  	v60 =	vld [tilespmem:s11+$0x4770];
	v59 =	vsub.f32 v44, v45;
	v1 =	vmax.f32 v1, v56  }
0x16c: {  	v61 =	vld [tilespmem:s11+$0x7F0];
	v1 =	vmax.f32 v1, v2;
	v2 =	vsub.f32 v46, v47  }
0x16d: {  	v63 =	vld [tilespmem:s11+$0x47F0];
	v62 =	vsub.f32 v48, v49;
	v1 =	vmax.f32 v1, v59  }
0x16e: {  	v1 =	vmax.f32 v1, v2;
	v2 =	vsub.f32 v3, v51  }
0x16f: {  	v3 =	vsub.f32 v52, v54;
	v1 =	vmax.f32 v1, v62  }
0x170: {  	p1 =	sne.s32 s30, $0x7;
	v1 =	vmax.f32 v1, v2;
	v2 =	vsub.f32 v55, v57  }
.Ltmp0:
0x171: {  	v1 =	vmax.f32 v1, v3;
	v3 =	vsub.f32 v58, v60;
	(pc) =	sbr.rel @p1 .LBB2_3-.Ltmp0, $4  }
0x172: {  	v1 =	vmax.f32 v1, v2;
	v2 =	vsub.f32 v61, v63  }
0x173: {  	v1 =	vmax.f32 v1, v3  }
0x174: {  	v1 =	vmax.f32 v1, v2  }
0x175: {  	s30 =	sadd.s32 $0x1, s30;
	[tilespmem:v0+s12+$0x70 ss:$0x1] =	vst.idx.msk $0xffff, v1  }
0x176: {  	p1 =	sne.s32 s28, s26  }
0x177: {  	p0 =	por p0, p1  }
0x178: {  	_ =	strace $0x9000004D;
	s11 =	sshll.u32 @p0 s31, $0x7  }
0x179: {  	p1 =	seq.s32 s25, $0x0;
	_ =	strace @p0 $0x8000004E;
	s11 =	sand.u32 @p0 $0x1FFFFF80, s11  }
0x17a: {  	s0 =	sadd.s32 @p0 $0x7, s0;
	s12 =	simm.s32 @p0 $0x0;
	s11 =	sadd.s32 @p0 s6, s11  }
0x17b: {  	[hbm4b:s11+s12] =	stream.linear.scatter @p0 [tilespmem:s2], [sflag:s0], $0x400, $0x200038;
	[tilespmem:$0x8A00] =	vst v63  }
0x17c: {  	s0 =	sand.u32 @!p1 $0x1, s19;
	_ =	strace @p0 $0x9000004E  }
0x17d: {  	s0 =	sadd.s32 @!p1 $0x7, s0;
	_ =	strace @!p1 $0x8000004F  }
0x17e: {  	s2 =	simm.s32 $0x1;
	_ =	swait.ge @!p1 [sflag:s0], $0x400  }
0x17f: {  	s2 =	simm.s32 @!p0 $0x0;
	p0 =	sne.s32 s25, $0x0;
	[sflag:s0] =	ssyncset.done @!p1 $0x0  }
0x180: {  	s25 =	sadd.s32 $0x1, s25;
	[sflag:s0] =	ssyncadd.s32 @!p1 $0xFFFFFC00;
	s0 =	simm.s32 $0x1  }
0x181: {  	s0 =	simm.s32 @!p0 $0x0;
	p0 =	sne.s32 s25, $0x4F  }
.Ltmp1:
0x182: {  	_ = 	snop;
	(pc) =	sbr.rel @p0 .LBB2_2-.Ltmp1, $4  }
0x183: {  	_ = 	snop  }
0x184: {  	s22 =	sadd.s32 s22, s29  }
0x185: {  	s28 =	smov.u32 s26;
	s20 =	sadd.s32 s2, s20;
	s23 =	sadd.s32 s2, s23  }
0x186: {  	s21 =	sadd.s32 s2, s21;
	_ =	strace @!p1 $0x9000004F;
	s19 =	sadd.s32 s0, s19  }
0x187: {  	s18 =	sadd.s32 $0x1, s18  }
0x188: {  	p0 =	sne.s32 s18, s10  }
.Ltmp2:
0x189: {  	_ =	strace $0x80000050;
	(pc) =	sbr.rel @p0 .LBB2_1-.Ltmp2, $4  }
0x18a: {  	_ =	swait.ge [sflag:s17], $0x400  }
0x18b: {  	[sflag:s17] =	ssyncset.done $0x0  }
0x18c: {  	[sflag:s17] =	ssyncadd.s32 $0xFFFFFC00  }
0x18d: {  	_ =	strace $0x90000050  }
0x18e: {  	_ =	sfence.sel $0x180000  }
0x18f: {  	[bflag:$0x0] =	sbarrier.arrive $0xFFFF  }
0x190: {  	_ =	strace $0x90000047  }
0x191: {  	s0 =	stileid.u32;
	[bflag:$0x2] =	sbarrier.arrive $0xFFFF  }
0x192: {  	p0 =	sne.s32 s0, $0x0;
	s0 =	rddreg [dreg:$0x2]  }
0x193: {  	s0 =	sadd.s32 @!p0 $0x100000, s0  }
0x194: {  	[sflag:s0] =	ssyncadd.tile.s32 @!p0 $0x1;
	_ =	shalt  }
.Lfunc_end2:
_tile_overlayer_lowered:
.L_overlay_start_2:
0x195: {  	(tag) =	ssettag $0x2  }
0x196: {  	s0 =	rddreg [dreg:$0x0];
	s2 =	stileid.u32  }
0x197: {  	s1 =	rddreg [dreg:$0x1];
	p0 =	sne.s32 s2, $0x0  }
0x198: {  	s3 =	rddreg [dreg:$0x2];
	[bflag:$0x3] =	sbarrier.arrive $0xFFFF;
	s2 =	simm.s32 @!p0 $0x1C03  }
0x199: {  	[timem:s3], [sflag:s2] =	dma.local @!p0 [hbm:s0], s1  }
0x19a: {  	s0 =	simm.s32 @!p0 $0x3  }
0x19b: {  	_ =	swait.ge @!p0 [sflag:s0], s1  }
0x19c: {  	s1 =	ssub.s32 @!p0 $0x0, s1;
	[sflag:s0] =	ssyncset.done @!p0 $0x0  }
0x19d: {  	[sflag:s0] =	ssyncadd.s32 @!p0 s1  }
0x19e: {  	[bflag:$0x3] =	sbarrier.arrive $0xFFFF  }
0x19f: {  	_ =	shalt  }

</sc_bundles>
